<compile_context>
chip_gen: v7x
topology: tpu7x:2x2x1
jax: 0.10.2.dev20260603
libtpu: 0.0.44.dev20260713+nightly
codegen_flags: <defaults>
</compile_context>

<pallas_src>
import functools

import jax
import jax.numpy as jnp
from jax import lax
from jax.experimental import pallas as pl
from jax.experimental.pallas import tpu as pltpu
from jax.experimental.pallas import tpu_sc as plsc

N = 10000
E = 320000
D = 128
H = 256
C = 32

NP = 10240
K = 125
ER = E // K
NC = 2
NS = 16
NW = NC * NS
CH = ER // NW
RT = NP // NS
ZR = 32
SB = 40

RB = 1000
GRID = N // RB
PF = 128


def _sc_agg(table, src2d, dst2d, with_deg):
    F = D
    mesh = plsc.VectorSubcoreMesh(core_axis_name="c", subcore_axis_name="s")
    out_type = [jax.ShapeDtypeStruct((NC, NP, F), jnp.float32)]
    scratch = [
        pltpu.VMEM((SB, K), jnp.int32),
        pltpu.VMEM((SB, K), jnp.int32),
        pltpu.VMEM((K, F), jnp.float32),
        pltpu.VMEM((K, F), jnp.float32),
        pltpu.VMEM((ZR, F), jnp.float32),
        pltpu.VMEM_SHARED((NP, F), jnp.float32),
    ]
    scratch += [pltpu.SemaphoreType.DMA] * 4
    if with_deg:
        out_type.append(jax.ShapeDtypeStruct((NC, NP), jnp.float32))
        scratch += [
            pltpu.VMEM((128,), jnp.float32),
            pltpu.VMEM((RT,), jnp.float32),
            pltpu.VMEM_SHARED((NP,), jnp.float32),
        ]
        scratch += [pltpu.SemaphoreType.DMA] * 2

    def body(table_hbm, src_hbm, dst_hbm, *rest):
        if with_deg:
            (agg_out, deg_out, src_v, dst_v, rows0, rows1, zb, agg_sh,
             g0, g1, s0, s1, ones_v, zdeg, deg_sh, d0, d1) = rest
            dsem = (d0, d1)
        else:
            (agg_out, src_v, dst_v, rows0, rows1, zb, agg_sh,
             g0, g1, s0, s1) = rest
        rows = (rows0, rows1)
        gsem = (g0, g1)
        ssem = (s0, s1)
        cid = lax.axis_index("c")
        sid = lax.axis_index("s")
        wid = sid * NC + cid

        zeros16 = jnp.zeros((16,), jnp.float32)

        def zrow(r, c):
            for cc in range(F // 16):
                zb[r, pl.ds(cc * 16, 16)] = zeros16
            return c
        lax.fori_loop(0, ZR, zrow, 0)
        row0 = sid * RT
        for b in range(RT // ZR):
            pltpu.sync_copy(zb, agg_sh.at[pl.ds(row0 + b * ZR, ZR)])
        if with_deg:
            def zdrow(r, c):
                zdeg[pl.ds(r * 16, 16)] = zeros16
                return c
            lax.fori_loop(0, RT // 16, zdrow, 0)
            pltpu.sync_copy(zdeg, deg_sh.at[pl.ds(row0, RT)])
            ones16 = jnp.ones((16,), jnp.float32)
            for i in range(128 // 16):
                ones_v[pl.ds(i * 16, 16)] = ones16
        plsc.subcore_barrier()

        def gather(j, b):
            pltpu.async_copy(table_hbm.at[src_v.at[j]], rows[b], gsem[b])

        def gather_wait(b):
            pltpu.make_async_copy(table_hbm.at[src_v.at[0]], rows[b],
                                  gsem[b]).wait()

        def scatter(j, b):
            pltpu.async_copy(rows[b], agg_sh.at[dst_v.at[j]], ssem[b],
                             add=True)
            if with_deg:
                pltpu.async_copy(ones_v.at[pl.ds(0, K)],
                                 deg_sh.at[dst_v.at[j]], dsem[b], add=True)

        def scatter_wait(b):
            pltpu.make_async_copy(rows[b], agg_sh.at[dst_v.at[0]],
                                  ssem[b]).wait()
            if with_deg:
                pltpu.make_async_copy(ones_v.at[pl.ds(0, K)],
                                      deg_sh.at[dst_v.at[0]],
                                      dsem[b]).wait()

        for s in range(CH // SB):
            pltpu.sync_copy(src_hbm.at[pl.ds(wid * CH + s * SB, SB)], src_v)
            pltpu.sync_copy(dst_hbm.at[pl.ds(wid * CH + s * SB, SB)], dst_v)
            gather(0, 0)
            gather_wait(0)
            scatter(0, 0)
            gather(1, 1)

            def pair(g, c):
                j = 2 * g + 1
                gather_wait(1)
                scatter(j, 1)
                scatter_wait(0)
                gather(j + 1, 0)
                gather_wait(0)
                scatter(j + 1, 0)
                scatter_wait(1)
                gather(j + 2, 1)
                return c
            lax.fori_loop(0, (SB - 2) // 2, pair, 0)

            gather_wait(1)
            scatter(SB - 1, 1)
            scatter_wait(0)
            scatter_wait(1)

        plsc.subcore_barrier()

        pltpu.sync_copy(agg_sh.at[pl.ds(row0, RT)],
                        agg_out.at[cid, pl.ds(row0, RT)])
        if with_deg:
            pltpu.sync_copy(deg_sh.at[pl.ds(row0, RT)],
                            deg_out.at[cid, pl.ds(row0, RT)])

    fn = functools.partial(pl.kernel, mesh=mesh, out_type=out_type,
                           scratch_types=scratch)(body)
    return fn(table, src2d, dst2d)


def _tc_layer1_body(x_ref, a_ref, d_ref, ws_ref, wn_ref, b_ref, wn2_ref,
                    h_ref, p_ref):
    x = x_ref[...]
    a = a_ref[0] + a_ref[1]
    dinv = 1.0 / jnp.maximum(d_ref[0] + d_ref[1], 1.0)
    hn = jnp.dot(a, wn_ref[...], preferred_element_type=jnp.float32)
    h = (jnp.dot(x, ws_ref[...], preferred_element_type=jnp.float32)
         + dinv * hn + b_ref[...])
    h = jnp.maximum(h, 0.0)
    h_ref[...] = h
    p_ref[...] = jnp.dot(h, wn2_ref[...], preferred_element_type=jnp.float32)


def _tc_layer1(x, aggp, deg3, W_self1, W_neigh1, b1r, W_neigh2):
    return pl.pallas_call(
        _tc_layer1_body,
        grid=(GRID,),
        in_specs=[
            pl.BlockSpec((RB, D), lambda i: (i, 0)),
            pl.BlockSpec((NC, RB, D), lambda i: (0, i, 0)),
            pl.BlockSpec((NC, RB, 1), lambda i: (0, i, 0)),
            pl.BlockSpec((D, H), lambda i: (0, 0)),
            pl.BlockSpec((D, H), lambda i: (0, 0)),
            pl.BlockSpec((1, H), lambda i: (0, 0)),
            pl.BlockSpec((H, PF), lambda i: (0, 0)),
        ],
        out_specs=[
            pl.BlockSpec((RB, H), lambda i: (i, 0)),
            pl.BlockSpec((RB, PF), lambda i: (i, 0)),
        ],
        out_shape=[
            jax.ShapeDtypeStruct((N, H), jnp.float32),
            jax.ShapeDtypeStruct((N, PF), jnp.float32),
        ],
    )(x, aggp, deg3, W_self1, W_neigh1, b1r, W_neigh2)


def _tc_layer2_body(h_ref, a_ref, d_ref, ws_ref, b_ref, o_ref):
    a = a_ref[0, :, :C] + a_ref[1, :, :C]
    dinv = 1.0 / jnp.maximum(d_ref[0] + d_ref[1], 1.0)
    o_ref[...] = (jnp.dot(h_ref[...], ws_ref[...],
                          preferred_element_type=jnp.float32)
                  + dinv * a + b_ref[...])


def _tc_layer2(h, agg2p, deg3, W_self2, b2r):
    return pl.pallas_call(
        _tc_layer2_body,
        grid=(GRID,),
        in_specs=[
            pl.BlockSpec((RB, H), lambda i: (i, 0)),
            pl.BlockSpec((NC, RB, PF), lambda i: (0, i, 0)),
            pl.BlockSpec((NC, RB, 1), lambda i: (0, i, 0)),
            pl.BlockSpec((H, C), lambda i: (0, 0)),
            pl.BlockSpec((1, C), lambda i: (0, 0)),
        ],
        out_specs=pl.BlockSpec((RB, C), lambda i: (i, 0)),
        out_shape=jax.ShapeDtypeStruct((N, C), jnp.float32),
    )(h, agg2p, deg3, W_self2, b2r)


def kernel(features, edge_index, W_self1, W_neigh1, b1, W_self2, W_neigh2,
           b2):
    src2d = edge_index[0].reshape(ER, K)
    dst2d = edge_index[1].reshape(ER, K)

    agg1p, degp = _sc_agg(features, src2d, dst2d, with_deg=True)
    deg3 = degp.reshape(NC, NP, 1)

    wn2p = jnp.pad(W_neigh2, ((0, 0), (0, PF - C)))
    h, p = _tc_layer1(features, agg1p, deg3, W_self1, W_neigh1,
                      b1.reshape(1, H), wn2p)

    (agg2p,) = _sc_agg(p, src2d, dst2d, with_deg=False)

    return _tc_layer2(h, agg2p, deg3, W_self2, b2.reshape(1, C))

# --- scband reference (transcript-rebuilt; emitter-appended) ---
"""Pipeline reference for scband-graph-sage-14053132992855 (READ-ONLY COPY).

The authoritative reference and input builder live on the scoring server;
editing this copy changes nothing except your own understanding.
"""

import jax, jax.numpy as jnp
import numpy as np

N = 10000
E = 320000
D = 128
H = 256
C = 32


def setup_inputs(seed: int = 0) -> dict:
    key = jax.random.key(seed)
    ks = jax.random.split(key, 9)
    x = jax.random.normal(ks[0], (N, D), dtype=jnp.float32)
    edge_index = jax.random.randint(ks[1], (2, E), 0, N, dtype=jnp.int32)
    W_self1 = jax.random.normal(ks[2], (D, H), dtype=jnp.float32) * 0.05
    W_neigh1 = jax.random.normal(ks[3], (D, H), dtype=jnp.float32) * 0.05
    b1 = jnp.zeros((H,), dtype=jnp.float32)
    W_self2 = jax.random.normal(ks[4], (H, C), dtype=jnp.float32) * 0.05
    W_neigh2 = jax.random.normal(ks[5], (H, C), dtype=jnp.float32) * 0.05
    b2 = jnp.zeros((C,), dtype=jnp.float32)
    return {
        "features": x,
        "edge_index": edge_index,
        "W_self1": W_self1,
        "W_neigh1": W_neigh1,
        "b1": b1,
        "W_self2": W_self2,
        "W_neigh2": W_neigh2,
        "b2": b2,
    }


def _sage_conv_mean(x, edge_index, W_self, W_neigh, b):
    # DGL SAGEConv with 'mean' aggregator:
    #   h_neigh = mean over incoming-neighbor features (gather + scatter-add + degree normalize)
    #   out     = x @ W_self + h_neigh @ W_neigh + b
    src = edge_index[0]
    dst = edge_index[1]
    msgs = jnp.take(x, src, axis=0)                       # gather [E, d]
    agg = jax.ops.segment_sum(msgs, dst, num_segments=x.shape[0])  # scatter-add
    deg = jax.ops.segment_sum(jnp.ones((src.shape[0],), dtype=x.dtype), dst,
                              num_segments=x.shape[0])
    h_neigh = agg / jnp.clip(deg, 1.0, None)[:, None]
    return x @ W_self + h_neigh @ W_neigh + b


def reference(features, edge_index, W_self1, W_neigh1, b1, W_self2, W_neigh2, b2):
    # GraphSAGE forward (eval mode: dropout is identity)
    h = _sage_conv_mean(features, edge_index, W_self1, W_neigh1, b1)
    h = jax.nn.relu(h)
    out = _sage_conv_mean(h, edge_index, W_self2, W_neigh2, b2)
    return out

if __name__ == "__main__":
    import jax
    _d = setup_inputs()
    print(jax.jit(kernel)(*tuple(_d.values())))

</pallas_src>

<mosaic_0001>
#map = affine_map<(d0, d1) -> (0, 0)>
#map1 = affine_map<(d0, d1) -> (0, 0, 0)>
module attributes {stable_mosaic.version = 14 : i64} {
  func.func @body(%arg0: i32, %arg1: i32, %arg2: memref<10000x128xf32, #tpu.memory_space<hbm>>, %arg3: memref<2560x125xi32, #tpu.memory_space<hbm>>, %arg4: memref<2560x125xi32, #tpu.memory_space<hbm>>, %arg5: memref<2x10240x128xf32, #tpu.memory_space<hbm>>, %arg6: memref<2x10240xf32, #tpu.memory_space<hbm>>, %arg7: memref<40x125xi32, #tpu.memory_space<vmem>>, %arg8: memref<40x125xi32, #tpu.memory_space<vmem>>, %arg9: memref<125x128xf32, #tpu.memory_space<vmem>>, %arg10: memref<125x128xf32, #tpu.memory_space<vmem>>, %arg11: memref<32x128xf32, #tpu.memory_space<vmem>>, %arg12: memref<10240x128xf32, #tpu.memory_space<vmem_shared>>, %arg13: memref<!tpu.dma_semaphore, #tpu.memory_space<semaphore_mem>>, %arg14: memref<!tpu.dma_semaphore, #tpu.memory_space<semaphore_mem>>, %arg15: memref<!tpu.dma_semaphore, #tpu.memory_space<semaphore_mem>>, %arg16: memref<!tpu.dma_semaphore, #tpu.memory_space<semaphore_mem>>, %arg17: memref<128xf32, #tpu.memory_space<vmem>>, %arg18: memref<640xf32, #tpu.memory_space<vmem>>, %arg19: memref<10240xf32, #tpu.memory_space<vmem_shared>>, %arg20: memref<!tpu.dma_semaphore, #tpu.memory_space<semaphore_mem>>, %arg21: memref<!tpu.dma_semaphore, #tpu.memory_space<semaphore_mem>>) attributes {dimension_semantics = [#tpu.dimension_semantics<core_parallel>, #tpu.dimension_semantics<subcore_parallel>], iteration_bounds = array<i64: 2, 16>, scalar_prefetch = 0 : i64, scratch_operands = 15 : i64, tpu.core_type = #tpu.core_type<sc_vector_subcore>, window_params = [{transform_indices = #map}, {transform_indices = #map}, {transform_indices = #map}, {transform_indices = #map1}, {transform_indices = #map}]} {
    %mul3A = arith.constant 2 : i32
    %mul3A_0 = arith.muli %arg1, %mul3A : i32
    %add3A = arith.addi %mul3A_0, %arg0 : i32
    %broadcast_in_dim3A = arith.constant 0.000000e+00 : f32
    %broadcast_in_dim3A_1 = vector.broadcast %broadcast_in_dim3A : f32 to vector<16xf32>
    %scan3A = arith.constant 0 : i32
    %scan3A_2 = arith.constant 0 : i32
    %scan3A_3 = arith.constant 32 : i32
    %scan3A_4 = arith.addi %scan3A_2, %scan3A_3 : i32
    %scan3A_5 = arith.constant 1 : i32
    scf.for %scan3A_291 = %scan3A_2 to %scan3A_4 step %scan3A_5  : i32 {
      %swap3A_292 = arith.index_cast %scan3A_291 : i32 to index
      %swap3A_293 = arith.constant 0 : index
      %swap3A_294 = tpu.vector_load %arg11[%swap3A_292, %swap3A_293] {strides = array<i32>} : memref<32x128xf32, #tpu.memory_space<vmem>>, vector<1x16xf32>,
      %swap3A_295 = vector.shape_cast %swap3A_294 : vector<1x16xf32> to vector<16xf32>
      %swap3A_296 = vector.shape_cast %broadcast_in_dim3A_1 : vector<16xf32> to vector<1x16xf32>
      tpu.vector_store %arg11[%swap3A_292, %swap3A_293], %swap3A_296 {strides = array<i32>} : memref<32x128xf32, #tpu.memory_space<vmem>>, vector<1x16xf32>,
      %swap3A_297 = arith.index_cast %scan3A_291 : i32 to index
      %swap3A_298 = arith.constant 16 : index
      %swap3A_299 = tpu.vector_load %arg11[%swap3A_297, %swap3A_298] {strides = array<i32>} : memref<32x128xf32, #tpu.memory_space<vmem>>, vector<1x16xf32>,
      %swap3A_300 = vector.shape_cast %swap3A_299 : vector<1x16xf32> to vector<16xf32>
      %swap3A_301 = vector.shape_cast %broadcast_in_dim3A_1 : vector<16xf32> to vector<1x16xf32>
      tpu.vector_store %arg11[%swap3A_297, %swap3A_298], %swap3A_301 {strides = array<i32>} : memref<32x128xf32, #tpu.memory_space<vmem>>, vector<1x16xf32>,
      %swap3A_302 = arith.index_cast %scan3A_291 : i32 to index
      %swap3A_303 = arith.constant 32 : index
      %swap3A_304 = tpu.vector_load %arg11[%swap3A_302, %swap3A_303] {strides = array<i32>} : memref<32x128xf32, #tpu.memory_space<vmem>>, vector<1x16xf32>,
      %swap3A_305 = vector.shape_cast %swap3A_304 : vector<1x16xf32> to vector<16xf32>
      %swap3A_306 = vector.shape_cast %broadcast_in_dim3A_1 : vector<16xf32> to vector<1x16xf32>
      tpu.vector_store %arg11[%swap3A_302, %swap3A_303], %swap3A_306 {strides = array<i32>} : memref<32x128xf32, #tpu.memory_space<vmem>>, vector<1x16xf32>,
      %swap3A_307 = arith.index_cast %scan3A_291 : i32 to index
      %swap3A_308 = arith.constant 48 : index
      %swap3A_309 = tpu.vector_load %arg11[%swap3A_307, %swap3A_308] {strides = array<i32>} : memref<32x128xf32, #tpu.memory_space<vmem>>, vector<1x16xf32>,
      %swap3A_310 = vector.shape_cast %swap3A_309 : vector<1x16xf32> to vector<16xf32>
      %swap3A_311 = vector.shape_cast %broadcast_in_dim3A_1 : vector<16xf32> to vector<1x16xf32>
      tpu.vector_store %arg11[%swap3A_307, %swap3A_308], %swap3A_311 {strides = array<i32>} : memref<32x128xf32, #tpu.memory_space<vmem>>, vector<1x16xf32>,
      %swap3A_312 = arith.index_cast %scan3A_291 : i32 to index
      %swap3A_313 = arith.constant 64 : index
      %swap3A_314 = tpu.vector_load %arg11[%swap3A_312, %swap3A_313] {strides = array<i32>} : memref<32x128xf32, #tpu.memory_space<vmem>>, vector<1x16xf32>,
      %swap3A_315 = vector.shape_cast %swap3A_314 : vector<1x16xf32> to vector<16xf32>
      %swap3A_316 = vector.shape_cast %broadcast_in_dim3A_1 : vector<16xf32> to vector<1x16xf32>
      tpu.vector_store %arg11[%swap3A_312, %swap3A_313], %swap3A_316 {strides = array<i32>} : memref<32x128xf32, #tpu.memory_space<vmem>>, vector<1x16xf32>,
      %swap3A_317 = arith.index_cast %scan3A_291 : i32 to index
      %swap3A_318 = arith.constant 80 : index
      %swap3A_319 = tpu.vector_load %arg11[%swap3A_317, %swap3A_318] {strides = array<i32>} : memref<32x128xf32, #tpu.memory_space<vmem>>, vector<1x16xf32>,
      %swap3A_320 = vector.shape_cast %swap3A_319 : vector<1x16xf32> to vector<16xf32>
      %swap3A_321 = vector.shape_cast %broadcast_in_dim3A_1 : vector<16xf32> to vector<1x16xf32>
      tpu.vector_store %arg11[%swap3A_317, %swap3A_318], %swap3A_321 {strides = array<i32>} : memref<32x128xf32, #tpu.memory_space<vmem>>, vector<1x16xf32>,
      %swap3A_322 = arith.index_cast %scan3A_291 : i32 to index
      %swap3A_323 = arith.constant 96 : index
      %swap3A_324 = tpu.vector_load %arg11[%swap3A_322, %swap3A_323] {strides = array<i32>} : memref<32x128xf32, #tpu.memory_space<vmem>>, vector<1x16xf32>,
      %swap3A_325 = vector.shape_cast %swap3A_324 : vector<1x16xf32> to vector<16xf32>
      %swap3A_326 = vector.shape_cast %broadcast_in_dim3A_1 : vector<16xf32> to vector<1x16xf32>
      tpu.vector_store %arg11[%swap3A_322, %swap3A_323], %swap3A_326 {strides = array<i32>} : memref<32x128xf32, #tpu.memory_space<vmem>>, vector<1x16xf32>,
      %swap3A_327 = arith.index_cast %scan3A_291 : i32 to index
      %swap3A_328 = arith.constant 112 : index
      %swap3A_329 = tpu.vector_load %arg11[%swap3A_327, %swap3A_328] {strides = array<i32>} : memref<32x128xf32, #tpu.memory_space<vmem>>, vector<1x16xf32>,
      %swap3A_330 = vector.shape_cast %swap3A_329 : vector<1x16xf32> to vector<16xf32>
      %swap3A_331 = vector.shape_cast %broadcast_in_dim3A_1 : vector<16xf32> to vector<1x16xf32>
      tpu.vector_store %arg11[%swap3A_327, %swap3A_328], %swap3A_331 {strides = array<i32>} : memref<32x128xf32, #tpu.memory_space<vmem>>, vector<1x16xf32>,
    }
    %scan3A_6 = arith.constant 32 : i32
    %mul3A_7 = arith.constant 640 : i32
    %mul3A_8 = arith.muli %arg1, %mul3A_7 : i32
    %add3A_9 = arith.constant 0 : i32
    %add3A_10 = arith.addi %mul3A_8, %add3A_9 : i32
    "tpu.region"() ({
      %run_scoped3A = tpu.sem_alloc : memref<!tpu.dma_semaphore, #tpu.memory_space<semaphore_mem>>
      %dma_start3A_291 = arith.constant 0 : i32
      %dma_start3A_292 = tpu.memref_slice %arg12[%add3A_10, %dma_start3A_291] : memref<10240x128xf32, #tpu.memory_space<vmem_shared>> -> memref<32x128xf32, #tpu.memory_space<vmem_shared>>
      %dma_start3A_293 = arith.constant 0 : i32
      %dma_start3A_294 = tpu.memref_slice %arg12[%add3A_10, %dma_start3A_293] : memref<10240x128xf32, #tpu.memory_space<vmem_shared>> -> memref<32x128xf32, #tpu.memory_space<vmem_shared>>
      tpu.enqueue_dma source(%arg11 : memref<32x128xf32, #tpu.memory_space<vmem>>) target(%dma_start3A_294 : memref<32x128xf32, #tpu.memory_space<vmem_shared>>) target_semaphore(%run_scoped3A : memref<!tpu.dma_semaphore, #tpu.memory_space<semaphore_mem>>)
      %dma_wait3A_295 = arith.constant 0 : i32
      %dma_wait3A_296 = tpu.memref_slice %arg12[%add3A_10, %dma_wait3A_295] : memref<10240x128xf32, #tpu.memory_space<vmem_shared>> -> memref<32x128xf32, #tpu.memory_space<vmem_shared>>
      %dma_wait3A_297 = arith.constant 0 : i32
      %dma_wait3A_298 = tpu.memref_slice %arg12[%add3A_10, %dma_wait3A_297] : memref<10240x128xf32, #tpu.memory_space<vmem_shared>> -> memref<32x128xf32, #tpu.memory_space<vmem_shared>>
      tpu.wait_dma2 semaphore(%run_scoped3A : memref<!tpu.dma_semaphore, #tpu.memory_space<semaphore_mem>>) src(%arg11 : memref<32x128xf32, #tpu.memory_space<vmem>>) dst(%dma_wait3A_298 : memref<32x128xf32, #tpu.memory_space<vmem_shared>>)
      tpu.yield
    }) : () -> ()
    %add3A_11 = arith.constant 32 : i32
    %add3A_12 = arith.addi %mul3A_8, %add3A_11 : i32
    "tpu.region"() ({
      %run_scoped3A = tpu.sem_alloc : memref<!tpu.dma_semaphore, #tpu.memory_space<semaphore_mem>>
      %dma_start3A_291 = arith.constant 0 : i32
      %dma_start3A_292 = tpu.memref_slice %arg12[%add3A_12, %dma_start3A_291] : memref<10240x128xf32, #tpu.memory_space<vmem_shared>> -> memref<32x128xf32, #tpu.memory_space<vmem_shared>>
      %dma_start3A_293 = arith.constant 0 : i32
      %dma_start3A_294 = tpu.memref_slice %arg12[%add3A_12, %dma_start3A_293] : memref<10240x128xf32, #tpu.memory_space<vmem_shared>> -> memref<32x128xf32, #tpu.memory_space<vmem_shared>>
      tpu.enqueue_dma source(%arg11 : memref<32x128xf32, #tpu.memory_space<vmem>>) target(%dma_start3A_294 : memref<32x128xf32, #tpu.memory_space<vmem_shared>>) target_semaphore(%run_scoped3A : memref<!tpu.dma_semaphore, #tpu.memory_space<semaphore_mem>>)
      %dma_wait3A_295 = arith.constant 0 : i32
      %dma_wait3A_296 = tpu.memref_slice %arg12[%add3A_12, %dma_wait3A_295] : memref<10240x128xf32, #tpu.memory_space<vmem_shared>> -> memref<32x128xf32, #tpu.memory_space<vmem_shared>>
      %dma_wait3A_297 = arith.constant 0 : i32
      %dma_wait3A_298 = tpu.memref_slice %arg12[%add3A_12, %dma_wait3A_297] : memref<10240x128xf32, #tpu.memory_space<vmem_shared>> -> memref<32x128xf32, #tpu.memory_space<vmem_shared>>
      tpu.wait_dma2 semaphore(%run_scoped3A : memref<!tpu.dma_semaphore, #tpu.memory_space<semaphore_mem>>) src(%arg11 : memref<32x128xf32, #tpu.memory_space<vmem>>) dst(%dma_wait3A_298 : memref<32x128xf32, #tpu.memory_space<vmem_shared>>)
      tpu.yield
    }) : () -> ()
    %add3A_13 = arith.constant 64 : i32
    %add3A_14 = arith.addi %mul3A_8, %add3A_13 : i32
    "tpu.region"() ({
      %run_scoped3A = tpu.sem_alloc : memref<!tpu.dma_semaphore, #tpu.memory_space<semaphore_mem>>
      %dma_start3A_291 = arith.constant 0 : i32
      %dma_start3A_292 = tpu.memref_slice %arg12[%add3A_14, %dma_start3A_291] : memref<10240x128xf32, #tpu.memory_space<vmem_shared>> -> memref<32x128xf32, #tpu.memory_space<vmem_shared>>
      %dma_start3A_293 = arith.constant 0 : i32
      %dma_start3A_294 = tpu.memref_slice %arg12[%add3A_14, %dma_start3A_293] : memref<10240x128xf32, #tpu.memory_space<vmem_shared>> -> memref<32x128xf32, #tpu.memory_space<vmem_shared>>
      tpu.enqueue_dma source(%arg11 : memref<32x128xf32, #tpu.memory_space<vmem>>) target(%dma_start3A_294 : memref<32x128xf32, #tpu.memory_space<vmem_shared>>) target_semaphore(%run_scoped3A : memref<!tpu.dma_semaphore, #tpu.memory_space<semaphore_mem>>)
      %dma_wait3A_295 = arith.constant 0 : i32
      %dma_wait3A_296 = tpu.memref_slice %arg12[%add3A_14, %dma_wait3A_295] : memref<10240x128xf32, #tpu.memory_space<vmem_shared>> -> memref<32x128xf32, #tpu.memory_space<vmem_shared>>
      %dma_wait3A_297 = arith.constant 0 : i32
      %dma_wait3A_298 = tpu.memref_slice %arg12[%add3A_14, %dma_wait3A_297] : memref<10240x128xf32, #tpu.memory_space<vmem_shared>> -> memref<32x128xf32, #tpu.memory_space<vmem_shared>>
      tpu.wait_dma2 semaphore(%run_scoped3A : memref<!tpu.dma_semaphore, #tpu.memory_space<semaphore_mem>>) src(%arg11 : memref<32x128xf32, #tpu.memory_space<vmem>>) dst(%dma_wait3A_298 : memref<32x128xf32, #tpu.memory_space<vmem_shared>>)
      tpu.yield
    }) : () -> ()
    %add3A_15 = arith.constant 96 : i32
    %add3A_16 = arith.addi %mul3A_8, %add3A_15 : i32
    "tpu.region"() ({
      %run_scoped3A = tpu.sem_alloc : memref<!tpu.dma_semaphore, #tpu.memory_space<semaphore_mem>>
      %dma_start3A_291 = arith.constant 0 : i32
      %dma_start3A_292 = tpu.memref_slice %arg12[%add3A_16, %dma_start3A_291] : memref<10240x128xf32, #tpu.memory_space<vmem_shared>> -> memref<32x128xf32, #tpu.memory_space<vmem_shared>>
      %dma_start3A_293 = arith.constant 0 : i32
      %dma_start3A_294 = tpu.memref_slice %arg12[%add3A_16, %dma_start3A_293] : memref<10240x128xf32, #tpu.memory_space<vmem_shared>> -> memref<32x128xf32, #tpu.memory_space<vmem_shared>>
      tpu.enqueue_dma source(%arg11 : memref<32x128xf32, #tpu.memory_space<vmem>>) target(%dma_start3A_294 : memref<32x128xf32, #tpu.memory_space<vmem_shared>>) target_semaphore(%run_scoped3A : memref<!tpu.dma_semaphore, #tpu.memory_space<semaphore_mem>>)
      %dma_wait3A_295 = arith.constant 0 : i32
      %dma_wait3A_296 = tpu.memref_slice %arg12[%add3A_16, %dma_wait3A_295] : memref<10240x128xf32, #tpu.memory_space<vmem_shared>> -> memref<32x128xf32, #tpu.memory_space<vmem_shared>>
      %dma_wait3A_297 = arith.constant 0 : i32
      %dma_wait3A_298 = tpu.memref_slice %arg12[%add3A_16, %dma_wait3A_297] : memref<10240x128xf32, #tpu.memory_space<vmem_shared>> -> memref<32x128xf32, #tpu.memory_space<vmem_shared>>
      tpu.wait_dma2 semaphore(%run_scoped3A : memref<!tpu.dma_semaphore, #tpu.memory_space<semaphore_mem>>) src(%arg11 : memref<32x128xf32, #tpu.memory_space<vmem>>) dst(%dma_wait3A_298 : memref<32x128xf32, #tpu.memory_space<vmem_shared>>)
      tpu.yield
    }) : () -> ()
    %add3A_17 = arith.constant 128 : i32
    %add3A_18 = arith.addi %mul3A_8, %add3A_17 : i32
    "tpu.region"() ({
      %run_scoped3A = tpu.sem_alloc : memref<!tpu.dma_semaphore, #tpu.memory_space<semaphore_mem>>
      %dma_start3A_291 = arith.constant 0 : i32
      %dma_start3A_292 = tpu.memref_slice %arg12[%add3A_18, %dma_start3A_291] : memref<10240x128xf32, #tpu.memory_space<vmem_shared>> -> memref<32x128xf32, #tpu.memory_space<vmem_shared>>
      %dma_start3A_293 = arith.constant 0 : i32
      %dma_start3A_294 = tpu.memref_slice %arg12[%add3A_18, %dma_start3A_293] : memref<10240x128xf32, #tpu.memory_space<vmem_shared>> -> memref<32x128xf32, #tpu.memory_space<vmem_shared>>
      tpu.enqueue_dma source(%arg11 : memref<32x128xf32, #tpu.memory_space<vmem>>) target(%dma_start3A_294 : memref<32x128xf32, #tpu.memory_space<vmem_shared>>) target_semaphore(%run_scoped3A : memref<!tpu.dma_semaphore, #tpu.memory_space<semaphore_mem>>)
      %dma_wait3A_295 = arith.constant 0 : i32
      %dma_wait3A_296 = tpu.memref_slice %arg12[%add3A_18, %dma_wait3A_295] : memref<10240x128xf32, #tpu.memory_space<vmem_shared>> -> memref<32x128xf32, #tpu.memory_space<vmem_shared>>
      %dma_wait3A_297 = arith.constant 0 : i32
      %dma_wait3A_298 = tpu.memref_slice %arg12[%add3A_18, %dma_wait3A_297] : memref<10240x128xf32, #tpu.memory_space<vmem_shared>> -> memref<32x128xf32, #tpu.memory_space<vmem_shared>>
      tpu.wait_dma2 semaphore(%run_scoped3A : memref<!tpu.dma_semaphore, #tpu.memory_space<semaphore_mem>>) src(%arg11 : memref<32x128xf32, #tpu.memory_space<vmem>>) dst(%dma_wait3A_298 : memref<32x128xf32, #tpu.memory_space<vmem_shared>>)
      tpu.yield
    }) : () -> ()
    %add3A_19 = arith.constant 160 : i32
    %add3A_20 = arith.addi %mul3A_8, %add3A_19 : i32
    "tpu.region"() ({
      %run_scoped3A = tpu.sem_alloc : memref<!tpu.dma_semaphore, #tpu.memory_space<semaphore_mem>>
      %dma_start3A_291 = arith.constant 0 : i32
      %dma_start3A_292 = tpu.memref_slice %arg12[%add3A_20, %dma_start3A_291] : memref<10240x128xf32, #tpu.memory_space<vmem_shared>> -> memref<32x128xf32, #tpu.memory_space<vmem_shared>>
      %dma_start3A_293 = arith.constant 0 : i32
      %dma_start3A_294 = tpu.memref_slice %arg12[%add3A_20, %dma_start3A_293] : memref<10240x128xf32, #tpu.memory_space<vmem_shared>> -> memref<32x128xf32, #tpu.memory_space<vmem_shared>>
      tpu.enqueue_dma source(%arg11 : memref<32x128xf32, #tpu.memory_space<vmem>>) target(%dma_start3A_294 : memref<32x128xf32, #tpu.memory_space<vmem_shared>>) target_semaphore(%run_scoped3A : memref<!tpu.dma_semaphore, #tpu.memory_space<semaphore_mem>>)
      %dma_wait3A_295 = arith.constant 0 : i32
      %dma_wait3A_296 = tpu.memref_slice %arg12[%add3A_20, %dma_wait3A_295] : memref<10240x128xf32, #tpu.memory_space<vmem_shared>> -> memref<32x128xf32, #tpu.memory_space<vmem_shared>>
      %dma_wait3A_297 = arith.constant 0 : i32
      %dma_wait3A_298 = tpu.memref_slice %arg12[%add3A_20, %dma_wait3A_297] : memref<10240x128xf32, #tpu.memory_space<vmem_shared>> -> memref<32x128xf32, #tpu.memory_space<vmem_shared>>
      tpu.wait_dma2 semaphore(%run_scoped3A : memref<!tpu.dma_semaphore, #tpu.memory_space<semaphore_mem>>) src(%arg11 : memref<32x128xf32, #tpu.memory_space<vmem>>) dst(%dma_wait3A_298 : memref<32x128xf32, #tpu.memory_space<vmem_shared>>)
      tpu.yield
    }) : () -> ()
    %add3A_21 = arith.constant 192 : i32
    %add3A_22 = arith.addi %mul3A_8, %add3A_21 : i32
    "tpu.region"() ({
      %run_scoped3A = tpu.sem_alloc : memref<!tpu.dma_semaphore, #tpu.memory_space<semaphore_mem>>
      %dma_start3A_291 = arith.constant 0 : i32
      %dma_start3A_292 = tpu.memref_slice %arg12[%add3A_22, %dma_start3A_291] : memref<10240x128xf32, #tpu.memory_space<vmem_shared>> -> memref<32x128xf32, #tpu.memory_space<vmem_shared>>
      %dma_start3A_293 = arith.constant 0 : i32
      %dma_start3A_294 = tpu.memref_slice %arg12[%add3A_22, %dma_start3A_293] : memref<10240x128xf32, #tpu.memory_space<vmem_shared>> -> memref<32x128xf32, #tpu.memory_space<vmem_shared>>
      tpu.enqueue_dma source(%arg11 : memref<32x128xf32, #tpu.memory_space<vmem>>) target(%dma_start3A_294 : memref<32x128xf32, #tpu.memory_space<vmem_shared>>) target_semaphore(%run_scoped3A : memref<!tpu.dma_semaphore, #tpu.memory_space<semaphore_mem>>)
      %dma_wait3A_295 = arith.constant 0 : i32
      %dma_wait3A_296 = tpu.memref_slice %arg12[%add3A_22, %dma_wait3A_295] : memref<10240x128xf32, #tpu.memory_space<vmem_shared>> -> memref<32x128xf32, #tpu.memory_space<vmem_shared>>
      %dma_wait3A_297 = arith.constant 0 : i32
      %dma_wait3A_298 = tpu.memref_slice %arg12[%add3A_22, %dma_wait3A_297] : memref<10240x128xf32, #tpu.memory_space<vmem_shared>> -> memref<32x128xf32, #tpu.memory_space<vmem_shared>>
      tpu.wait_dma2 semaphore(%run_scoped3A : memref<!tpu.dma_semaphore, #tpu.memory_space<semaphore_mem>>) src(%arg11 : memref<32x128xf32, #tpu.memory_space<vmem>>) dst(%dma_wait3A_298 : memref<32x128xf32, #tpu.memory_space<vmem_shared>>)
      tpu.yield
    }) : () -> ()
    %add3A_23 = arith.constant 224 : i32
    %add3A_24 = arith.addi %mul3A_8, %add3A_23 : i32
    "tpu.region"() ({
      %run_scoped3A = tpu.sem_alloc : memref<!tpu.dma_semaphore, #tpu.memory_space<semaphore_mem>>
      %dma_start3A_291 = arith.constant 0 : i32
      %dma_start3A_292 = tpu.memref_slice %arg12[%add3A_24, %dma_start3A_291] : memref<10240x128xf32, #tpu.memory_space<vmem_shared>> -> memref<32x128xf32, #tpu.memory_space<vmem_shared>>
      %dma_start3A_293 = arith.constant 0 : i32
      %dma_start3A_294 = tpu.memref_slice %arg12[%add3A_24, %dma_start3A_293] : memref<10240x128xf32, #tpu.memory_space<vmem_shared>> -> memref<32x128xf32, #tpu.memory_space<vmem_shared>>
      tpu.enqueue_dma source(%arg11 : memref<32x128xf32, #tpu.memory_space<vmem>>) target(%dma_start3A_294 : memref<32x128xf32, #tpu.memory_space<vmem_shared>>) target_semaphore(%run_scoped3A : memref<!tpu.dma_semaphore, #tpu.memory_space<semaphore_mem>>)
      %dma_wait3A_295 = arith.constant 0 : i32
      %dma_wait3A_296 = tpu.memref_slice %arg12[%add3A_24, %dma_wait3A_295] : memref<10240x128xf32, #tpu.memory_space<vmem_shared>> -> memref<32x128xf32, #tpu.memory_space<vmem_shared>>
      %dma_wait3A_297 = arith.constant 0 : i32
      %dma_wait3A_298 = tpu.memref_slice %arg12[%add3A_24, %dma_wait3A_297] : memref<10240x128xf32, #tpu.memory_space<vmem_shared>> -> memref<32x128xf32, #tpu.memory_space<vmem_shared>>
      tpu.wait_dma2 semaphore(%run_scoped3A : memref<!tpu.dma_semaphore, #tpu.memory_space<semaphore_mem>>) src(%arg11 : memref<32x128xf32, #tpu.memory_space<vmem>>) dst(%dma_wait3A_298 : memref<32x128xf32, #tpu.memory_space<vmem_shared>>)
      tpu.yield
    }) : () -> ()
    %add3A_25 = arith.constant 256 : i32
    %add3A_26 = arith.addi %mul3A_8, %add3A_25 : i32
    "tpu.region"() ({
      %run_scoped3A = tpu.sem_alloc : memref<!tpu.dma_semaphore, #tpu.memory_space<semaphore_mem>>
      %dma_start3A_291 = arith.constant 0 : i32
      %dma_start3A_292 = tpu.memref_slice %arg12[%add3A_26, %dma_start3A_291] : memref<10240x128xf32, #tpu.memory_space<vmem_shared>> -> memref<32x128xf32, #tpu.memory_space<vmem_shared>>
      %dma_start3A_293 = arith.constant 0 : i32
      %dma_start3A_294 = tpu.memref_slice %arg12[%add3A_26, %dma_start3A_293] : memref<10240x128xf32, #tpu.memory_space<vmem_shared>> -> memref<32x128xf32, #tpu.memory_space<vmem_shared>>
      tpu.enqueue_dma source(%arg11 : memref<32x128xf32, #tpu.memory_space<vmem>>) target(%dma_start3A_294 : memref<32x128xf32, #tpu.memory_space<vmem_shared>>) target_semaphore(%run_scoped3A : memref<!tpu.dma_semaphore, #tpu.memory_space<semaphore_mem>>)
      %dma_wait3A_295 = arith.constant 0 : i32
      %dma_wait3A_296 = tpu.memref_slice %arg12[%add3A_26, %dma_wait3A_295] : memref<10240x128xf32, #tpu.memory_space<vmem_shared>> -> memref<32x128xf32, #tpu.memory_space<vmem_shared>>
      %dma_wait3A_297 = arith.constant 0 : i32
      %dma_wait3A_298 = tpu.memref_slice %arg12[%add3A_26, %dma_wait3A_297] : memref<10240x128xf32, #tpu.memory_space<vmem_shared>> -> memref<32x128xf32, #tpu.memory_space<vmem_shared>>
      tpu.wait_dma2 semaphore(%run_scoped3A : memref<!tpu.dma_semaphore, #tpu.memory_space<semaphore_mem>>) src(%arg11 : memref<32x128xf32, #tpu.memory_space<vmem>>) dst(%dma_wait3A_298 : memref<32x128xf32, #tpu.memory_space<vmem_shared>>)
      tpu.yield
    }) : () -> ()
    %add3A_27 = arith.constant 288 : i32
    %add3A_28 = arith.addi %mul3A_8, %add3A_27 : i32
    "tpu.region"() ({
      %run_scoped3A = tpu.sem_alloc : memref<!tpu.dma_semaphore, #tpu.memory_space<semaphore_mem>>
      %dma_start3A_291 = arith.constant 0 : i32
      %dma_start3A_292 = tpu.memref_slice %arg12[%add3A_28, %dma_start3A_291] : memref<10240x128xf32, #tpu.memory_space<vmem_shared>> -> memref<32x128xf32, #tpu.memory_space<vmem_shared>>
      %dma_start3A_293 = arith.constant 0 : i32
      %dma_start3A_294 = tpu.memref_slice %arg12[%add3A_28, %dma_start3A_293] : memref<10240x128xf32, #tpu.memory_space<vmem_shared>> -> memref<32x128xf32, #tpu.memory_space<vmem_shared>>
      tpu.enqueue_dma source(%arg11 : memref<32x128xf32, #tpu.memory_space<vmem>>) target(%dma_start3A_294 : memref<32x128xf32, #tpu.memory_space<vmem_shared>>) target_semaphore(%run_scoped3A : memref<!tpu.dma_semaphore, #tpu.memory_space<semaphore_mem>>)
      %dma_wait3A_295 = arith.constant 0 : i32
      %dma_wait3A_296 = tpu.memref_slice %arg12[%add3A_28, %dma_wait3A_295] : memref<10240x128xf32, #tpu.memory_space<vmem_shared>> -> memref<32x128xf32, #tpu.memory_space<vmem_shared>>
      %dma_wait3A_297 = arith.constant 0 : i32
      %dma_wait3A_298 = tpu.memref_slice %arg12[%add3A_28, %dma_wait3A_297] : memref<10240x128xf32, #tpu.memory_space<vmem_shared>> -> memref<32x128xf32, #tpu.memory_space<vmem_shared>>
      tpu.wait_dma2 semaphore(%run_scoped3A : memref<!tpu.dma_semaphore, #tpu.memory_space<semaphore_mem>>) src(%arg11 : memref<32x128xf32, #tpu.memory_space<vmem>>) dst(%dma_wait3A_298 : memref<32x128xf32, #tpu.memory_space<vmem_shared>>)
      tpu.yield
    }) : () -> ()
    %add3A_29 = arith.constant 320 : i32
    %add3A_30 = arith.addi %mul3A_8, %add3A_29 : i32
    "tpu.region"() ({
      %run_scoped3A = tpu.sem_alloc : memref<!tpu.dma_semaphore, #tpu.memory_space<semaphore_mem>>
      %dma_start3A_291 = arith.constant 0 : i32
      %dma_start3A_292 = tpu.memref_slice %arg12[%add3A_30, %dma_start3A_291] : memref<10240x128xf32, #tpu.memory_space<vmem_shared>> -> memref<32x128xf32, #tpu.memory_space<vmem_shared>>
      %dma_start3A_293 = arith.constant 0 : i32
      %dma_start3A_294 = tpu.memref_slice %arg12[%add3A_30, %dma_start3A_293] : memref<10240x128xf32, #tpu.memory_space<vmem_shared>> -> memref<32x128xf32, #tpu.memory_space<vmem_shared>>
      tpu.enqueue_dma source(%arg11 : memref<32x128xf32, #tpu.memory_space<vmem>>) target(%dma_start3A_294 : memref<32x128xf32, #tpu.memory_space<vmem_shared>>) target_semaphore(%run_scoped3A : memref<!tpu.dma_semaphore, #tpu.memory_space<semaphore_mem>>)
      %dma_wait3A_295 = arith.constant 0 : i32
      %dma_wait3A_296 = tpu.memref_slice %arg12[%add3A_30, %dma_wait3A_295] : memref<10240x128xf32, #tpu.memory_space<vmem_shared>> -> memref<32x128xf32, #tpu.memory_space<vmem_shared>>
      %dma_wait3A_297 = arith.constant 0 : i32
      %dma_wait3A_298 = tpu.memref_slice %arg12[%add3A_30, %dma_wait3A_297] : memref<10240x128xf32, #tpu.memory_space<vmem_shared>> -> memref<32x128xf32, #tpu.memory_space<vmem_shared>>
      tpu.wait_dma2 semaphore(%run_scoped3A : memref<!tpu.dma_semaphore, #tpu.memory_space<semaphore_mem>>) src(%arg11 : memref<32x128xf32, #tpu.memory_space<vmem>>) dst(%dma_wait3A_298 : memref<32x128xf32, #tpu.memory_space<vmem_shared>>)
      tpu.yield
    }) : () -> ()
    %add3A_31 = arith.constant 352 : i32
    %add3A_32 = arith.addi %mul3A_8, %add3A_31 : i32
    "tpu.region"() ({
      %run_scoped3A = tpu.sem_alloc : memref<!tpu.dma_semaphore, #tpu.memory_space<semaphore_mem>>
      %dma_start3A_291 = arith.constant 0 : i32
      %dma_start3A_292 = tpu.memref_slice %arg12[%add3A_32, %dma_start3A_291] : memref<10240x128xf32, #tpu.memory_space<vmem_shared>> -> memref<32x128xf32, #tpu.memory_space<vmem_shared>>
      %dma_start3A_293 = arith.constant 0 : i32
      %dma_start3A_294 = tpu.memref_slice %arg12[%add3A_32, %dma_start3A_293] : memref<10240x128xf32, #tpu.memory_space<vmem_shared>> -> memref<32x128xf32, #tpu.memory_space<vmem_shared>>
      tpu.enqueue_dma source(%arg11 : memref<32x128xf32, #tpu.memory_space<vmem>>) target(%dma_start3A_294 : memref<32x128xf32, #tpu.memory_space<vmem_shared>>) target_semaphore(%run_scoped3A : memref<!tpu.dma_semaphore, #tpu.memory_space<semaphore_mem>>)
      %dma_wait3A_295 = arith.constant 0 : i32
      %dma_wait3A_296 = tpu.memref_slice %arg12[%add3A_32, %dma_wait3A_295] : memref<10240x128xf32, #tpu.memory_space<vmem_shared>> -> memref<32x128xf32, #tpu.memory_space<vmem_shared>>
      %dma_wait3A_297 = arith.constant 0 : i32
      %dma_wait3A_298 = tpu.memref_slice %arg12[%add3A_32, %dma_wait3A_297] : memref<10240x128xf32, #tpu.memory_space<vmem_shared>> -> memref<32x128xf32, #tpu.memory_space<vmem_shared>>
      tpu.wait_dma2 semaphore(%run_scoped3A : memref<!tpu.dma_semaphore, #tpu.memory_space<semaphore_mem>>) src(%arg11 : memref<32x128xf32, #tpu.memory_space<vmem>>) dst(%dma_wait3A_298 : memref<32x128xf32, #tpu.memory_space<vmem_shared>>)
      tpu.yield
    }) : () -> ()
    %add3A_33 = arith.constant 384 : i32
    %add3A_34 = arith.addi %mul3A_8, %add3A_33 : i32
    "tpu.region"() ({
      %run_scoped3A = tpu.sem_alloc : memref<!tpu.dma_semaphore, #tpu.memory_space<semaphore_mem>>
      %dma_start3A_291 = arith.constant 0 : i32
      %dma_start3A_292 = tpu.memref_slice %arg12[%add3A_34, %dma_start3A_291] : memref<10240x128xf32, #tpu.memory_space<vmem_shared>> -> memref<32x128xf32, #tpu.memory_space<vmem_shared>>
      %dma_start3A_293 = arith.constant 0 : i32
      %dma_start3A_294 = tpu.memref_slice %arg12[%add3A_34, %dma_start3A_293] : memref<10240x128xf32, #tpu.memory_space<vmem_shared>> -> memref<32x128xf32, #tpu.memory_space<vmem_shared>>
      tpu.enqueue_dma source(%arg11 : memref<32x128xf32, #tpu.memory_space<vmem>>) target(%dma_start3A_294 : memref<32x128xf32, #tpu.memory_space<vmem_shared>>) target_semaphore(%run_scoped3A : memref<!tpu.dma_semaphore, #tpu.memory_space<semaphore_mem>>)
      %dma_wait3A_295 = arith.constant 0 : i32
      %dma_wait3A_296 = tpu.memref_slice %arg12[%add3A_34, %dma_wait3A_295] : memref<10240x128xf32, #tpu.memory_space<vmem_shared>> -> memref<32x128xf32, #tpu.memory_space<vmem_shared>>
      %dma_wait3A_297 = arith.constant 0 : i32
      %dma_wait3A_298 = tpu.memref_slice %arg12[%add3A_34, %dma_wait3A_297] : memref<10240x128xf32, #tpu.memory_space<vmem_shared>> -> memref<32x128xf32, #tpu.memory_space<vmem_shared>>
      tpu.wait_dma2 semaphore(%run_scoped3A : memref<!tpu.dma_semaphore, #tpu.memory_space<semaphore_mem>>) src(%arg11 : memref<32x128xf32, #tpu.memory_space<vmem>>) dst(%dma_wait3A_298 : memref<32x128xf32, #tpu.memory_space<vmem_shared>>)
      tpu.yield
    }) : () -> ()
    %add3A_35 = arith.constant 416 : i32
    %add3A_36 = arith.addi %mul3A_8, %add3A_35 : i32
    "tpu.region"() ({
      %run_scoped3A = tpu.sem_alloc : memref<!tpu.dma_semaphore, #tpu.memory_space<semaphore_mem>>
      %dma_start3A_291 = arith.constant 0 : i32
      %dma_start3A_292 = tpu.memref_slice %arg12[%add3A_36, %dma_start3A_291] : memref<10240x128xf32, #tpu.memory_space<vmem_shared>> -> memref<32x128xf32, #tpu.memory_space<vmem_shared>>
      %dma_start3A_293 = arith.constant 0 : i32
      %dma_start3A_294 = tpu.memref_slice %arg12[%add3A_36, %dma_start3A_293] : memref<10240x128xf32, #tpu.memory_space<vmem_shared>> -> memref<32x128xf32, #tpu.memory_space<vmem_shared>>
      tpu.enqueue_dma source(%arg11 : memref<32x128xf32, #tpu.memory_space<vmem>>) target(%dma_start3A_294 : memref<32x128xf32, #tpu.memory_space<vmem_shared>>) target_semaphore(%run_scoped3A : memref<!tpu.dma_semaphore, #tpu.memory_space<semaphore_mem>>)
      %dma_wait3A_295 = arith.constant 0 : i32
      %dma_wait3A_296 = tpu.memref_slice %arg12[%add3A_36, %dma_wait3A_295] : memref<10240x128xf32, #tpu.memory_space<vmem_shared>> -> memref<32x128xf32, #tpu.memory_space<vmem_shared>>
      %dma_wait3A_297 = arith.constant 0 : i32
      %dma_wait3A_298 = tpu.memref_slice %arg12[%add3A_36, %dma_wait3A_297] : memref<10240x128xf32, #tpu.memory_space<vmem_shared>> -> memref<32x128xf32, #tpu.memory_space<vmem_shared>>
      tpu.wait_dma2 semaphore(%run_scoped3A : memref<!tpu.dma_semaphore, #tpu.memory_space<semaphore_mem>>) src(%arg11 : memref<32x128xf32, #tpu.memory_space<vmem>>) dst(%dma_wait3A_298 : memref<32x128xf32, #tpu.memory_space<vmem_shared>>)
      tpu.yield
    }) : () -> ()
    %add3A_37 = arith.constant 448 : i32
    %add3A_38 = arith.addi %mul3A_8, %add3A_37 : i32
    "tpu.region"() ({
      %run_scoped3A = tpu.sem_alloc : memref<!tpu.dma_semaphore, #tpu.memory_space<semaphore_mem>>
      %dma_start3A_291 = arith.constant 0 : i32
      %dma_start3A_292 = tpu.memref_slice %arg12[%add3A_38, %dma_start3A_291] : memref<10240x128xf32, #tpu.memory_space<vmem_shared>> -> memref<32x128xf32, #tpu.memory_space<vmem_shared>>
      %dma_start3A_293 = arith.constant 0 : i32
      %dma_start3A_294 = tpu.memref_slice %arg12[%add3A_38, %dma_start3A_293] : memref<10240x128xf32, #tpu.memory_space<vmem_shared>> -> memref<32x128xf32, #tpu.memory_space<vmem_shared>>
      tpu.enqueue_dma source(%arg11 : memref<32x128xf32, #tpu.memory_space<vmem>>) target(%dma_start3A_294 : memref<32x128xf32, #tpu.memory_space<vmem_shared>>) target_semaphore(%run_scoped3A : memref<!tpu.dma_semaphore, #tpu.memory_space<semaphore_mem>>)
      %dma_wait3A_295 = arith.constant 0 : i32
      %dma_wait3A_296 = tpu.memref_slice %arg12[%add3A_38, %dma_wait3A_295] : memref<10240x128xf32, #tpu.memory_space<vmem_shared>> -> memref<32x128xf32, #tpu.memory_space<vmem_shared>>
      %dma_wait3A_297 = arith.constant 0 : i32
      %dma_wait3A_298 = tpu.memref_slice %arg12[%add3A_38, %dma_wait3A_297] : memref<10240x128xf32, #tpu.memory_space<vmem_shared>> -> memref<32x128xf32, #tpu.memory_space<vmem_shared>>
      tpu.wait_dma2 semaphore(%run_scoped3A : memref<!tpu.dma_semaphore, #tpu.memory_space<semaphore_mem>>) src(%arg11 : memref<32x128xf32, #tpu.memory_space<vmem>>) dst(%dma_wait3A_298 : memref<32x128xf32, #tpu.memory_space<vmem_shared>>)
      tpu.yield
    }) : () -> ()
    %add3A_39 = arith.constant 480 : i32
    %add3A_40 = arith.addi %mul3A_8, %add3A_39 : i32
    "tpu.region"() ({
      %run_scoped3A = tpu.sem_alloc : memref<!tpu.dma_semaphore, #tpu.memory_space<semaphore_mem>>
      %dma_start3A_291 = arith.constant 0 : i32
      %dma_start3A_292 = tpu.memref_slice %arg12[%add3A_40, %dma_start3A_291] : memref<10240x128xf32, #tpu.memory_space<vmem_shared>> -> memref<32x128xf32, #tpu.memory_space<vmem_shared>>
      %dma_start3A_293 = arith.constant 0 : i32
      %dma_start3A_294 = tpu.memref_slice %arg12[%add3A_40, %dma_start3A_293] : memref<10240x128xf32, #tpu.memory_space<vmem_shared>> -> memref<32x128xf32, #tpu.memory_space<vmem_shared>>
      tpu.enqueue_dma source(%arg11 : memref<32x128xf32, #tpu.memory_space<vmem>>) target(%dma_start3A_294 : memref<32x128xf32, #tpu.memory_space<vmem_shared>>) target_semaphore(%run_scoped3A : memref<!tpu.dma_semaphore, #tpu.memory_space<semaphore_mem>>)
      %dma_wait3A_295 = arith.constant 0 : i32
      %dma_wait3A_296 = tpu.memref_slice %arg12[%add3A_40, %dma_wait3A_295] : memref<10240x128xf32, #tpu.memory_space<vmem_shared>> -> memref<32x128xf32, #tpu.memory_space<vmem_shared>>
      %dma_wait3A_297 = arith.constant 0 : i32
      %dma_wait3A_298 = tpu.memref_slice %arg12[%add3A_40, %dma_wait3A_297] : memref<10240x128xf32, #tpu.memory_space<vmem_shared>> -> memref<32x128xf32, #tpu.memory_space<vmem_shared>>
      tpu.wait_dma2 semaphore(%run_scoped3A : memref<!tpu.dma_semaphore, #tpu.memory_space<semaphore_mem>>) src(%arg11 : memref<32x128xf32, #tpu.memory_space<vmem>>) dst(%dma_wait3A_298 : memref<32x128xf32, #tpu.memory_space<vmem_shared>>)
      tpu.yield
    }) : () -> ()
    %add3A_41 = arith.constant 512 : i32
    %add3A_42 = arith.addi %mul3A_8, %add3A_41 : i32
    "tpu.region"() ({
      %run_scoped3A = tpu.sem_alloc : memref<!tpu.dma_semaphore, #tpu.memory_space<semaphore_mem>>
      %dma_start3A_291 = arith.constant 0 : i32
      %dma_start3A_292 = tpu.memref_slice %arg12[%add3A_42, %dma_start3A_291] : memref<10240x128xf32, #tpu.memory_space<vmem_shared>> -> memref<32x128xf32, #tpu.memory_space<vmem_shared>>
      %dma_start3A_293 = arith.constant 0 : i32
      %dma_start3A_294 = tpu.memref_slice %arg12[%add3A_42, %dma_start3A_293] : memref<10240x128xf32, #tpu.memory_space<vmem_shared>> -> memref<32x128xf32, #tpu.memory_space<vmem_shared>>
      tpu.enqueue_dma source(%arg11 : memref<32x128xf32, #tpu.memory_space<vmem>>) target(%dma_start3A_294 : memref<32x128xf32, #tpu.memory_space<vmem_shared>>) target_semaphore(%run_scoped3A : memref<!tpu.dma_semaphore, #tpu.memory_space<semaphore_mem>>)
      %dma_wait3A_295 = arith.constant 0 : i32
      %dma_wait3A_296 = tpu.memref_slice %arg12[%add3A_42, %dma_wait3A_295] : memref<10240x128xf32, #tpu.memory_space<vmem_shared>> -> memref<32x128xf32, #tpu.memory_space<vmem_shared>>
      %dma_wait3A_297 = arith.constant 0 : i32
      %dma_wait3A_298 = tpu.memref_slice %arg12[%add3A_42, %dma_wait3A_297] : memref<10240x128xf32, #tpu.memory_space<vmem_shared>> -> memref<32x128xf32, #tpu.memory_space<vmem_shared>>
      tpu.wait_dma2 semaphore(%run_scoped3A : memref<!tpu.dma_semaphore, #tpu.memory_space<semaphore_mem>>) src(%arg11 : memref<32x128xf32, #tpu.memory_space<vmem>>) dst(%dma_wait3A_298 : memref<32x128xf32, #tpu.memory_space<vmem_shared>>)
      tpu.yield
    }) : () -> ()
    %add3A_43 = arith.constant 544 : i32
    %add3A_44 = arith.addi %mul3A_8, %add3A_43 : i32
    "tpu.region"() ({
      %run_scoped3A = tpu.sem_alloc : memref<!tpu.dma_semaphore, #tpu.memory_space<semaphore_mem>>
      %dma_start3A_291 = arith.constant 0 : i32
      %dma_start3A_292 = tpu.memref_slice %arg12[%add3A_44, %dma_start3A_291] : memref<10240x128xf32, #tpu.memory_space<vmem_shared>> -> memref<32x128xf32, #tpu.memory_space<vmem_shared>>
      %dma_start3A_293 = arith.constant 0 : i32
      %dma_start3A_294 = tpu.memref_slice %arg12[%add3A_44, %dma_start3A_293] : memref<10240x128xf32, #tpu.memory_space<vmem_shared>> -> memref<32x128xf32, #tpu.memory_space<vmem_shared>>
      tpu.enqueue_dma source(%arg11 : memref<32x128xf32, #tpu.memory_space<vmem>>) target(%dma_start3A_294 : memref<32x128xf32, #tpu.memory_space<vmem_shared>>) target_semaphore(%run_scoped3A : memref<!tpu.dma_semaphore, #tpu.memory_space<semaphore_mem>>)
      %dma_wait3A_295 = arith.constant 0 : i32
      %dma_wait3A_296 = tpu.memref_slice %arg12[%add3A_44, %dma_wait3A_295] : memref<10240x128xf32, #tpu.memory_space<vmem_shared>> -> memref<32x128xf32, #tpu.memory_space<vmem_shared>>
      %dma_wait3A_297 = arith.constant 0 : i32
      %dma_wait3A_298 = tpu.memref_slice %arg12[%add3A_44, %dma_wait3A_297] : memref<10240x128xf32, #tpu.memory_space<vmem_shared>> -> memref<32x128xf32, #tpu.memory_space<vmem_shared>>
      tpu.wait_dma2 semaphore(%run_scoped3A : memref<!tpu.dma_semaphore, #tpu.memory_space<semaphore_mem>>) src(%arg11 : memref<32x128xf32, #tpu.memory_space<vmem>>) dst(%dma_wait3A_298 : memref<32x128xf32, #tpu.memory_space<vmem_shared>>)
      tpu.yield
    }) : () -> ()
    %add3A_45 = arith.constant 576 : i32
    %add3A_46 = arith.addi %mul3A_8, %add3A_45 : i32
    "tpu.region"() ({
      %run_scoped3A = tpu.sem_alloc : memref<!tpu.dma_semaphore, #tpu.memory_space<semaphore_mem>>
      %dma_start3A_291 = arith.constant 0 : i32
      %dma_start3A_292 = tpu.memref_slice %arg12[%add3A_46, %dma_start3A_291] : memref<10240x128xf32, #tpu.memory_space<vmem_shared>> -> memref<32x128xf32, #tpu.memory_space<vmem_shared>>
      %dma_start3A_293 = arith.constant 0 : i32
      %dma_start3A_294 = tpu.memref_slice %arg12[%add3A_46, %dma_start3A_293] : memref<10240x128xf32, #tpu.memory_space<vmem_shared>> -> memref<32x128xf32, #tpu.memory_space<vmem_shared>>
      tpu.enqueue_dma source(%arg11 : memref<32x128xf32, #tpu.memory_space<vmem>>) target(%dma_start3A_294 : memref<32x128xf32, #tpu.memory_space<vmem_shared>>) target_semaphore(%run_scoped3A : memref<!tpu.dma_semaphore, #tpu.memory_space<semaphore_mem>>)
      %dma_wait3A_295 = arith.constant 0 : i32
      %dma_wait3A_296 = tpu.memref_slice %arg12[%add3A_46, %dma_wait3A_295] : memref<10240x128xf32, #tpu.memory_space<vmem_shared>> -> memref<32x128xf32, #tpu.memory_space<vmem_shared>>
      %dma_wait3A_297 = arith.constant 0 : i32
      %dma_wait3A_298 = tpu.memref_slice %arg12[%add3A_46, %dma_wait3A_297] : memref<10240x128xf32, #tpu.memory_space<vmem_shared>> -> memref<32x128xf32, #tpu.memory_space<vmem_shared>>
      tpu.wait_dma2 semaphore(%run_scoped3A : memref<!tpu.dma_semaphore, #tpu.memory_space<semaphore_mem>>) src(%arg11 : memref<32x128xf32, #tpu.memory_space<vmem>>) dst(%dma_wait3A_298 : memref<32x128xf32, #tpu.memory_space<vmem_shared>>)
      tpu.yield
    }) : () -> ()
    %add3A_47 = arith.constant 608 : i32
    %add3A_48 = arith.addi %mul3A_8, %add3A_47 : i32
    "tpu.region"() ({
      %run_scoped3A = tpu.sem_alloc : memref<!tpu.dma_semaphore, #tpu.memory_space<semaphore_mem>>
      %dma_start3A_291 = arith.constant 0 : i32
      %dma_start3A_292 = tpu.memref_slice %arg12[%add3A_48, %dma_start3A_291] : memref<10240x128xf32, #tpu.memory_space<vmem_shared>> -> memref<32x128xf32, #tpu.memory_space<vmem_shared>>
      %dma_start3A_293 = arith.constant 0 : i32
      %dma_start3A_294 = tpu.memref_slice %arg12[%add3A_48, %dma_start3A_293] : memref<10240x128xf32, #tpu.memory_space<vmem_shared>> -> memref<32x128xf32, #tpu.memory_space<vmem_shared>>
      tpu.enqueue_dma source(%arg11 : memref<32x128xf32, #tpu.memory_space<vmem>>) target(%dma_start3A_294 : memref<32x128xf32, #tpu.memory_space<vmem_shared>>) target_semaphore(%run_scoped3A : memref<!tpu.dma_semaphore, #tpu.memory_space<semaphore_mem>>)
      %dma_wait3A_295 = arith.constant 0 : i32
      %dma_wait3A_296 = tpu.memref_slice %arg12[%add3A_48, %dma_wait3A_295] : memref<10240x128xf32, #tpu.memory_space<vmem_shared>> -> memref<32x128xf32, #tpu.memory_space<vmem_shared>>
      %dma_wait3A_297 = arith.constant 0 : i32
      %dma_wait3A_298 = tpu.memref_slice %arg12[%add3A_48, %dma_wait3A_297] : memref<10240x128xf32, #tpu.memory_space<vmem_shared>> -> memref<32x128xf32, #tpu.memory_space<vmem_shared>>
      tpu.wait_dma2 semaphore(%run_scoped3A : memref<!tpu.dma_semaphore, #tpu.memory_space<semaphore_mem>>) src(%arg11 : memref<32x128xf32, #tpu.memory_space<vmem>>) dst(%dma_wait3A_298 : memref<32x128xf32, #tpu.memory_space<vmem_shared>>)
      tpu.yield
    }) : () -> ()
    %scan3A_49 = arith.constant 0 : i32
    %scan3A_50 = arith.constant 0 : i32
    %scan3A_51 = arith.constant 40 : i32
    %scan3A_52 = arith.addi %scan3A_50, %scan3A_51 : i32
    %scan3A_53 = arith.constant 1 : i32
    scf.for %scan3A_291 = %scan3A_50 to %scan3A_52 step %scan3A_53  : i32 {
      %mul3A_292 = arith.constant 16 : i32
      %mul3A_293 = arith.muli %scan3A_291, %mul3A_292 : i32
      %swap3A_294 = arith.index_cast %mul3A_293 : i32 to index
      %swap3A_295 = tpu.vector_load %arg18[%swap3A_294] {strides = array<i32>} : memref<640xf32, #tpu.memory_space<vmem>>, vector<16xf32>,
      %swap3A_296 = vector.shape_cast %swap3A_295 : vector<16xf32> to vector<16xf32>
      %swap3A_297 = vector.shape_cast %broadcast_in_dim3A_1 : vector<16xf32> to vector<16xf32>
      tpu.vector_store %arg18[%swap3A_294], %swap3A_297 {strides = array<i32>} : memref<640xf32, #tpu.memory_space<vmem>>, vector<16xf32>,
    }
    %scan3A_54 = arith.constant 40 : i32
    "tpu.region"() ({
      %run_scoped3A = tpu.sem_alloc : memref<!tpu.dma_semaphore, #tpu.memory_space<semaphore_mem>>
      %dma_start3A_291 = tpu.memref_slice %arg19[%mul3A_8] : memref<10240xf32, #tpu.memory_space<vmem_shared>> -> memref<640xf32, #tpu.memory_space<vmem_shared>>
      %dma_start3A_292 = tpu.memref_slice %arg19[%mul3A_8] : memref<10240xf32, #tpu.memory_space<vmem_shared>> -> memref<640xf32, #tpu.memory_space<vmem_shared>>
      tpu.enqueue_dma source(%arg18 : memref<640xf32, #tpu.memory_space<vmem>>) target(%dma_start3A_292 : memref<640xf32, #tpu.memory_space<vmem_shared>>) target_semaphore(%run_scoped3A : memref<!tpu.dma_semaphore, #tpu.memory_space<semaphore_mem>>)
      %dma_wait3A_293 = tpu.memref_slice %arg19[%mul3A_8] : memref<10240xf32, #tpu.memory_space<vmem_shared>> -> memref<640xf32, #tpu.memory_space<vmem_shared>>
      %dma_wait3A_294 = tpu.memref_slice %arg19[%mul3A_8] : memref<10240xf32, #tpu.memory_space<vmem_shared>> -> memref<640xf32, #tpu.memory_space<vmem_shared>>
      tpu.wait_dma2 semaphore(%run_scoped3A : memref<!tpu.dma_semaphore, #tpu.memory_space<semaphore_mem>>) src(%arg18 : memref<640xf32, #tpu.memory_space<vmem>>) dst(%dma_wait3A_294 : memref<640xf32, #tpu.memory_space<vmem_shared>>)
      tpu.yield
    }) : () -> ()
    %broadcast_in_dim3A_55 = arith.constant 1.000000e+00 : f32
    %broadcast_in_dim3A_56 = vector.broadcast %broadcast_in_dim3A_55 : f32 to vector<16xf32>
    %swap3A = arith.constant 0 : index
    %swap3A_57 = tpu.vector_load %arg17[%swap3A] {strides = array<i32>} : memref<128xf32, #tpu.memory_space<vmem>>, vector<16xf32>,
    %swap3A_58 = vector.shape_cast %swap3A_57 : vector<16xf32> to vector<16xf32>
    %swap3A_59 = vector.shape_cast %broadcast_in_dim3A_56 : vector<16xf32> to vector<16xf32>
    tpu.vector_store %arg17[%swap3A], %swap3A_59 {strides = array<i32>} : memref<128xf32, #tpu.memory_space<vmem>>, vector<16xf32>,
    %swap3A_60 = arith.constant 16 : index
    %swap3A_61 = tpu.vector_load %arg17[%swap3A_60] {strides = array<i32>} : memref<128xf32, #tpu.memory_space<vmem>>, vector<16xf32>,
    %swap3A_62 = vector.shape_cast %swap3A_61 : vector<16xf32> to vector<16xf32>
    %swap3A_63 = vector.shape_cast %broadcast_in_dim3A_56 : vector<16xf32> to vector<16xf32>
    tpu.vector_store %arg17[%swap3A_60], %swap3A_63 {strides = array<i32>} : memref<128xf32, #tpu.memory_space<vmem>>, vector<16xf32>,
    %swap3A_64 = arith.constant 32 : index
    %swap3A_65 = tpu.vector_load %arg17[%swap3A_64] {strides = array<i32>} : memref<128xf32, #tpu.memory_space<vmem>>, vector<16xf32>,
    %swap3A_66 = vector.shape_cast %swap3A_65 : vector<16xf32> to vector<16xf32>
    %swap3A_67 = vector.shape_cast %broadcast_in_dim3A_56 : vector<16xf32> to vector<16xf32>
    tpu.vector_store %arg17[%swap3A_64], %swap3A_67 {strides = array<i32>} : memref<128xf32, #tpu.memory_space<vmem>>, vector<16xf32>,
    %swap3A_68 = arith.constant 48 : index
    %swap3A_69 = tpu.vector_load %arg17[%swap3A_68] {strides = array<i32>} : memref<128xf32, #tpu.memory_space<vmem>>, vector<16xf32>,
    %swap3A_70 = vector.shape_cast %swap3A_69 : vector<16xf32> to vector<16xf32>
    %swap3A_71 = vector.shape_cast %broadcast_in_dim3A_56 : vector<16xf32> to vector<16xf32>
    tpu.vector_store %arg17[%swap3A_68], %swap3A_71 {strides = array<i32>} : memref<128xf32, #tpu.memory_space<vmem>>, vector<16xf32>,
    %swap3A_72 = arith.constant 64 : index
    %swap3A_73 = tpu.vector_load %arg17[%swap3A_72] {strides = array<i32>} : memref<128xf32, #tpu.memory_space<vmem>>, vector<16xf32>,
    %swap3A_74 = vector.shape_cast %swap3A_73 : vector<16xf32> to vector<16xf32>
    %swap3A_75 = vector.shape_cast %broadcast_in_dim3A_56 : vector<16xf32> to vector<16xf32>
    tpu.vector_store %arg17[%swap3A_72], %swap3A_75 {strides = array<i32>} : memref<128xf32, #tpu.memory_space<vmem>>, vector<16xf32>,
    %swap3A_76 = arith.constant 80 : index
    %swap3A_77 = tpu.vector_load %arg17[%swap3A_76] {strides = array<i32>} : memref<128xf32, #tpu.memory_space<vmem>>, vector<16xf32>,
    %swap3A_78 = vector.shape_cast %swap3A_77 : vector<16xf32> to vector<16xf32>
    %swap3A_79 = vector.shape_cast %broadcast_in_dim3A_56 : vector<16xf32> to vector<16xf32>
    tpu.vector_store %arg17[%swap3A_76], %swap3A_79 {strides = array<i32>} : memref<128xf32, #tpu.memory_space<vmem>>, vector<16xf32>,
    %swap3A_80 = arith.constant 96 : index
    %swap3A_81 = tpu.vector_load %arg17[%swap3A_80] {strides = array<i32>} : memref<128xf32, #tpu.memory_space<vmem>>, vector<16xf32>,
    %swap3A_82 = vector.shape_cast %swap3A_81 : vector<16xf32> to vector<16xf32>
    %swap3A_83 = vector.shape_cast %broadcast_in_dim3A_56 : vector<16xf32> to vector<16xf32>
    tpu.vector_store %arg17[%swap3A_80], %swap3A_83 {strides = array<i32>} : memref<128xf32, #tpu.memory_space<vmem>>, vector<16xf32>,
    %swap3A_84 = arith.constant 112 : index
    %swap3A_85 = tpu.vector_load %arg17[%swap3A_84] {strides = array<i32>} : memref<128xf32, #tpu.memory_space<vmem>>, vector<16xf32>,
    %swap3A_86 = vector.shape_cast %swap3A_85 : vector<16xf32> to vector<16xf32>
    %swap3A_87 = vector.shape_cast %broadcast_in_dim3A_56 : vector<16xf32> to vector<16xf32>
    tpu.vector_store %arg17[%swap3A_84], %swap3A_87 {strides = array<i32>} : memref<128xf32, #tpu.memory_space<vmem>>, vector<16xf32>,
    %barrier3A = arith.constant 0 : index
    tpu.barrier barrier_id(%barrier3A)
    %mul3A_88 = arith.constant 80 : i32
    %mul3A_89 = arith.muli %add3A, %mul3A_88 : i32
    %add3A_90 = arith.constant 0 : i32
    %add3A_91 = arith.addi %mul3A_89, %add3A_90 : i32
    "tpu.region"() ({
      %run_scoped3A = tpu.sem_alloc : memref<!tpu.dma_semaphore, #tpu.memory_space<semaphore_mem>>
      %dma_start3A_291 = arith.constant 0 : i32
      %dma_start3A_292 = tpu.memref_slice %arg3[%add3A_91, %dma_start3A_291] : memref<2560x125xi32, #tpu.memory_space<hbm>> -> memref<40x125xi32, #tpu.memory_space<hbm>>
      %dma_start3A_293 = arith.constant 0 : i32
      %dma_start3A_294 = tpu.memref_slice %arg3[%add3A_91, %dma_start3A_293] : memref<2560x125xi32, #tpu.memory_space<hbm>> -> memref<40x125xi32, #tpu.memory_space<hbm>>
      tpu.enqueue_dma source(%dma_start3A_294 : memref<40x125xi32, #tpu.memory_space<hbm>>) target(%arg7 : memref<40x125xi32, #tpu.memory_space<vmem>>) target_semaphore(%run_scoped3A : memref<!tpu.dma_semaphore, #tpu.memory_space<semaphore_mem>>)
      %dma_wait3A_295 = arith.constant 0 : i32
      %dma_wait3A_296 = tpu.memref_slice %arg3[%add3A_91, %dma_wait3A_295] : memref<2560x125xi32, #tpu.memory_space<hbm>> -> memref<40x125xi32, #tpu.memory_space<hbm>>
      %dma_wait3A_297 = arith.constant 0 : i32
      %dma_wait3A_298 = tpu.memref_slice %arg3[%add3A_91, %dma_wait3A_297] : memref<2560x125xi32, #tpu.memory_space<hbm>> -> memref<40x125xi32, #tpu.memory_space<hbm>>
      tpu.wait_dma2 semaphore(%run_scoped3A : memref<!tpu.dma_semaphore, #tpu.memory_space<semaphore_mem>>) src(%dma_wait3A_298 : memref<40x125xi32, #tpu.memory_space<hbm>>) dst(%arg7 : memref<40x125xi32, #tpu.memory_space<vmem>>)
      tpu.yield
    }) : () -> ()
    %mul3A_92 = arith.constant 80 : i32
    %mul3A_93 = arith.muli %add3A, %mul3A_92 : i32
    %add3A_94 = arith.constant 0 : i32
    %add3A_95 = arith.addi %mul3A_93, %add3A_94 : i32
    "tpu.region"() ({
      %run_scoped3A = tpu.sem_alloc : memref<!tpu.dma_semaphore, #tpu.memory_space<semaphore_mem>>
      %dma_start3A_291 = arith.constant 0 : i32
      %dma_start3A_292 = tpu.memref_slice %arg4[%add3A_95, %dma_start3A_291] : memref<2560x125xi32, #tpu.memory_space<hbm>> -> memref<40x125xi32, #tpu.memory_space<hbm>>
      %dma_start3A_293 = arith.constant 0 : i32
      %dma_start3A_294 = tpu.memref_slice %arg4[%add3A_95, %dma_start3A_293] : memref<2560x125xi32, #tpu.memory_space<hbm>> -> memref<40x125xi32, #tpu.memory_space<hbm>>
      tpu.enqueue_dma source(%dma_start3A_294 : memref<40x125xi32, #tpu.memory_space<hbm>>) target(%arg8 : memref<40x125xi32, #tpu.memory_space<vmem>>) target_semaphore(%run_scoped3A : memref<!tpu.dma_semaphore, #tpu.memory_space<semaphore_mem>>)
      %dma_wait3A_295 = arith.constant 0 : i32
      %dma_wait3A_296 = tpu.memref_slice %arg4[%add3A_95, %dma_wait3A_295] : memref<2560x125xi32, #tpu.memory_space<hbm>> -> memref<40x125xi32, #tpu.memory_space<hbm>>
      %dma_wait3A_297 = arith.constant 0 : i32
      %dma_wait3A_298 = tpu.memref_slice %arg4[%add3A_95, %dma_wait3A_297] : memref<2560x125xi32, #tpu.memory_space<hbm>> -> memref<40x125xi32, #tpu.memory_space<hbm>>
      tpu.wait_dma2 semaphore(%run_scoped3A : memref<!tpu.dma_semaphore, #tpu.memory_space<semaphore_mem>>) src(%dma_wait3A_298 : memref<40x125xi32, #tpu.memory_space<hbm>>) dst(%arg8 : memref<40x125xi32, #tpu.memory_space<vmem>>)
      tpu.yield
    }) : () -> ()
    %dma_start3A = arith.constant 0 : i32
    %dma_start3A_96 = arith.constant 0 : i32
    %dma_start3A_97 = tpu.memref_slice %arg7[%dma_start3A, %dma_start3A_96] : memref<40x125xi32, #tpu.memory_space<vmem>> -> memref<1x125xi32, #tpu.memory_space<vmem>>
    %dma_start3A_98 = tpu.memref_squeeze %dma_start3A_97 : memref<1x125xi32, #tpu.memory_space<vmem>> -> memref<125xi32, #tpu.memory_space<vmem>>
    %dma_start3A_99 = arith.constant 0 : i32
    %dma_start3A_100 = arith.constant 0 : i32
    %dma_start3A_101 = tpu.memref_slice %arg2[%dma_start3A_99, %dma_start3A_100] : memref<10000x128xf32, #tpu.memory_space<hbm>> -> memref<10000x128xf32, #tpu.memory_space<hbm>>
    tpu.enqueue_indirect_dma source(%dma_start3A_101 : memref<10000x128xf32, #tpu.memory_space<hbm>>) target(%arg9 : memref<125x128xf32, #tpu.memory_space<vmem>>) offsets(%dma_start3A_98 : memref<125xi32, #tpu.memory_space<vmem>>) semaphore(%arg13 : memref<!tpu.dma_semaphore, #tpu.memory_space<semaphore_mem>>)
    %dma_wait3A = arith.constant 0 : i32
    %dma_wait3A_102 = arith.constant 0 : i32
    %dma_wait3A_103 = tpu.memref_slice %arg7[%dma_wait3A, %dma_wait3A_102] : memref<40x125xi32, #tpu.memory_space<vmem>> -> memref<1x125xi32, #tpu.memory_space<vmem>>
    %dma_wait3A_104 = tpu.memref_squeeze %dma_wait3A_103 : memref<1x125xi32, #tpu.memory_space<vmem>> -> memref<125xi32, #tpu.memory_space<vmem>>
    %dma_wait3A_105 = arith.constant 0 : i32
    %dma_wait3A_106 = arith.constant 0 : i32
    %dma_wait3A_107 = tpu.memref_slice %arg2[%dma_wait3A_105, %dma_wait3A_106] : memref<10000x128xf32, #tpu.memory_space<hbm>> -> memref<10000x128xf32, #tpu.memory_space<hbm>>
    tpu.wait_indirect_dma semaphore(%arg13 : memref<!tpu.dma_semaphore, #tpu.memory_space<semaphore_mem>>) src(%dma_wait3A_107 : memref<10000x128xf32, #tpu.memory_space<hbm>>) dst(%arg9 : memref<125x128xf32, #tpu.memory_space<vmem>>)
    %dma_start3A_108 = arith.constant 0 : i32
    %dma_start3A_109 = arith.constant 0 : i32
    %dma_start3A_110 = tpu.memref_slice %arg8[%dma_start3A_108, %dma_start3A_109] : memref<40x125xi32, #tpu.memory_space<vmem>> -> memref<1x125xi32, #tpu.memory_space<vmem>>
    %dma_start3A_111 = tpu.memref_squeeze %dma_start3A_110 : memref<1x125xi32, #tpu.memory_space<vmem>> -> memref<125xi32, #tpu.memory_space<vmem>>
    %dma_start3A_112 = arith.constant 0 : i32
    %dma_start3A_113 = arith.constant 0 : i32
    %dma_start3A_114 = tpu.memref_slice %arg12[%dma_start3A_112, %dma_start3A_113] : memref<10240x128xf32, #tpu.memory_space<vmem_shared>> -> memref<10240x128xf32, #tpu.memory_space<vmem_shared>>
    tpu.enqueue_indirect_dma source(%arg9 : memref<125x128xf32, #tpu.memory_space<vmem>>) target(%dma_start3A_114 : memref<10240x128xf32, #tpu.memory_space<vmem_shared>>) offsets(%dma_start3A_111 : memref<125xi32, #tpu.memory_space<vmem>>) semaphore(%arg15 : memref<!tpu.dma_semaphore, #tpu.memory_space<semaphore_mem>>) {add = true}
    %dma_start3A_115 = arith.constant 0 : i32
    %dma_start3A_116 = arith.constant 0 : i32
    %dma_start3A_117 = tpu.memref_slice %arg17[%dma_start3A_116] : memref<128xf32, #tpu.memory_space<vmem>> -> memref<125xf32, #tpu.memory_space<vmem>>
    %dma_start3A_118 = arith.constant 0 : i32
    %dma_start3A_119 = tpu.memref_slice %arg8[%dma_start3A_115, %dma_start3A_118] : memref<40x125xi32, #tpu.memory_space<vmem>> -> memref<1x125xi32, #tpu.memory_space<vmem>>
    %dma_start3A_120 = tpu.memref_squeeze %dma_start3A_119 : memref<1x125xi32, #tpu.memory_space<vmem>> -> memref<125xi32, #tpu.memory_space<vmem>>
    %dma_start3A_121 = arith.constant 0 : i32
    %dma_start3A_122 = tpu.memref_slice %arg19[%dma_start3A_121] : memref<10240xf32, #tpu.memory_space<vmem_shared>> -> memref<10240xf32, #tpu.memory_space<vmem_shared>>
    tpu.enqueue_indirect_dma source(%dma_start3A_117 : memref<125xf32, #tpu.memory_space<vmem>>) target(%dma_start3A_122 : memref<10240xf32, #tpu.memory_space<vmem_shared>>) offsets(%dma_start3A_120 : memref<125xi32, #tpu.memory_space<vmem>>) semaphore(%arg20 : memref<!tpu.dma_semaphore, #tpu.memory_space<semaphore_mem>>) {add = true}
    %dma_start3A_123 = arith.constant 1 : i32
    %dma_start3A_124 = arith.constant 0 : i32
    %dma_start3A_125 = tpu.memref_slice %arg7[%dma_start3A_123, %dma_start3A_124] : memref<40x125xi32, #tpu.memory_space<vmem>> -> memref<1x125xi32, #tpu.memory_space<vmem>>
    %dma_start3A_126 = tpu.memref_squeeze %dma_start3A_125 : memref<1x125xi32, #tpu.memory_space<vmem>> -> memref<125xi32, #tpu.memory_space<vmem>>
    %dma_start3A_127 = arith.constant 0 : i32
    %dma_start3A_128 = arith.constant 0 : i32
    %dma_start3A_129 = tpu.memref_slice %arg2[%dma_start3A_127, %dma_start3A_128] : memref<10000x128xf32, #tpu.memory_space<hbm>> -> memref<10000x128xf32, #tpu.memory_space<hbm>>
    tpu.enqueue_indirect_dma source(%dma_start3A_129 : memref<10000x128xf32, #tpu.memory_space<hbm>>) target(%arg10 : memref<125x128xf32, #tpu.memory_space<vmem>>) offsets(%dma_start3A_126 : memref<125xi32, #tpu.memory_space<vmem>>) semaphore(%arg14 : memref<!tpu.dma_semaphore, #tpu.memory_space<semaphore_mem>>)
    %scan3A_130 = arith.constant 0 : i32
    %scan3A_131 = arith.constant 0 : i32
    %scan3A_132 = arith.constant 19 : i32
    %scan3A_133 = arith.addi %scan3A_131, %scan3A_132 : i32
    %scan3A_134 = arith.constant 1 : i32
    scf.for %scan3A_291 = %scan3A_131 to %scan3A_133 step %scan3A_134  : i32 {
      %mul3A_292 = arith.constant 2 : i32
      %mul3A_293 = arith.muli %mul3A_292, %scan3A_291 : i32
      %add3A_294 = arith.constant 1 : i32
      %add3A_295 = arith.addi %mul3A_293, %add3A_294 : i32
      %dma_wait3A_296 = arith.constant 0 : i32
      %dma_wait3A_297 = arith.constant 0 : i32
      %dma_wait3A_298 = tpu.memref_slice %arg7[%dma_wait3A_296, %dma_wait3A_297] : memref<40x125xi32, #tpu.memory_space<vmem>> -> memref<1x125xi32, #tpu.memory_space<vmem>>
      %dma_wait3A_299 = tpu.memref_squeeze %dma_wait3A_298 : memref<1x125xi32, #tpu.memory_space<vmem>> -> memref<125xi32, #tpu.memory_space<vmem>>
      %dma_wait3A_300 = arith.constant 0 : i32
      %dma_wait3A_301 = arith.constant 0 : i32
      %dma_wait3A_302 = tpu.memref_slice %arg2[%dma_wait3A_300, %dma_wait3A_301] : memref<10000x128xf32, #tpu.memory_space<hbm>> -> memref<10000x128xf32, #tpu.memory_space<hbm>>
      tpu.wait_indirect_dma semaphore(%arg14 : memref<!tpu.dma_semaphore, #tpu.memory_space<semaphore_mem>>) src(%dma_wait3A_302 : memref<10000x128xf32, #tpu.memory_space<hbm>>) dst(%arg10 : memref<125x128xf32, #tpu.memory_space<vmem>>)
      %dma_start3A_303 = arith.constant 0 : i32
      %dma_start3A_304 = tpu.memref_slice %arg8[%add3A_295, %dma_start3A_303] : memref<40x125xi32, #tpu.memory_space<vmem>> -> memref<1x125xi32, #tpu.memory_space<vmem>>
      %dma_start3A_305 = tpu.memref_squeeze %dma_start3A_304 : memref<1x125xi32, #tpu.memory_space<vmem>> -> memref<125xi32, #tpu.memory_space<vmem>>
      %dma_start3A_306 = arith.constant 0 : i32
      %dma_start3A_307 = arith.constant 0 : i32
      %dma_start3A_308 = tpu.memref_slice %arg12[%dma_start3A_306, %dma_start3A_307] : memref<10240x128xf32, #tpu.memory_space<vmem_shared>> -> memref<10240x128xf32, #tpu.memory_space<vmem_shared>>
      tpu.enqueue_indirect_dma source(%arg10 : memref<125x128xf32, #tpu.memory_space<vmem>>) target(%dma_start3A_308 : memref<10240x128xf32, #tpu.memory_space<vmem_shared>>) offsets(%dma_start3A_305 : memref<125xi32, #tpu.memory_space<vmem>>) semaphore(%arg16 : memref<!tpu.dma_semaphore, #tpu.memory_space<semaphore_mem>>) {add = true}
      %dma_start3A_309 = arith.constant 0 : i32
      %dma_start3A_310 = tpu.memref_slice %arg17[%dma_start3A_309] : memref<128xf32, #tpu.memory_space<vmem>> -> memref<125xf32, #tpu.memory_space<vmem>>
      %dma_start3A_311 = arith.constant 0 : i32
      %dma_start3A_312 = tpu.memref_slice %arg8[%add3A_295, %dma_start3A_311] : memref<40x125xi32, #tpu.memory_space<vmem>> -> memref<1x125xi32, #tpu.memory_space<vmem>>
      %dma_start3A_313 = tpu.memref_squeeze %dma_start3A_312 : memref<1x125xi32, #tpu.memory_space<vmem>> -> memref<125xi32, #tpu.memory_space<vmem>>
      %dma_start3A_314 = arith.constant 0 : i32
      %dma_start3A_315 = tpu.memref_slice %arg19[%dma_start3A_314] : memref<10240xf32, #tpu.memory_space<vmem_shared>> -> memref<10240xf32, #tpu.memory_space<vmem_shared>>
      tpu.enqueue_indirect_dma source(%dma_start3A_310 : memref<125xf32, #tpu.memory_space<vmem>>) target(%dma_start3A_315 : memref<10240xf32, #tpu.memory_space<vmem_shared>>) offsets(%dma_start3A_313 : memref<125xi32, #tpu.memory_space<vmem>>) semaphore(%arg21 : memref<!tpu.dma_semaphore, #tpu.memory_space<semaphore_mem>>) {add = true}
      %dma_wait3A_316 = arith.constant 0 : i32
      %dma_wait3A_317 = arith.constant 0 : i32
      %dma_wait3A_318 = tpu.memref_slice %arg8[%dma_wait3A_316, %dma_wait3A_317] : memref<40x125xi32, #tpu.memory_space<vmem>> -> memref<1x125xi32, #tpu.memory_space<vmem>>
      %dma_wait3A_319 = tpu.memref_squeeze %dma_wait3A_318 : memref<1x125xi32, #tpu.memory_space<vmem>> -> memref<125xi32, #tpu.memory_space<vmem>>
      %dma_wait3A_320 = arith.constant 0 : i32
      %dma_wait3A_321 = arith.constant 0 : i32
      %dma_wait3A_322 = tpu.memref_slice %arg12[%dma_wait3A_320, %dma_wait3A_321] : memref<10240x128xf32, #tpu.memory_space<vmem_shared>> -> memref<10240x128xf32, #tpu.memory_space<vmem_shared>>
      tpu.wait_indirect_dma semaphore(%arg15 : memref<!tpu.dma_semaphore, #tpu.memory_space<semaphore_mem>>) src(%arg9 : memref<125x128xf32, #tpu.memory_space<vmem>>) dst(%dma_wait3A_322 : memref<10240x128xf32, #tpu.memory_space<vmem_shared>>)
      %dma_wait3A_323 = arith.constant 0 : i32
      %dma_wait3A_324 = arith.constant 0 : i32
      %dma_wait3A_325 = tpu.memref_slice %arg17[%dma_wait3A_324] : memref<128xf32, #tpu.memory_space<vmem>> -> memref<125xf32, #tpu.memory_space<vmem>>
      %dma_wait3A_326 = arith.constant 0 : i32
      %dma_wait3A_327 = tpu.memref_slice %arg8[%dma_wait3A_323, %dma_wait3A_326] : memref<40x125xi32, #tpu.memory_space<vmem>> -> memref<1x125xi32, #tpu.memory_space<vmem>>
      %dma_wait3A_328 = tpu.memref_squeeze %dma_wait3A_327 : memref<1x125xi32, #tpu.memory_space<vmem>> -> memref<125xi32, #tpu.memory_space<vmem>>
      %dma_wait3A_329 = arith.constant 0 : i32
      %dma_wait3A_330 = tpu.memref_slice %arg19[%dma_wait3A_329] : memref<10240xf32, #tpu.memory_space<vmem_shared>> -> memref<10240xf32, #tpu.memory_space<vmem_shared>>
      tpu.wait_indirect_dma semaphore(%arg20 : memref<!tpu.dma_semaphore, #tpu.memory_space<semaphore_mem>>) src(%dma_wait3A_325 : memref<125xf32, #tpu.memory_space<vmem>>) dst(%dma_wait3A_330 : memref<10240xf32, #tpu.memory_space<vmem_shared>>)
      %add3A_331 = arith.constant 1 : i32
      %add3A_332 = arith.addi %add3A_295, %add3A_331 : i32
      %dma_start3A_333 = arith.constant 0 : i32
      %dma_start3A_334 = tpu.memref_slice %arg7[%add3A_332, %dma_start3A_333] : memref<40x125xi32, #tpu.memory_space<vmem>> -> memref<1x125xi32, #tpu.memory_space<vmem>>
      %dma_start3A_335 = tpu.memref_squeeze %dma_start3A_334 : memref<1x125xi32, #tpu.memory_space<vmem>> -> memref<125xi32, #tpu.memory_space<vmem>>
      %dma_start3A_336 = arith.constant 0 : i32
      %dma_start3A_337 = arith.constant 0 : i32
      %dma_start3A_338 = tpu.memref_slice %arg2[%dma_start3A_336, %dma_start3A_337] : memref<10000x128xf32, #tpu.memory_space<hbm>> -> memref<10000x128xf32, #tpu.memory_space<hbm>>
      tpu.enqueue_indirect_dma source(%dma_start3A_338 : memref<10000x128xf32, #tpu.memory_space<hbm>>) target(%arg9 : memref<125x128xf32, #tpu.memory_space<vmem>>) offsets(%dma_start3A_335 : memref<125xi32, #tpu.memory_space<vmem>>) semaphore(%arg13 : memref<!tpu.dma_semaphore, #tpu.memory_space<semaphore_mem>>)
      %dma_wait3A_339 = arith.constant 0 : i32
      %dma_wait3A_340 = arith.constant 0 : i32
      %dma_wait3A_341 = tpu.memref_slice %arg7[%dma_wait3A_339, %dma_wait3A_340] : memref<40x125xi32, #tpu.memory_space<vmem>> -> memref<1x125xi32, #tpu.memory_space<vmem>>
      %dma_wait3A_342 = tpu.memref_squeeze %dma_wait3A_341 : memref<1x125xi32, #tpu.memory_space<vmem>> -> memref<125xi32, #tpu.memory_space<vmem>>
      %dma_wait3A_343 = arith.constant 0 : i32
      %dma_wait3A_344 = arith.constant 0 : i32
      %dma_wait3A_345 = tpu.memref_slice %arg2[%dma_wait3A_343, %dma_wait3A_344] : memref<10000x128xf32, #tpu.memory_space<hbm>> -> memref<10000x128xf32, #tpu.memory_space<hbm>>
      tpu.wait_indirect_dma semaphore(%arg13 : memref<!tpu.dma_semaphore, #tpu.memory_space<semaphore_mem>>) src(%dma_wait3A_345 : memref<10000x128xf32, #tpu.memory_space<hbm>>) dst(%arg9 : memref<125x128xf32, #tpu.memory_space<vmem>>)
      %add3A_346 = arith.constant 1 : i32
      %add3A_347 = arith.addi %add3A_295, %add3A_346 : i32
      %dma_start3A_348 = arith.constant 0 : i32
      %dma_start3A_349 = tpu.memref_slice %arg8[%add3A_347, %dma_start3A_348] : memref<40x125xi32, #tpu.memory_space<vmem>> -> memref<1x125xi32, #tpu.memory_space<vmem>>
      %dma_start3A_350 = tpu.memref_squeeze %dma_start3A_349 : memref<1x125xi32, #tpu.memory_space<vmem>> -> memref<125xi32, #tpu.memory_space<vmem>>
      %dma_start3A_351 = arith.constant 0 : i32
      %dma_start3A_352 = arith.constant 0 : i32
      %dma_start3A_353 = tpu.memref_slice %arg12[%dma_start3A_351, %dma_start3A_352] : memref<10240x128xf32, #tpu.memory_space<vmem_shared>> -> memref<10240x128xf32, #tpu.memory_space<vmem_shared>>
      tpu.enqueue_indirect_dma source(%arg9 : memref<125x128xf32, #tpu.memory_space<vmem>>) target(%dma_start3A_353 : memref<10240x128xf32, #tpu.memory_space<vmem_shared>>) offsets(%dma_start3A_350 : memref<125xi32, #tpu.memory_space<vmem>>) semaphore(%arg15 : memref<!tpu.dma_semaphore, #tpu.memory_space<semaphore_mem>>) {add = true}
      %dma_start3A_354 = arith.constant 0 : i32
      %dma_start3A_355 = tpu.memref_slice %arg17[%dma_start3A_354] : memref<128xf32, #tpu.memory_space<vmem>> -> memref<125xf32, #tpu.memory_space<vmem>>
      %dma_start3A_356 = arith.constant 0 : i32
      %dma_start3A_357 = tpu.memref_slice %arg8[%add3A_347, %dma_start3A_356] : memref<40x125xi32, #tpu.memory_space<vmem>> -> memref<1x125xi32, #tpu.memory_space<vmem>>
      %dma_start3A_358 = tpu.memref_squeeze %dma_start3A_357 : memref<1x125xi32, #tpu.memory_space<vmem>> -> memref<125xi32, #tpu.memory_space<vmem>>
      %dma_start3A_359 = arith.constant 0 : i32
      %dma_start3A_360 = tpu.memref_slice %arg19[%dma_start3A_359] : memref<10240xf32, #tpu.memory_space<vmem_shared>> -> memref<10240xf32, #tpu.memory_space<vmem_shared>>
      tpu.enqueue_indirect_dma source(%dma_start3A_355 : memref<125xf32, #tpu.memory_space<vmem>>) target(%dma_start3A_360 : memref<10240xf32, #tpu.memory_space<vmem_shared>>) offsets(%dma_start3A_358 : memref<125xi32, #tpu.memory_space<vmem>>) semaphore(%arg20 : memref<!tpu.dma_semaphore, #tpu.memory_space<semaphore_mem>>) {add = true}
      %dma_wait3A_361 = arith.constant 0 : i32
      %dma_wait3A_362 = arith.constant 0 : i32
      %dma_wait3A_363 = tpu.memref_slice %arg8[%dma_wait3A_361, %dma_wait3A_362] : memref<40x125xi32, #tpu.memory_space<vmem>> -> memref<1x125xi32, #tpu.memory_space<vmem>>
      %dma_wait3A_364 = tpu.memref_squeeze %dma_wait3A_363 : memref<1x125xi32, #tpu.memory_space<vmem>> -> memref<125xi32, #tpu.memory_space<vmem>>
      %dma_wait3A_365 = arith.constant 0 : i32
      %dma_wait3A_366 = arith.constant 0 : i32
      %dma_wait3A_367 = tpu.memref_slice %arg12[%dma_wait3A_365, %dma_wait3A_366] : memref<10240x128xf32, #tpu.memory_space<vmem_shared>> -> memref<10240x128xf32, #tpu.memory_space<vmem_shared>>
      tpu.wait_indirect_dma semaphore(%arg16 : memref<!tpu.dma_semaphore, #tpu.memory_space<semaphore_mem>>) src(%arg10 : memref<125x128xf32, #tpu.memory_space<vmem>>) dst(%dma_wait3A_367 : memref<10240x128xf32, #tpu.memory_space<vmem_shared>>)
      %dma_wait3A_368 = arith.constant 0 : i32
      %dma_wait3A_369 = arith.constant 0 : i32
      %dma_wait3A_370 = tpu.memref_slice %arg17[%dma_wait3A_369] : memref<128xf32, #tpu.memory_space<vmem>> -> memref<125xf32, #tpu.memory_space<vmem>>
      %dma_wait3A_371 = arith.constant 0 : i32
      %dma_wait3A_372 = tpu.memref_slice %arg8[%dma_wait3A_368, %dma_wait3A_371] : memref<40x125xi32, #tpu.memory_space<vmem>> -> memref<1x125xi32, #tpu.memory_space<vmem>>
      %dma_wait3A_373 = tpu.memref_squeeze %dma_wait3A_372 : memref<1x125xi32, #tpu.memory_space<vmem>> -> memref<125xi32, #tpu.memory_space<vmem>>
      %dma_wait3A_374 = arith.constant 0 : i32
      %dma_wait3A_375 = tpu.memref_slice %arg19[%dma_wait3A_374] : memref<10240xf32, #tpu.memory_space<vmem_shared>> -> memref<10240xf32, #tpu.memory_space<vmem_shared>>
      tpu.wait_indirect_dma semaphore(%arg21 : memref<!tpu.dma_semaphore, #tpu.memory_space<semaphore_mem>>) src(%dma_wait3A_370 : memref<125xf32, #tpu.memory_space<vmem>>) dst(%dma_wait3A_375 : memref<10240xf32, #tpu.memory_space<vmem_shared>>)
      %add3A_376 = arith.constant 2 : i32
      %add3A_377 = arith.addi %add3A_295, %add3A_376 : i32
      %dma_start3A_378 = arith.constant 0 : i32
      %dma_start3A_379 = tpu.memref_slice %arg7[%add3A_377, %dma_start3A_378] : memref<40x125xi32, #tpu.memory_space<vmem>> -> memref<1x125xi32, #tpu.memory_space<vmem>>
      %dma_start3A_380 = tpu.memref_squeeze %dma_start3A_379 : memref<1x125xi32, #tpu.memory_space<vmem>> -> memref<125xi32, #tpu.memory_space<vmem>>
      %dma_start3A_381 = arith.constant 0 : i32
      %dma_start3A_382 = arith.constant 0 : i32
      %dma_start3A_383 = tpu.memref_slice %arg2[%dma_start3A_381, %dma_start3A_382] : memref<10000x128xf32, #tpu.memory_space<hbm>> -> memref<10000x128xf32, #tpu.memory_space<hbm>>
      tpu.enqueue_indirect_dma source(%dma_start3A_383 : memref<10000x128xf32, #tpu.memory_space<hbm>>) target(%arg10 : memref<125x128xf32, #tpu.memory_space<vmem>>) offsets(%dma_start3A_380 : memref<125xi32, #tpu.memory_space<vmem>>) semaphore(%arg14 : memref<!tpu.dma_semaphore, #tpu.memory_space<semaphore_mem>>)
    }
    %scan3A_135 = arith.constant 19 : i32
    %dma_wait3A_136 = arith.constant 0 : i32
    %dma_wait3A_137 = arith.constant 0 : i32
    %dma_wait3A_138 = tpu.memref_slice %arg7[%dma_wait3A_136, %dma_wait3A_137] : memref<40x125xi32, #tpu.memory_space<vmem>> -> memref<1x125xi32, #tpu.memory_space<vmem>>
    %dma_wait3A_139 = tpu.memref_squeeze %dma_wait3A_138 : memref<1x125xi32, #tpu.memory_space<vmem>> -> memref<125xi32, #tpu.memory_space<vmem>>
    %dma_wait3A_140 = arith.constant 0 : i32
    %dma_wait3A_141 = arith.constant 0 : i32
    %dma_wait3A_142 = tpu.memref_slice %arg2[%dma_wait3A_140, %dma_wait3A_141] : memref<10000x128xf32, #tpu.memory_space<hbm>> -> memref<10000x128xf32, #tpu.memory_space<hbm>>
    tpu.wait_indirect_dma semaphore(%arg14 : memref<!tpu.dma_semaphore, #tpu.memory_space<semaphore_mem>>) src(%dma_wait3A_142 : memref<10000x128xf32, #tpu.memory_space<hbm>>) dst(%arg10 : memref<125x128xf32, #tpu.memory_space<vmem>>)
    %dma_start3A_143 = arith.constant 39 : i32
    %dma_start3A_144 = arith.constant 0 : i32
    %dma_start3A_145 = tpu.memref_slice %arg8[%dma_start3A_143, %dma_start3A_144] : memref<40x125xi32, #tpu.memory_space<vmem>> -> memref<1x125xi32, #tpu.memory_space<vmem>>
    %dma_start3A_146 = tpu.memref_squeeze %dma_start3A_145 : memref<1x125xi32, #tpu.memory_space<vmem>> -> memref<125xi32, #tpu.memory_space<vmem>>
    %dma_start3A_147 = arith.constant 0 : i32
    %dma_start3A_148 = arith.constant 0 : i32
    %dma_start3A_149 = tpu.memref_slice %arg12[%dma_start3A_147, %dma_start3A_148] : memref<10240x128xf32, #tpu.memory_space<vmem_shared>> -> memref<10240x128xf32, #tpu.memory_space<vmem_shared>>
    tpu.enqueue_indirect_dma source(%arg10 : memref<125x128xf32, #tpu.memory_space<vmem>>) target(%dma_start3A_149 : memref<10240x128xf32, #tpu.memory_space<vmem_shared>>) offsets(%dma_start3A_146 : memref<125xi32, #tpu.memory_space<vmem>>) semaphore(%arg16 : memref<!tpu.dma_semaphore, #tpu.memory_space<semaphore_mem>>) {add = true}
    %dma_start3A_150 = arith.constant 39 : i32
    %dma_start3A_151 = arith.constant 0 : i32
    %dma_start3A_152 = tpu.memref_slice %arg17[%dma_start3A_151] : memref<128xf32, #tpu.memory_space<vmem>> -> memref<125xf32, #tpu.memory_space<vmem>>
    %dma_start3A_153 = arith.constant 0 : i32
    %dma_start3A_154 = tpu.memref_slice %arg8[%dma_start3A_150, %dma_start3A_153] : memref<40x125xi32, #tpu.memory_space<vmem>> -> memref<1x125xi32, #tpu.memory_space<vmem>>
    %dma_start3A_155 = tpu.memref_squeeze %dma_start3A_154 : memref<1x125xi32, #tpu.memory_space<vmem>> -> memref<125xi32, #tpu.memory_space<vmem>>
    %dma_start3A_156 = arith.constant 0 : i32
    %dma_start3A_157 = tpu.memref_slice %arg19[%dma_start3A_156] : memref<10240xf32, #tpu.memory_space<vmem_shared>> -> memref<10240xf32, #tpu.memory_space<vmem_shared>>
    tpu.enqueue_indirect_dma source(%dma_start3A_152 : memref<125xf32, #tpu.memory_space<vmem>>) target(%dma_start3A_157 : memref<10240xf32, #tpu.memory_space<vmem_shared>>) offsets(%dma_start3A_155 : memref<125xi32, #tpu.memory_space<vmem>>) semaphore(%arg21 : memref<!tpu.dma_semaphore, #tpu.memory_space<semaphore_mem>>) {add = true}
    %dma_wait3A_158 = arith.constant 0 : i32
    %dma_wait3A_159 = arith.constant 0 : i32
    %dma_wait3A_160 = tpu.memref_slice %arg8[%dma_wait3A_158, %dma_wait3A_159] : memref<40x125xi32, #tpu.memory_space<vmem>> -> memref<1x125xi32, #tpu.memory_space<vmem>>
    %dma_wait3A_161 = tpu.memref_squeeze %dma_wait3A_160 : memref<1x125xi32, #tpu.memory_space<vmem>> -> memref<125xi32, #tpu.memory_space<vmem>>
    %dma_wait3A_162 = arith.constant 0 : i32
    %dma_wait3A_163 = arith.constant 0 : i32
    %dma_wait3A_164 = tpu.memref_slice %arg12[%dma_wait3A_162, %dma_wait3A_163] : memref<10240x128xf32, #tpu.memory_space<vmem_shared>> -> memref<10240x128xf32, #tpu.memory_space<vmem_shared>>
    tpu.wait_indirect_dma semaphore(%arg15 : memref<!tpu.dma_semaphore, #tpu.memory_space<semaphore_mem>>) src(%arg9 : memref<125x128xf32, #tpu.memory_space<vmem>>) dst(%dma_wait3A_164 : memref<10240x128xf32, #tpu.memory_space<vmem_shared>>)
    %dma_wait3A_165 = arith.constant 0 : i32
    %dma_wait3A_166 = arith.constant 0 : i32
    %dma_wait3A_167 = tpu.memref_slice %arg17[%dma_wait3A_166] : memref<128xf32, #tpu.memory_space<vmem>> -> memref<125xf32, #tpu.memory_space<vmem>>
    %dma_wait3A_168 = arith.constant 0 : i32
    %dma_wait3A_169 = tpu.memref_slice %arg8[%dma_wait3A_165, %dma_wait3A_168] : memref<40x125xi32, #tpu.memory_space<vmem>> -> memref<1x125xi32, #tpu.memory_space<vmem>>
    %dma_wait3A_170 = tpu.memref_squeeze %dma_wait3A_169 : memref<1x125xi32, #tpu.memory_space<vmem>> -> memref<125xi32, #tpu.memory_space<vmem>>
    %dma_wait3A_171 = arith.constant 0 : i32
    %dma_wait3A_172 = tpu.memref_slice %arg19[%dma_wait3A_171] : memref<10240xf32, #tpu.memory_space<vmem_shared>> -> memref<10240xf32, #tpu.memory_space<vmem_shared>>
    tpu.wait_indirect_dma semaphore(%arg20 : memref<!tpu.dma_semaphore, #tpu.memory_space<semaphore_mem>>) src(%dma_wait3A_167 : memref<125xf32, #tpu.memory_space<vmem>>) dst(%dma_wait3A_172 : memref<10240xf32, #tpu.memory_space<vmem_shared>>)
    %dma_wait3A_173 = arith.constant 0 : i32
    %dma_wait3A_174 = arith.constant 0 : i32
    %dma_wait3A_175 = tpu.memref_slice %arg8[%dma_wait3A_173, %dma_wait3A_174] : memref<40x125xi32, #tpu.memory_space<vmem>> -> memref<1x125xi32, #tpu.memory_space<vmem>>
    %dma_wait3A_176 = tpu.memref_squeeze %dma_wait3A_175 : memref<1x125xi32, #tpu.memory_space<vmem>> -> memref<125xi32, #tpu.memory_space<vmem>>
    %dma_wait3A_177 = arith.constant 0 : i32
    %dma_wait3A_178 = arith.constant 0 : i32
    %dma_wait3A_179 = tpu.memref_slice %arg12[%dma_wait3A_177, %dma_wait3A_178] : memref<10240x128xf32, #tpu.memory_space<vmem_shared>> -> memref<10240x128xf32, #tpu.memory_space<vmem_shared>>
    tpu.wait_indirect_dma semaphore(%arg16 : memref<!tpu.dma_semaphore, #tpu.memory_space<semaphore_mem>>) src(%arg10 : memref<125x128xf32, #tpu.memory_space<vmem>>) dst(%dma_wait3A_179 : memref<10240x128xf32, #tpu.memory_space<vmem_shared>>)
    %dma_wait3A_180 = arith.constant 0 : i32
    %dma_wait3A_181 = arith.constant 0 : i32
    %dma_wait3A_182 = tpu.memref_slice %arg17[%dma_wait3A_181] : memref<128xf32, #tpu.memory_space<vmem>> -> memref<125xf32, #tpu.memory_space<vmem>>
    %dma_wait3A_183 = arith.constant 0 : i32
    %dma_wait3A_184 = tpu.memref_slice %arg8[%dma_wait3A_180, %dma_wait3A_183] : memref<40x125xi32, #tpu.memory_space<vmem>> -> memref<1x125xi32, #tpu.memory_space<vmem>>
    %dma_wait3A_185 = tpu.memref_squeeze %dma_wait3A_184 : memref<1x125xi32, #tpu.memory_space<vmem>> -> memref<125xi32, #tpu.memory_space<vmem>>
    %dma_wait3A_186 = arith.constant 0 : i32
    %dma_wait3A_187 = tpu.memref_slice %arg19[%dma_wait3A_186] : memref<10240xf32, #tpu.memory_space<vmem_shared>> -> memref<10240xf32, #tpu.memory_space<vmem_shared>>
    tpu.wait_indirect_dma semaphore(%arg21 : memref<!tpu.dma_semaphore, #tpu.memory_space<semaphore_mem>>) src(%dma_wait3A_182 : memref<125xf32, #tpu.memory_space<vmem>>) dst(%dma_wait3A_187 : memref<10240xf32, #tpu.memory_space<vmem_shared>>)
    %mul3A_188 = arith.constant 80 : i32
    %mul3A_189 = arith.muli %add3A, %mul3A_188 : i32
    %add3A_190 = arith.constant 40 : i32
    %add3A_191 = arith.addi %mul3A_189, %add3A_190 : i32
    "tpu.region"() ({
      %run_scoped3A = tpu.sem_alloc : memref<!tpu.dma_semaphore, #tpu.memory_space<semaphore_mem>>
      %dma_start3A_291 = arith.constant 0 : i32
      %dma_start3A_292 = tpu.memref_slice %arg3[%add3A_191, %dma_start3A_291] : memref<2560x125xi32, #tpu.memory_space<hbm>> -> memref<40x125xi32, #tpu.memory_space<hbm>>
      %dma_start3A_293 = arith.constant 0 : i32
      %dma_start3A_294 = tpu.memref_slice %arg3[%add3A_191, %dma_start3A_293] : memref<2560x125xi32, #tpu.memory_space<hbm>> -> memref<40x125xi32, #tpu.memory_space<hbm>>
      tpu.enqueue_dma source(%dma_start3A_294 : memref<40x125xi32, #tpu.memory_space<hbm>>) target(%arg7 : memref<40x125xi32, #tpu.memory_space<vmem>>) target_semaphore(%run_scoped3A : memref<!tpu.dma_semaphore, #tpu.memory_space<semaphore_mem>>)
      %dma_wait3A_295 = arith.constant 0 : i32
      %dma_wait3A_296 = tpu.memref_slice %arg3[%add3A_191, %dma_wait3A_295] : memref<2560x125xi32, #tpu.memory_space<hbm>> -> memref<40x125xi32, #tpu.memory_space<hbm>>
      %dma_wait3A_297 = arith.constant 0 : i32
      %dma_wait3A_298 = tpu.memref_slice %arg3[%add3A_191, %dma_wait3A_297] : memref<2560x125xi32, #tpu.memory_space<hbm>> -> memref<40x125xi32, #tpu.memory_space<hbm>>
      tpu.wait_dma2 semaphore(%run_scoped3A : memref<!tpu.dma_semaphore, #tpu.memory_space<semaphore_mem>>) src(%dma_wait3A_298 : memref<40x125xi32, #tpu.memory_space<hbm>>) dst(%arg7 : memref<40x125xi32, #tpu.memory_space<vmem>>)
      tpu.yield
    }) : () -> ()
    %mul3A_192 = arith.constant 80 : i32
    %mul3A_193 = arith.muli %add3A, %mul3A_192 : i32
    %add3A_194 = arith.constant 40 : i32
    %add3A_195 = arith.addi %mul3A_193, %add3A_194 : i32
    "tpu.region"() ({
      %run_scoped3A = tpu.sem_alloc : memref<!tpu.dma_semaphore, #tpu.memory_space<semaphore_mem>>
      %dma_start3A_291 = arith.constant 0 : i32
      %dma_start3A_292 = tpu.memref_slice %arg4[%add3A_195, %dma_start3A_291] : memref<2560x125xi32, #tpu.memory_space<hbm>> -> memref<40x125xi32, #tpu.memory_space<hbm>>
      %dma_start3A_293 = arith.constant 0 : i32
      %dma_start3A_294 = tpu.memref_slice %arg4[%add3A_195, %dma_start3A_293] : memref<2560x125xi32, #tpu.memory_space<hbm>> -> memref<40x125xi32, #tpu.memory_space<hbm>>
      tpu.enqueue_dma source(%dma_start3A_294 : memref<40x125xi32, #tpu.memory_space<hbm>>) target(%arg8 : memref<40x125xi32, #tpu.memory_space<vmem>>) target_semaphore(%run_scoped3A : memref<!tpu.dma_semaphore, #tpu.memory_space<semaphore_mem>>)
      %dma_wait3A_295 = arith.constant 0 : i32
      %dma_wait3A_296 = tpu.memref_slice %arg4[%add3A_195, %dma_wait3A_295] : memref<2560x125xi32, #tpu.memory_space<hbm>> -> memref<40x125xi32, #tpu.memory_space<hbm>>
      %dma_wait3A_297 = arith.constant 0 : i32
      %dma_wait3A_298 = tpu.memref_slice %arg4[%add3A_195, %dma_wait3A_297] : memref<2560x125xi32, #tpu.memory_space<hbm>> -> memref<40x125xi32, #tpu.memory_space<hbm>>
      tpu.wait_dma2 semaphore(%run_scoped3A : memref<!tpu.dma_semaphore, #tpu.memory_space<semaphore_mem>>) src(%dma_wait3A_298 : memref<40x125xi32, #tpu.memory_space<hbm>>) dst(%arg8 : memref<40x125xi32, #tpu.memory_space<vmem>>)
      tpu.yield
    }) : () -> ()
    %dma_start3A_196 = arith.constant 0 : i32
    %dma_start3A_197 = arith.constant 0 : i32
    %dma_start3A_198 = tpu.memref_slice %arg7[%dma_start3A_196, %dma_start3A_197] : memref<40x125xi32, #tpu.memory_space<vmem>> -> memref<1x125xi32, #tpu.memory_space<vmem>>
    %dma_start3A_199 = tpu.memref_squeeze %dma_start3A_198 : memref<1x125xi32, #tpu.memory_space<vmem>> -> memref<125xi32, #tpu.memory_space<vmem>>
    %dma_start3A_200 = arith.constant 0 : i32
    %dma_start3A_201 = arith.constant 0 : i32
    %dma_start3A_202 = tpu.memref_slice %arg2[%dma_start3A_200, %dma_start3A_201] : memref<10000x128xf32, #tpu.memory_space<hbm>> -> memref<10000x128xf32, #tpu.memory_space<hbm>>
    tpu.enqueue_indirect_dma source(%dma_start3A_202 : memref<10000x128xf32, #tpu.memory_space<hbm>>) target(%arg9 : memref<125x128xf32, #tpu.memory_space<vmem>>) offsets(%dma_start3A_199 : memref<125xi32, #tpu.memory_space<vmem>>) semaphore(%arg13 : memref<!tpu.dma_semaphore, #tpu.memory_space<semaphore_mem>>)
    %dma_wait3A_203 = arith.constant 0 : i32
    %dma_wait3A_204 = arith.constant 0 : i32
    %dma_wait3A_205 = tpu.memref_slice %arg7[%dma_wait3A_203, %dma_wait3A_204] : memref<40x125xi32, #tpu.memory_space<vmem>> -> memref<1x125xi32, #tpu.memory_space<vmem>>
    %dma_wait3A_206 = tpu.memref_squeeze %dma_wait3A_205 : memref<1x125xi32, #tpu.memory_space<vmem>> -> memref<125xi32, #tpu.memory_space<vmem>>
    %dma_wait3A_207 = arith.constant 0 : i32
    %dma_wait3A_208 = arith.constant 0 : i32
    %dma_wait3A_209 = tpu.memref_slice %arg2[%dma_wait3A_207, %dma_wait3A_208] : memref<10000x128xf32, #tpu.memory_space<hbm>> -> memref<10000x128xf32, #tpu.memory_space<hbm>>
    tpu.wait_indirect_dma semaphore(%arg13 : memref<!tpu.dma_semaphore, #tpu.memory_space<semaphore_mem>>) src(%dma_wait3A_209 : memref<10000x128xf32, #tpu.memory_space<hbm>>) dst(%arg9 : memref<125x128xf32, #tpu.memory_space<vmem>>)
    %dma_start3A_210 = arith.constant 0 : i32
    %dma_start3A_211 = arith.constant 0 : i32
    %dma_start3A_212 = tpu.memref_slice %arg8[%dma_start3A_210, %dma_start3A_211] : memref<40x125xi32, #tpu.memory_space<vmem>> -> memref<1x125xi32, #tpu.memory_space<vmem>>
    %dma_start3A_213 = tpu.memref_squeeze %dma_start3A_212 : memref<1x125xi32, #tpu.memory_space<vmem>> -> memref<125xi32, #tpu.memory_space<vmem>>
    %dma_start3A_214 = arith.constant 0 : i32
    %dma_start3A_215 = arith.constant 0 : i32
    %dma_start3A_216 = tpu.memref_slice %arg12[%dma_start3A_214, %dma_start3A_215] : memref<10240x128xf32, #tpu.memory_space<vmem_shared>> -> memref<10240x128xf32, #tpu.memory_space<vmem_shared>>
    tpu.enqueue_indirect_dma source(%arg9 : memref<125x128xf32, #tpu.memory_space<vmem>>) target(%dma_start3A_216 : memref<10240x128xf32, #tpu.memory_space<vmem_shared>>) offsets(%dma_start3A_213 : memref<125xi32, #tpu.memory_space<vmem>>) semaphore(%arg15 : memref<!tpu.dma_semaphore, #tpu.memory_space<semaphore_mem>>) {add = true}
    %dma_start3A_217 = arith.constant 0 : i32
    %dma_start3A_218 = arith.constant 0 : i32
    %dma_start3A_219 = tpu.memref_slice %arg17[%dma_start3A_218] : memref<128xf32, #tpu.memory_space<vmem>> -> memref<125xf32, #tpu.memory_space<vmem>>
    %dma_start3A_220 = arith.constant 0 : i32
    %dma_start3A_221 = tpu.memref_slice %arg8[%dma_start3A_217, %dma_start3A_220] : memref<40x125xi32, #tpu.memory_space<vmem>> -> memref<1x125xi32, #tpu.memory_space<vmem>>
    %dma_start3A_222 = tpu.memref_squeeze %dma_start3A_221 : memref<1x125xi32, #tpu.memory_space<vmem>> -> memref<125xi32, #tpu.memory_space<vmem>>
    %dma_start3A_223 = arith.constant 0 : i32
    %dma_start3A_224 = tpu.memref_slice %arg19[%dma_start3A_223] : memref<10240xf32, #tpu.memory_space<vmem_shared>> -> memref<10240xf32, #tpu.memory_space<vmem_shared>>
    tpu.enqueue_indirect_dma source(%dma_start3A_219 : memref<125xf32, #tpu.memory_space<vmem>>) target(%dma_start3A_224 : memref<10240xf32, #tpu.memory_space<vmem_shared>>) offsets(%dma_start3A_222 : memref<125xi32, #tpu.memory_space<vmem>>) semaphore(%arg20 : memref<!tpu.dma_semaphore, #tpu.memory_space<semaphore_mem>>) {add = true}
    %dma_start3A_225 = arith.constant 1 : i32
    %dma_start3A_226 = arith.constant 0 : i32
    %dma_start3A_227 = tpu.memref_slice %arg7[%dma_start3A_225, %dma_start3A_226] : memref<40x125xi32, #tpu.memory_space<vmem>> -> memref<1x125xi32, #tpu.memory_space<vmem>>
    %dma_start3A_228 = tpu.memref_squeeze %dma_start3A_227 : memref<1x125xi32, #tpu.memory_space<vmem>> -> memref<125xi32, #tpu.memory_space<vmem>>
    %dma_start3A_229 = arith.constant 0 : i32
    %dma_start3A_230 = arith.constant 0 : i32
    %dma_start3A_231 = tpu.memref_slice %arg2[%dma_start3A_229, %dma_start3A_230] : memref<10000x128xf32, #tpu.memory_space<hbm>> -> memref<10000x128xf32, #tpu.memory_space<hbm>>
    tpu.enqueue_indirect_dma source(%dma_start3A_231 : memref<10000x128xf32, #tpu.memory_space<hbm>>) target(%arg10 : memref<125x128xf32, #tpu.memory_space<vmem>>) offsets(%dma_start3A_228 : memref<125xi32, #tpu.memory_space<vmem>>) semaphore(%arg14 : memref<!tpu.dma_semaphore, #tpu.memory_space<semaphore_mem>>)
    %scan3A_232 = arith.constant 0 : i32
    %scan3A_233 = arith.constant 0 : i32
    %scan3A_234 = arith.constant 19 : i32
    %scan3A_235 = arith.addi %scan3A_233, %scan3A_234 : i32
    %scan3A_236 = arith.constant 1 : i32
    scf.for %scan3A_291 = %scan3A_233 to %scan3A_235 step %scan3A_236  : i32 {
      %mul3A_292 = arith.constant 2 : i32
      %mul3A_293 = arith.muli %mul3A_292, %scan3A_291 : i32
      %add3A_294 = arith.constant 1 : i32
      %add3A_295 = arith.addi %mul3A_293, %add3A_294 : i32
      %dma_wait3A_296 = arith.constant 0 : i32
      %dma_wait3A_297 = arith.constant 0 : i32
      %dma_wait3A_298 = tpu.memref_slice %arg7[%dma_wait3A_296, %dma_wait3A_297] : memref<40x125xi32, #tpu.memory_space<vmem>> -> memref<1x125xi32, #tpu.memory_space<vmem>>
      %dma_wait3A_299 = tpu.memref_squeeze %dma_wait3A_298 : memref<1x125xi32, #tpu.memory_space<vmem>> -> memref<125xi32, #tpu.memory_space<vmem>>
      %dma_wait3A_300 = arith.constant 0 : i32
      %dma_wait3A_301 = arith.constant 0 : i32
      %dma_wait3A_302 = tpu.memref_slice %arg2[%dma_wait3A_300, %dma_wait3A_301] : memref<10000x128xf32, #tpu.memory_space<hbm>> -> memref<10000x128xf32, #tpu.memory_space<hbm>>
      tpu.wait_indirect_dma semaphore(%arg14 : memref<!tpu.dma_semaphore, #tpu.memory_space<semaphore_mem>>) src(%dma_wait3A_302 : memref<10000x128xf32, #tpu.memory_space<hbm>>) dst(%arg10 : memref<125x128xf32, #tpu.memory_space<vmem>>)
      %dma_start3A_303 = arith.constant 0 : i32
      %dma_start3A_304 = tpu.memref_slice %arg8[%add3A_295, %dma_start3A_303] : memref<40x125xi32, #tpu.memory_space<vmem>> -> memref<1x125xi32, #tpu.memory_space<vmem>>
      %dma_start3A_305 = tpu.memref_squeeze %dma_start3A_304 : memref<1x125xi32, #tpu.memory_space<vmem>> -> memref<125xi32, #tpu.memory_space<vmem>>
      %dma_start3A_306 = arith.constant 0 : i32
      %dma_start3A_307 = arith.constant 0 : i32
      %dma_start3A_308 = tpu.memref_slice %arg12[%dma_start3A_306, %dma_start3A_307] : memref<10240x128xf32, #tpu.memory_space<vmem_shared>> -> memref<10240x128xf32, #tpu.memory_space<vmem_shared>>
      tpu.enqueue_indirect_dma source(%arg10 : memref<125x128xf32, #tpu.memory_space<vmem>>) target(%dma_start3A_308 : memref<10240x128xf32, #tpu.memory_space<vmem_shared>>) offsets(%dma_start3A_305 : memref<125xi32, #tpu.memory_space<vmem>>) semaphore(%arg16 : memref<!tpu.dma_semaphore, #tpu.memory_space<semaphore_mem>>) {add = true}
      %dma_start3A_309 = arith.constant 0 : i32
      %dma_start3A_310 = tpu.memref_slice %arg17[%dma_start3A_309] : memref<128xf32, #tpu.memory_space<vmem>> -> memref<125xf32, #tpu.memory_space<vmem>>
      %dma_start3A_311 = arith.constant 0 : i32
      %dma_start3A_312 = tpu.memref_slice %arg8[%add3A_295, %dma_start3A_311] : memref<40x125xi32, #tpu.memory_space<vmem>> -> memref<1x125xi32, #tpu.memory_space<vmem>>
      %dma_start3A_313 = tpu.memref_squeeze %dma_start3A_312 : memref<1x125xi32, #tpu.memory_space<vmem>> -> memref<125xi32, #tpu.memory_space<vmem>>
      %dma_start3A_314 = arith.constant 0 : i32
      %dma_start3A_315 = tpu.memref_slice %arg19[%dma_start3A_314] : memref<10240xf32, #tpu.memory_space<vmem_shared>> -> memref<10240xf32, #tpu.memory_space<vmem_shared>>
      tpu.enqueue_indirect_dma source(%dma_start3A_310 : memref<125xf32, #tpu.memory_space<vmem>>) target(%dma_start3A_315 : memref<10240xf32, #tpu.memory_space<vmem_shared>>) offsets(%dma_start3A_313 : memref<125xi32, #tpu.memory_space<vmem>>) semaphore(%arg21 : memref<!tpu.dma_semaphore, #tpu.memory_space<semaphore_mem>>) {add = true}
      %dma_wait3A_316 = arith.constant 0 : i32
      %dma_wait3A_317 = arith.constant 0 : i32
      %dma_wait3A_318 = tpu.memref_slice %arg8[%dma_wait3A_316, %dma_wait3A_317] : memref<40x125xi32, #tpu.memory_space<vmem>> -> memref<1x125xi32, #tpu.memory_space<vmem>>
      %dma_wait3A_319 = tpu.memref_squeeze %dma_wait3A_318 : memref<1x125xi32, #tpu.memory_space<vmem>> -> memref<125xi32, #tpu.memory_space<vmem>>
      %dma_wait3A_320 = arith.constant 0 : i32
      %dma_wait3A_321 = arith.constant 0 : i32
      %dma_wait3A_322 = tpu.memref_slice %arg12[%dma_wait3A_320, %dma_wait3A_321] : memref<10240x128xf32, #tpu.memory_space<vmem_shared>> -> memref<10240x128xf32, #tpu.memory_space<vmem_shared>>
      tpu.wait_indirect_dma semaphore(%arg15 : memref<!tpu.dma_semaphore, #tpu.memory_space<semaphore_mem>>) src(%arg9 : memref<125x128xf32, #tpu.memory_space<vmem>>) dst(%dma_wait3A_322 : memref<10240x128xf32, #tpu.memory_space<vmem_shared>>)
      %dma_wait3A_323 = arith.constant 0 : i32
      %dma_wait3A_324 = arith.constant 0 : i32
      %dma_wait3A_325 = tpu.memref_slice %arg17[%dma_wait3A_324] : memref<128xf32, #tpu.memory_space<vmem>> -> memref<125xf32, #tpu.memory_space<vmem>>
      %dma_wait3A_326 = arith.constant 0 : i32
      %dma_wait3A_327 = tpu.memref_slice %arg8[%dma_wait3A_323, %dma_wait3A_326] : memref<40x125xi32, #tpu.memory_space<vmem>> -> memref<1x125xi32, #tpu.memory_space<vmem>>
      %dma_wait3A_328 = tpu.memref_squeeze %dma_wait3A_327 : memref<1x125xi32, #tpu.memory_space<vmem>> -> memref<125xi32, #tpu.memory_space<vmem>>
      %dma_wait3A_329 = arith.constant 0 : i32
      %dma_wait3A_330 = tpu.memref_slice %arg19[%dma_wait3A_329] : memref<10240xf32, #tpu.memory_space<vmem_shared>> -> memref<10240xf32, #tpu.memory_space<vmem_shared>>
      tpu.wait_indirect_dma semaphore(%arg20 : memref<!tpu.dma_semaphore, #tpu.memory_space<semaphore_mem>>) src(%dma_wait3A_325 : memref<125xf32, #tpu.memory_space<vmem>>) dst(%dma_wait3A_330 : memref<10240xf32, #tpu.memory_space<vmem_shared>>)
      %add3A_331 = arith.constant 1 : i32
      %add3A_332 = arith.addi %add3A_295, %add3A_331 : i32
      %dma_start3A_333 = arith.constant 0 : i32
      %dma_start3A_334 = tpu.memref_slice %arg7[%add3A_332, %dma_start3A_333] : memref<40x125xi32, #tpu.memory_space<vmem>> -> memref<1x125xi32, #tpu.memory_space<vmem>>
      %dma_start3A_335 = tpu.memref_squeeze %dma_start3A_334 : memref<1x125xi32, #tpu.memory_space<vmem>> -> memref<125xi32, #tpu.memory_space<vmem>>
      %dma_start3A_336 = arith.constant 0 : i32
      %dma_start3A_337 = arith.constant 0 : i32
      %dma_start3A_338 = tpu.memref_slice %arg2[%dma_start3A_336, %dma_start3A_337] : memref<10000x128xf32, #tpu.memory_space<hbm>> -> memref<10000x128xf32, #tpu.memory_space<hbm>>
      tpu.enqueue_indirect_dma source(%dma_start3A_338 : memref<10000x128xf32, #tpu.memory_space<hbm>>) target(%arg9 : memref<125x128xf32, #tpu.memory_space<vmem>>) offsets(%dma_start3A_335 : memref<125xi32, #tpu.memory_space<vmem>>) semaphore(%arg13 : memref<!tpu.dma_semaphore, #tpu.memory_space<semaphore_mem>>)
      %dma_wait3A_339 = arith.constant 0 : i32
      %dma_wait3A_340 = arith.constant 0 : i32
      %dma_wait3A_341 = tpu.memref_slice %arg7[%dma_wait3A_339, %dma_wait3A_340] : memref<40x125xi32, #tpu.memory_space<vmem>> -> memref<1x125xi32, #tpu.memory_space<vmem>>
      %dma_wait3A_342 = tpu.memref_squeeze %dma_wait3A_341 : memref<1x125xi32, #tpu.memory_space<vmem>> -> memref<125xi32, #tpu.memory_space<vmem>>
      %dma_wait3A_343 = arith.constant 0 : i32
      %dma_wait3A_344 = arith.constant 0 : i32
      %dma_wait3A_345 = tpu.memref_slice %arg2[%dma_wait3A_343, %dma_wait3A_344] : memref<10000x128xf32, #tpu.memory_space<hbm>> -> memref<10000x128xf32, #tpu.memory_space<hbm>>
      tpu.wait_indirect_dma semaphore(%arg13 : memref<!tpu.dma_semaphore, #tpu.memory_space<semaphore_mem>>) src(%dma_wait3A_345 : memref<10000x128xf32, #tpu.memory_space<hbm>>) dst(%arg9 : memref<125x128xf32, #tpu.memory_space<vmem>>)
      %add3A_346 = arith.constant 1 : i32
      %add3A_347 = arith.addi %add3A_295, %add3A_346 : i32
      %dma_start3A_348 = arith.constant 0 : i32
      %dma_start3A_349 = tpu.memref_slice %arg8[%add3A_347, %dma_start3A_348] : memref<40x125xi32, #tpu.memory_space<vmem>> -> memref<1x125xi32, #tpu.memory_space<vmem>>
      %dma_start3A_350 = tpu.memref_squeeze %dma_start3A_349 : memref<1x125xi32, #tpu.memory_space<vmem>> -> memref<125xi32, #tpu.memory_space<vmem>>
      %dma_start3A_351 = arith.constant 0 : i32
      %dma_start3A_352 = arith.constant 0 : i32
      %dma_start3A_353 = tpu.memref_slice %arg12[%dma_start3A_351, %dma_start3A_352] : memref<10240x128xf32, #tpu.memory_space<vmem_shared>> -> memref<10240x128xf32, #tpu.memory_space<vmem_shared>>
      tpu.enqueue_indirect_dma source(%arg9 : memref<125x128xf32, #tpu.memory_space<vmem>>) target(%dma_start3A_353 : memref<10240x128xf32, #tpu.memory_space<vmem_shared>>) offsets(%dma_start3A_350 : memref<125xi32, #tpu.memory_space<vmem>>) semaphore(%arg15 : memref<!tpu.dma_semaphore, #tpu.memory_space<semaphore_mem>>) {add = true}
      %dma_start3A_354 = arith.constant 0 : i32
      %dma_start3A_355 = tpu.memref_slice %arg17[%dma_start3A_354] : memref<128xf32, #tpu.memory_space<vmem>> -> memref<125xf32, #tpu.memory_space<vmem>>
      %dma_start3A_356 = arith.constant 0 : i32
      %dma_start3A_357 = tpu.memref_slice %arg8[%add3A_347, %dma_start3A_356] : memref<40x125xi32, #tpu.memory_space<vmem>> -> memref<1x125xi32, #tpu.memory_space<vmem>>
      %dma_start3A_358 = tpu.memref_squeeze %dma_start3A_357 : memref<1x125xi32, #tpu.memory_space<vmem>> -> memref<125xi32, #tpu.memory_space<vmem>>
      %dma_start3A_359 = arith.constant 0 : i32
      %dma_start3A_360 = tpu.memref_slice %arg19[%dma_start3A_359] : memref<10240xf32, #tpu.memory_space<vmem_shared>> -> memref<10240xf32, #tpu.memory_space<vmem_shared>>
      tpu.enqueue_indirect_dma source(%dma_start3A_355 : memref<125xf32, #tpu.memory_space<vmem>>) target(%dma_start3A_360 : memref<10240xf32, #tpu.memory_space<vmem_shared>>) offsets(%dma_start3A_358 : memref<125xi32, #tpu.memory_space<vmem>>) semaphore(%arg20 : memref<!tpu.dma_semaphore, #tpu.memory_space<semaphore_mem>>) {add = true}
      %dma_wait3A_361 = arith.constant 0 : i32
      %dma_wait3A_362 = arith.constant 0 : i32
      %dma_wait3A_363 = tpu.memref_slice %arg8[%dma_wait3A_361, %dma_wait3A_362] : memref<40x125xi32, #tpu.memory_space<vmem>> -> memref<1x125xi32, #tpu.memory_space<vmem>>
      %dma_wait3A_364 = tpu.memref_squeeze %dma_wait3A_363 : memref<1x125xi32, #tpu.memory_space<vmem>> -> memref<125xi32, #tpu.memory_space<vmem>>
      %dma_wait3A_365 = arith.constant 0 : i32
      %dma_wait3A_366 = arith.constant 0 : i32
      %dma_wait3A_367 = tpu.memref_slice %arg12[%dma_wait3A_365, %dma_wait3A_366] : memref<10240x128xf32, #tpu.memory_space<vmem_shared>> -> memref<10240x128xf32, #tpu.memory_space<vmem_shared>>
      tpu.wait_indirect_dma semaphore(%arg16 : memref<!tpu.dma_semaphore, #tpu.memory_space<semaphore_mem>>) src(%arg10 : memref<125x128xf32, #tpu.memory_space<vmem>>) dst(%dma_wait3A_367 : memref<10240x128xf32, #tpu.memory_space<vmem_shared>>)
      %dma_wait3A_368 = arith.constant 0 : i32
      %dma_wait3A_369 = arith.constant 0 : i32
      %dma_wait3A_370 = tpu.memref_slice %arg17[%dma_wait3A_369] : memref<128xf32, #tpu.memory_space<vmem>> -> memref<125xf32, #tpu.memory_space<vmem>>
      %dma_wait3A_371 = arith.constant 0 : i32
      %dma_wait3A_372 = tpu.memref_slice %arg8[%dma_wait3A_368, %dma_wait3A_371] : memref<40x125xi32, #tpu.memory_space<vmem>> -> memref<1x125xi32, #tpu.memory_space<vmem>>
      %dma_wait3A_373 = tpu.memref_squeeze %dma_wait3A_372 : memref<1x125xi32, #tpu.memory_space<vmem>> -> memref<125xi32, #tpu.memory_space<vmem>>
      %dma_wait3A_374 = arith.constant 0 : i32
      %dma_wait3A_375 = tpu.memref_slice %arg19[%dma_wait3A_374] : memref<10240xf32, #tpu.memory_space<vmem_shared>> -> memref<10240xf32, #tpu.memory_space<vmem_shared>>
      tpu.wait_indirect_dma semaphore(%arg21 : memref<!tpu.dma_semaphore, #tpu.memory_space<semaphore_mem>>) src(%dma_wait3A_370 : memref<125xf32, #tpu.memory_space<vmem>>) dst(%dma_wait3A_375 : memref<10240xf32, #tpu.memory_space<vmem_shared>>)
      %add3A_376 = arith.constant 2 : i32
      %add3A_377 = arith.addi %add3A_295, %add3A_376 : i32
      %dma_start3A_378 = arith.constant 0 : i32
      %dma_start3A_379 = tpu.memref_slice %arg7[%add3A_377, %dma_start3A_378] : memref<40x125xi32, #tpu.memory_space<vmem>> -> memref<1x125xi32, #tpu.memory_space<vmem>>
      %dma_start3A_380 = tpu.memref_squeeze %dma_start3A_379 : memref<1x125xi32, #tpu.memory_space<vmem>> -> memref<125xi32, #tpu.memory_space<vmem>>
      %dma_start3A_381 = arith.constant 0 : i32
      %dma_start3A_382 = arith.constant 0 : i32
      %dma_start3A_383 = tpu.memref_slice %arg2[%dma_start3A_381, %dma_start3A_382] : memref<10000x128xf32, #tpu.memory_space<hbm>> -> memref<10000x128xf32, #tpu.memory_space<hbm>>
      tpu.enqueue_indirect_dma source(%dma_start3A_383 : memref<10000x128xf32, #tpu.memory_space<hbm>>) target(%arg10 : memref<125x128xf32, #tpu.memory_space<vmem>>) offsets(%dma_start3A_380 : memref<125xi32, #tpu.memory_space<vmem>>) semaphore(%arg14 : memref<!tpu.dma_semaphore, #tpu.memory_space<semaphore_mem>>)
    }
    %scan3A_237 = arith.constant 19 : i32
    %dma_wait3A_238 = arith.constant 0 : i32
    %dma_wait3A_239 = arith.constant 0 : i32
    %dma_wait3A_240 = tpu.memref_slice %arg7[%dma_wait3A_238, %dma_wait3A_239] : memref<40x125xi32, #tpu.memory_space<vmem>> -> memref<1x125xi32, #tpu.memory_space<vmem>>
    %dma_wait3A_241 = tpu.memref_squeeze %dma_wait3A_240 : memref<1x125xi32, #tpu.memory_space<vmem>> -> memref<125xi32, #tpu.memory_space<vmem>>
    %dma_wait3A_242 = arith.constant 0 : i32
    %dma_wait3A_243 = arith.constant 0 : i32
    %dma_wait3A_244 = tpu.memref_slice %arg2[%dma_wait3A_242, %dma_wait3A_243] : memref<10000x128xf32, #tpu.memory_space<hbm>> -> memref<10000x128xf32, #tpu.memory_space<hbm>>
    tpu.wait_indirect_dma semaphore(%arg14 : memref<!tpu.dma_semaphore, #tpu.memory_space<semaphore_mem>>) src(%dma_wait3A_244 : memref<10000x128xf32, #tpu.memory_space<hbm>>) dst(%arg10 : memref<125x128xf32, #tpu.memory_space<vmem>>)
    %dma_start3A_245 = arith.constant 39 : i32
    %dma_start3A_246 = arith.constant 0 : i32
    %dma_start3A_247 = tpu.memref_slice %arg8[%dma_start3A_245, %dma_start3A_246] : memref<40x125xi32, #tpu.memory_space<vmem>> -> memref<1x125xi32, #tpu.memory_space<vmem>>
    %dma_start3A_248 = tpu.memref_squeeze %dma_start3A_247 : memref<1x125xi32, #tpu.memory_space<vmem>> -> memref<125xi32, #tpu.memory_space<vmem>>
    %dma_start3A_249 = arith.constant 0 : i32
    %dma_start3A_250 = arith.constant 0 : i32
    %dma_start3A_251 = tpu.memref_slice %arg12[%dma_start3A_249, %dma_start3A_250] : memref<10240x128xf32, #tpu.memory_space<vmem_shared>> -> memref<10240x128xf32, #tpu.memory_space<vmem_shared>>
    tpu.enqueue_indirect_dma source(%arg10 : memref<125x128xf32, #tpu.memory_space<vmem>>) target(%dma_start3A_251 : memref<10240x128xf32, #tpu.memory_space<vmem_shared>>) offsets(%dma_start3A_248 : memref<125xi32, #tpu.memory_space<vmem>>) semaphore(%arg16 : memref<!tpu.dma_semaphore, #tpu.memory_space<semaphore_mem>>) {add = true}
    %dma_start3A_252 = arith.constant 39 : i32
    %dma_start3A_253 = arith.constant 0 : i32
    %dma_start3A_254 = tpu.memref_slice %arg17[%dma_start3A_253] : memref<128xf32, #tpu.memory_space<vmem>> -> memref<125xf32, #tpu.memory_space<vmem>>
    %dma_start3A_255 = arith.constant 0 : i32
    %dma_start3A_256 = tpu.memref_slice %arg8[%dma_start3A_252, %dma_start3A_255] : memref<40x125xi32, #tpu.memory_space<vmem>> -> memref<1x125xi32, #tpu.memory_space<vmem>>
    %dma_start3A_257 = tpu.memref_squeeze %dma_start3A_256 : memref<1x125xi32, #tpu.memory_space<vmem>> -> memref<125xi32, #tpu.memory_space<vmem>>
    %dma_start3A_258 = arith.constant 0 : i32
    %dma_start3A_259 = tpu.memref_slice %arg19[%dma_start3A_258] : memref<10240xf32, #tpu.memory_space<vmem_shared>> -> memref<10240xf32, #tpu.memory_space<vmem_shared>>
    tpu.enqueue_indirect_dma source(%dma_start3A_254 : memref<125xf32, #tpu.memory_space<vmem>>) target(%dma_start3A_259 : memref<10240xf32, #tpu.memory_space<vmem_shared>>) offsets(%dma_start3A_257 : memref<125xi32, #tpu.memory_space<vmem>>) semaphore(%arg21 : memref<!tpu.dma_semaphore, #tpu.memory_space<semaphore_mem>>) {add = true}
    %dma_wait3A_260 = arith.constant 0 : i32
    %dma_wait3A_261 = arith.constant 0 : i32
    %dma_wait3A_262 = tpu.memref_slice %arg8[%dma_wait3A_260, %dma_wait3A_261] : memref<40x125xi32, #tpu.memory_space<vmem>> -> memref<1x125xi32, #tpu.memory_space<vmem>>
    %dma_wait3A_263 = tpu.memref_squeeze %dma_wait3A_262 : memref<1x125xi32, #tpu.memory_space<vmem>> -> memref<125xi32, #tpu.memory_space<vmem>>
    %dma_wait3A_264 = arith.constant 0 : i32
    %dma_wait3A_265 = arith.constant 0 : i32
    %dma_wait3A_266 = tpu.memref_slice %arg12[%dma_wait3A_264, %dma_wait3A_265] : memref<10240x128xf32, #tpu.memory_space<vmem_shared>> -> memref<10240x128xf32, #tpu.memory_space<vmem_shared>>
    tpu.wait_indirect_dma semaphore(%arg15 : memref<!tpu.dma_semaphore, #tpu.memory_space<semaphore_mem>>) src(%arg9 : memref<125x128xf32, #tpu.memory_space<vmem>>) dst(%dma_wait3A_266 : memref<10240x128xf32, #tpu.memory_space<vmem_shared>>)
    %dma_wait3A_267 = arith.constant 0 : i32
    %dma_wait3A_268 = arith.constant 0 : i32
    %dma_wait3A_269 = tpu.memref_slice %arg17[%dma_wait3A_268] : memref<128xf32, #tpu.memory_space<vmem>> -> memref<125xf32, #tpu.memory_space<vmem>>
    %dma_wait3A_270 = arith.constant 0 : i32
    %dma_wait3A_271 = tpu.memref_slice %arg8[%dma_wait3A_267, %dma_wait3A_270] : memref<40x125xi32, #tpu.memory_space<vmem>> -> memref<1x125xi32, #tpu.memory_space<vmem>>
    %dma_wait3A_272 = tpu.memref_squeeze %dma_wait3A_271 : memref<1x125xi32, #tpu.memory_space<vmem>> -> memref<125xi32, #tpu.memory_space<vmem>>
    %dma_wait3A_273 = arith.constant 0 : i32
    %dma_wait3A_274 = tpu.memref_slice %arg19[%dma_wait3A_273] : memref<10240xf32, #tpu.memory_space<vmem_shared>> -> memref<10240xf32, #tpu.memory_space<vmem_shared>>
    tpu.wait_indirect_dma semaphore(%arg20 : memref<!tpu.dma_semaphore, #tpu.memory_space<semaphore_mem>>) src(%dma_wait3A_269 : memref<125xf32, #tpu.memory_space<vmem>>) dst(%dma_wait3A_274 : memref<10240xf32, #tpu.memory_space<vmem_shared>>)
    %dma_wait3A_275 = arith.constant 0 : i32
    %dma_wait3A_276 = arith.constant 0 : i32
    %dma_wait3A_277 = tpu.memref_slice %arg8[%dma_wait3A_275, %dma_wait3A_276] : memref<40x125xi32, #tpu.memory_space<vmem>> -> memref<1x125xi32, #tpu.memory_space<vmem>>
    %dma_wait3A_278 = tpu.memref_squeeze %dma_wait3A_277 : memref<1x125xi32, #tpu.memory_space<vmem>> -> memref<125xi32, #tpu.memory_space<vmem>>
    %dma_wait3A_279 = arith.constant 0 : i32
    %dma_wait3A_280 = arith.constant 0 : i32
    %dma_wait3A_281 = tpu.memref_slice %arg12[%dma_wait3A_279, %dma_wait3A_280] : memref<10240x128xf32, #tpu.memory_space<vmem_shared>> -> memref<10240x128xf32, #tpu.memory_space<vmem_shared>>
    tpu.wait_indirect_dma semaphore(%arg16 : memref<!tpu.dma_semaphore, #tpu.memory_space<semaphore_mem>>) src(%arg10 : memref<125x128xf32, #tpu.memory_space<vmem>>) dst(%dma_wait3A_281 : memref<10240x128xf32, #tpu.memory_space<vmem_shared>>)
    %dma_wait3A_282 = arith.constant 0 : i32
    %dma_wait3A_283 = arith.constant 0 : i32
    %dma_wait3A_284 = tpu.memref_slice %arg17[%dma_wait3A_283] : memref<128xf32, #tpu.memory_space<vmem>> -> memref<125xf32, #tpu.memory_space<vmem>>
    %dma_wait3A_285 = arith.constant 0 : i32
    %dma_wait3A_286 = tpu.memref_slice %arg8[%dma_wait3A_282, %dma_wait3A_285] : memref<40x125xi32, #tpu.memory_space<vmem>> -> memref<1x125xi32, #tpu.memory_space<vmem>>
    %dma_wait3A_287 = tpu.memref_squeeze %dma_wait3A_286 : memref<1x125xi32, #tpu.memory_space<vmem>> -> memref<125xi32, #tpu.memory_space<vmem>>
    %dma_wait3A_288 = arith.constant 0 : i32
    %dma_wait3A_289 = tpu.memref_slice %arg19[%dma_wait3A_288] : memref<10240xf32, #tpu.memory_space<vmem_shared>> -> memref<10240xf32, #tpu.memory_space<vmem_shared>>
    tpu.wait_indirect_dma semaphore(%arg21 : memref<!tpu.dma_semaphore, #tpu.memory_space<semaphore_mem>>) src(%dma_wait3A_284 : memref<125xf32, #tpu.memory_space<vmem>>) dst(%dma_wait3A_289 : memref<10240xf32, #tpu.memory_space<vmem_shared>>)
    %barrier3A_290 = arith.constant 0 : index
    tpu.barrier barrier_id(%barrier3A_290)
    "tpu.region"() ({
      %run_scoped3A = tpu.sem_alloc : memref<!tpu.dma_semaphore, #tpu.memory_space<semaphore_mem>>
      %dma_start3A_291 = arith.constant 0 : i32
      %dma_start3A_292 = tpu.memref_slice %arg5[%arg0, %mul3A_8, %dma_start3A_291] : memref<2x10240x128xf32, #tpu.memory_space<hbm>> -> memref<1x640x128xf32, #tpu.memory_space<hbm>>
      %dma_start3A_293 = tpu.memref_squeeze %dma_start3A_292 : memref<1x640x128xf32, #tpu.memory_space<hbm>> -> memref<640x128xf32, #tpu.memory_space<hbm>>
      %dma_start3A_294 = arith.constant 0 : i32
      %dma_start3A_295 = tpu.memref_slice %arg12[%mul3A_8, %dma_start3A_294] : memref<10240x128xf32, #tpu.memory_space<vmem_shared>> -> memref<640x128xf32, #tpu.memory_space<vmem_shared>>
      tpu.enqueue_dma source(%dma_start3A_295 : memref<640x128xf32, #tpu.memory_space<vmem_shared>>) target(%dma_start3A_293 : memref<640x128xf32, #tpu.memory_space<hbm>>) target_semaphore(%run_scoped3A : memref<!tpu.dma_semaphore, #tpu.memory_space<semaphore_mem>>)
      %dma_wait3A_296 = arith.constant 0 : i32
      %dma_wait3A_297 = tpu.memref_slice %arg5[%arg0, %mul3A_8, %dma_wait3A_296] : memref<2x10240x128xf32, #tpu.memory_space<hbm>> -> memref<1x640x128xf32, #tpu.memory_space<hbm>>
      %dma_wait3A_298 = tpu.memref_squeeze %dma_wait3A_297 : memref<1x640x128xf32, #tpu.memory_space<hbm>> -> memref<640x128xf32, #tpu.memory_space<hbm>>
      %dma_wait3A_299 = arith.constant 0 : i32
      %dma_wait3A_300 = tpu.memref_slice %arg12[%mul3A_8, %dma_wait3A_299] : memref<10240x128xf32, #tpu.memory_space<vmem_shared>> -> memref<640x128xf32, #tpu.memory_space<vmem_shared>>
      tpu.wait_dma2 semaphore(%run_scoped3A : memref<!tpu.dma_semaphore, #tpu.memory_space<semaphore_mem>>) src(%dma_wait3A_300 : memref<640x128xf32, #tpu.memory_space<vmem_shared>>) dst(%dma_wait3A_298 : memref<640x128xf32, #tpu.memory_space<hbm>>)
      tpu.yield
    }) : () -> ()
    "tpu.region"() ({
      %run_scoped3A = tpu.sem_alloc : memref<!tpu.dma_semaphore, #tpu.memory_space<semaphore_mem>>
      %dma_start3A_291 = tpu.memref_slice %arg6[%arg0, %mul3A_8] : memref<2x10240xf32, #tpu.memory_space<hbm>> -> memref<1x640xf32, #tpu.memory_space<hbm>>
      %dma_start3A_292 = tpu.memref_squeeze %dma_start3A_291 : memref<1x640xf32, #tpu.memory_space<hbm>> -> memref<640xf32, #tpu.memory_space<hbm>>
      %dma_start3A_293 = tpu.memref_slice %arg19[%mul3A_8] : memref<10240xf32, #tpu.memory_space<vmem_shared>> -> memref<640xf32, #tpu.memory_space<vmem_shared>>
      tpu.enqueue_dma source(%dma_start3A_293 : memref<640xf32, #tpu.memory_space<vmem_shared>>) target(%dma_start3A_292 : memref<640xf32, #tpu.memory_space<hbm>>) target_semaphore(%run_scoped3A : memref<!tpu.dma_semaphore, #tpu.memory_space<semaphore_mem>>)
      %dma_wait3A_294 = tpu.memref_slice %arg6[%arg0, %mul3A_8] : memref<2x10240xf32, #tpu.memory_space<hbm>> -> memref<1x640xf32, #tpu.memory_space<hbm>>
      %dma_wait3A_295 = tpu.memref_squeeze %dma_wait3A_294 : memref<1x640xf32, #tpu.memory_space<hbm>> -> memref<640xf32, #tpu.memory_space<hbm>>
      %dma_wait3A_296 = tpu.memref_slice %arg19[%mul3A_8] : memref<10240xf32, #tpu.memory_space<vmem_shared>> -> memref<640xf32, #tpu.memory_space<vmem_shared>>
      tpu.wait_dma2 semaphore(%run_scoped3A : memref<!tpu.dma_semaphore, #tpu.memory_space<semaphore_mem>>) src(%dma_wait3A_296 : memref<640xf32, #tpu.memory_space<vmem_shared>>) dst(%dma_wait3A_295 : memref<640xf32, #tpu.memory_space<hbm>>)
      tpu.yield
    }) : () -> ()
    return
  }
}

#map = affine_map<(d0, d1) -> (0, 0)>
#map1 = affine_map<(d0, d1) -> (0, 0, 0)>
module attributes {stable_mosaic.version = 14 : i64} {
  func.func @body(%arg0: i32, %arg1: i32, %arg2: memref<10000x128xf32, #tpu.memory_space<hbm>>, %arg3: memref<2560x125xi32, #tpu.memory_space<hbm>>, %arg4: memref<2560x125xi32, #tpu.memory_space<hbm>>, %arg5: memref<2x10240x128xf32, #tpu.memory_space<hbm>>, %arg6: memref<40x125xi32, #tpu.memory_space<vmem>>, %arg7: memref<40x125xi32, #tpu.memory_space<vmem>>, %arg8: memref<125x128xf32, #tpu.memory_space<vmem>>, %arg9: memref<125x128xf32, #tpu.memory_space<vmem>>, %arg10: memref<32x128xf32, #tpu.memory_space<vmem>>, %arg11: memref<10240x128xf32, #tpu.memory_space<vmem_shared>>, %arg12: memref<!tpu.dma_semaphore, #tpu.memory_space<semaphore_mem>>, %arg13: memref<!tpu.dma_semaphore, #tpu.memory_space<semaphore_mem>>, %arg14: memref<!tpu.dma_semaphore, #tpu.memory_space<semaphore_mem>>, %arg15: memref<!tpu.dma_semaphore, #tpu.memory_space<semaphore_mem>>) attributes {dimension_semantics = [#tpu.dimension_semantics<core_parallel>, #tpu.dimension_semantics<subcore_parallel>], iteration_bounds = array<i64: 2, 16>, scalar_prefetch = 0 : i64, scratch_operands = 10 : i64, tpu.core_type = #tpu.core_type<sc_vector_subcore>, window_params = [{transform_indices = #map}, {transform_indices = #map}, {transform_indices = #map}, {transform_indices = #map1}]} {
    %mul3A = arith.constant 2 : i32
    %mul3A_0 = arith.muli %arg1, %mul3A : i32
    %add3A = arith.addi %mul3A_0, %arg0 : i32
    %broadcast_in_dim3A = arith.constant 0.000000e+00 : f32
    %broadcast_in_dim3A_1 = vector.broadcast %broadcast_in_dim3A : f32 to vector<16xf32>
    %scan3A = arith.constant 0 : i32
    %scan3A_2 = arith.constant 0 : i32
    %scan3A_3 = arith.constant 32 : i32
    %scan3A_4 = arith.addi %scan3A_2, %scan3A_3 : i32
    %scan3A_5 = arith.constant 1 : i32
    scf.for %scan3A_188 = %scan3A_2 to %scan3A_4 step %scan3A_5  : i32 {
      %swap3A = arith.index_cast %scan3A_188 : i32 to index
      %swap3A_189 = arith.constant 0 : index
      %swap3A_190 = tpu.vector_load %arg10[%swap3A, %swap3A_189] {strides = array<i32>} : memref<32x128xf32, #tpu.memory_space<vmem>>, vector<1x16xf32>,
      %swap3A_191 = vector.shape_cast %swap3A_190 : vector<1x16xf32> to vector<16xf32>
      %swap3A_192 = vector.shape_cast %broadcast_in_dim3A_1 : vector<16xf32> to vector<1x16xf32>
      tpu.vector_store %arg10[%swap3A, %swap3A_189], %swap3A_192 {strides = array<i32>} : memref<32x128xf32, #tpu.memory_space<vmem>>, vector<1x16xf32>,
      %swap3A_193 = arith.index_cast %scan3A_188 : i32 to index
      %swap3A_194 = arith.constant 16 : index
      %swap3A_195 = tpu.vector_load %arg10[%swap3A_193, %swap3A_194] {strides = array<i32>} : memref<32x128xf32, #tpu.memory_space<vmem>>, vector<1x16xf32>,
      %swap3A_196 = vector.shape_cast %swap3A_195 : vector<1x16xf32> to vector<16xf32>
      %swap3A_197 = vector.shape_cast %broadcast_in_dim3A_1 : vector<16xf32> to vector<1x16xf32>
      tpu.vector_store %arg10[%swap3A_193, %swap3A_194], %swap3A_197 {strides = array<i32>} : memref<32x128xf32, #tpu.memory_space<vmem>>, vector<1x16xf32>,
      %swap3A_198 = arith.index_cast %scan3A_188 : i32 to index
      %swap3A_199 = arith.constant 32 : index
      %swap3A_200 = tpu.vector_load %arg10[%swap3A_198, %swap3A_199] {strides = array<i32>} : memref<32x128xf32, #tpu.memory_space<vmem>>, vector<1x16xf32>,
      %swap3A_201 = vector.shape_cast %swap3A_200 : vector<1x16xf32> to vector<16xf32>
      %swap3A_202 = vector.shape_cast %broadcast_in_dim3A_1 : vector<16xf32> to vector<1x16xf32>
      tpu.vector_store %arg10[%swap3A_198, %swap3A_199], %swap3A_202 {strides = array<i32>} : memref<32x128xf32, #tpu.memory_space<vmem>>, vector<1x16xf32>,
      %swap3A_203 = arith.index_cast %scan3A_188 : i32 to index
      %swap3A_204 = arith.constant 48 : index
      %swap3A_205 = tpu.vector_load %arg10[%swap3A_203, %swap3A_204] {strides = array<i32>} : memref<32x128xf32, #tpu.memory_space<vmem>>, vector<1x16xf32>,
      %swap3A_206 = vector.shape_cast %swap3A_205 : vector<1x16xf32> to vector<16xf32>
      %swap3A_207 = vector.shape_cast %broadcast_in_dim3A_1 : vector<16xf32> to vector<1x16xf32>
      tpu.vector_store %arg10[%swap3A_203, %swap3A_204], %swap3A_207 {strides = array<i32>} : memref<32x128xf32, #tpu.memory_space<vmem>>, vector<1x16xf32>,
      %swap3A_208 = arith.index_cast %scan3A_188 : i32 to index
      %swap3A_209 = arith.constant 64 : index
      %swap3A_210 = tpu.vector_load %arg10[%swap3A_208, %swap3A_209] {strides = array<i32>} : memref<32x128xf32, #tpu.memory_space<vmem>>, vector<1x16xf32>,
      %swap3A_211 = vector.shape_cast %swap3A_210 : vector<1x16xf32> to vector<16xf32>
      %swap3A_212 = vector.shape_cast %broadcast_in_dim3A_1 : vector<16xf32> to vector<1x16xf32>
      tpu.vector_store %arg10[%swap3A_208, %swap3A_209], %swap3A_212 {strides = array<i32>} : memref<32x128xf32, #tpu.memory_space<vmem>>, vector<1x16xf32>,
      %swap3A_213 = arith.index_cast %scan3A_188 : i32 to index
      %swap3A_214 = arith.constant 80 : index
      %swap3A_215 = tpu.vector_load %arg10[%swap3A_213, %swap3A_214] {strides = array<i32>} : memref<32x128xf32, #tpu.memory_space<vmem>>, vector<1x16xf32>,
      %swap3A_216 = vector.shape_cast %swap3A_215 : vector<1x16xf32> to vector<16xf32>
      %swap3A_217 = vector.shape_cast %broadcast_in_dim3A_1 : vector<16xf32> to vector<1x16xf32>
      tpu.vector_store %arg10[%swap3A_213, %swap3A_214], %swap3A_217 {strides = array<i32>} : memref<32x128xf32, #tpu.memory_space<vmem>>, vector<1x16xf32>,
      %swap3A_218 = arith.index_cast %scan3A_188 : i32 to index
      %swap3A_219 = arith.constant 96 : index
      %swap3A_220 = tpu.vector_load %arg10[%swap3A_218, %swap3A_219] {strides = array<i32>} : memref<32x128xf32, #tpu.memory_space<vmem>>, vector<1x16xf32>,
      %swap3A_221 = vector.shape_cast %swap3A_220 : vector<1x16xf32> to vector<16xf32>
      %swap3A_222 = vector.shape_cast %broadcast_in_dim3A_1 : vector<16xf32> to vector<1x16xf32>
      tpu.vector_store %arg10[%swap3A_218, %swap3A_219], %swap3A_222 {strides = array<i32>} : memref<32x128xf32, #tpu.memory_space<vmem>>, vector<1x16xf32>,
      %swap3A_223 = arith.index_cast %scan3A_188 : i32 to index
      %swap3A_224 = arith.constant 112 : index
      %swap3A_225 = tpu.vector_load %arg10[%swap3A_223, %swap3A_224] {strides = array<i32>} : memref<32x128xf32, #tpu.memory_space<vmem>>, vector<1x16xf32>,
      %swap3A_226 = vector.shape_cast %swap3A_225 : vector<1x16xf32> to vector<16xf32>
      %swap3A_227 = vector.shape_cast %broadcast_in_dim3A_1 : vector<16xf32> to vector<1x16xf32>
      tpu.vector_store %arg10[%swap3A_223, %swap3A_224], %swap3A_227 {strides = array<i32>} : memref<32x128xf32, #tpu.memory_space<vmem>>, vector<1x16xf32>,
    }
    %scan3A_6 = arith.constant 32 : i32
    %mul3A_7 = arith.constant 640 : i32
    %mul3A_8 = arith.muli %arg1, %mul3A_7 : i32
    %add3A_9 = arith.constant 0 : i32
    %add3A_10 = arith.addi %mul3A_8, %add3A_9 : i32
    "tpu.region"() ({
      %run_scoped3A = tpu.sem_alloc : memref<!tpu.dma_semaphore, #tpu.memory_space<semaphore_mem>>
      %dma_start3A_188 = arith.constant 0 : i32
      %dma_start3A_189 = tpu.memref_slice %arg11[%add3A_10, %dma_start3A_188] : memref<10240x128xf32, #tpu.memory_space<vmem_shared>> -> memref<32x128xf32, #tpu.memory_space<vmem_shared>>
      %dma_start3A_190 = arith.constant 0 : i32
      %dma_start3A_191 = tpu.memref_slice %arg11[%add3A_10, %dma_start3A_190] : memref<10240x128xf32, #tpu.memory_space<vmem_shared>> -> memref<32x128xf32, #tpu.memory_space<vmem_shared>>
      tpu.enqueue_dma source(%arg10 : memref<32x128xf32, #tpu.memory_space<vmem>>) target(%dma_start3A_191 : memref<32x128xf32, #tpu.memory_space<vmem_shared>>) target_semaphore(%run_scoped3A : memref<!tpu.dma_semaphore, #tpu.memory_space<semaphore_mem>>)
      %dma_wait3A_192 = arith.constant 0 : i32
      %dma_wait3A_193 = tpu.memref_slice %arg11[%add3A_10, %dma_wait3A_192] : memref<10240x128xf32, #tpu.memory_space<vmem_shared>> -> memref<32x128xf32, #tpu.memory_space<vmem_shared>>
      %dma_wait3A_194 = arith.constant 0 : i32
      %dma_wait3A_195 = tpu.memref_slice %arg11[%add3A_10, %dma_wait3A_194] : memref<10240x128xf32, #tpu.memory_space<vmem_shared>> -> memref<32x128xf32, #tpu.memory_space<vmem_shared>>
      tpu.wait_dma2 semaphore(%run_scoped3A : memref<!tpu.dma_semaphore, #tpu.memory_space<semaphore_mem>>) src(%arg10 : memref<32x128xf32, #tpu.memory_space<vmem>>) dst(%dma_wait3A_195 : memref<32x128xf32, #tpu.memory_space<vmem_shared>>)
      tpu.yield
    }) : () -> ()
    %add3A_11 = arith.constant 32 : i32
    %add3A_12 = arith.addi %mul3A_8, %add3A_11 : i32
    "tpu.region"() ({
      %run_scoped3A = tpu.sem_alloc : memref<!tpu.dma_semaphore, #tpu.memory_space<semaphore_mem>>
      %dma_start3A_188 = arith.constant 0 : i32
      %dma_start3A_189 = tpu.memref_slice %arg11[%add3A_12, %dma_start3A_188] : memref<10240x128xf32, #tpu.memory_space<vmem_shared>> -> memref<32x128xf32, #tpu.memory_space<vmem_shared>>
      %dma_start3A_190 = arith.constant 0 : i32
      %dma_start3A_191 = tpu.memref_slice %arg11[%add3A_12, %dma_start3A_190] : memref<10240x128xf32, #tpu.memory_space<vmem_shared>> -> memref<32x128xf32, #tpu.memory_space<vmem_shared>>
      tpu.enqueue_dma source(%arg10 : memref<32x128xf32, #tpu.memory_space<vmem>>) target(%dma_start3A_191 : memref<32x128xf32, #tpu.memory_space<vmem_shared>>) target_semaphore(%run_scoped3A : memref<!tpu.dma_semaphore, #tpu.memory_space<semaphore_mem>>)
      %dma_wait3A_192 = arith.constant 0 : i32
      %dma_wait3A_193 = tpu.memref_slice %arg11[%add3A_12, %dma_wait3A_192] : memref<10240x128xf32, #tpu.memory_space<vmem_shared>> -> memref<32x128xf32, #tpu.memory_space<vmem_shared>>
      %dma_wait3A_194 = arith.constant 0 : i32
      %dma_wait3A_195 = tpu.memref_slice %arg11[%add3A_12, %dma_wait3A_194] : memref<10240x128xf32, #tpu.memory_space<vmem_shared>> -> memref<32x128xf32, #tpu.memory_space<vmem_shared>>
      tpu.wait_dma2 semaphore(%run_scoped3A : memref<!tpu.dma_semaphore, #tpu.memory_space<semaphore_mem>>) src(%arg10 : memref<32x128xf32, #tpu.memory_space<vmem>>) dst(%dma_wait3A_195 : memref<32x128xf32, #tpu.memory_space<vmem_shared>>)
      tpu.yield
    }) : () -> ()
    %add3A_13 = arith.constant 64 : i32
    %add3A_14 = arith.addi %mul3A_8, %add3A_13 : i32
    "tpu.region"() ({
      %run_scoped3A = tpu.sem_alloc : memref<!tpu.dma_semaphore, #tpu.memory_space<semaphore_mem>>
      %dma_start3A_188 = arith.constant 0 : i32
      %dma_start3A_189 = tpu.memref_slice %arg11[%add3A_14, %dma_start3A_188] : memref<10240x128xf32, #tpu.memory_space<vmem_shared>> -> memref<32x128xf32, #tpu.memory_space<vmem_shared>>
      %dma_start3A_190 = arith.constant 0 : i32
      %dma_start3A_191 = tpu.memref_slice %arg11[%add3A_14, %dma_start3A_190] : memref<10240x128xf32, #tpu.memory_space<vmem_shared>> -> memref<32x128xf32, #tpu.memory_space<vmem_shared>>
      tpu.enqueue_dma source(%arg10 : memref<32x128xf32, #tpu.memory_space<vmem>>) target(%dma_start3A_191 : memref<32x128xf32, #tpu.memory_space<vmem_shared>>) target_semaphore(%run_scoped3A : memref<!tpu.dma_semaphore, #tpu.memory_space<semaphore_mem>>)
      %dma_wait3A_192 = arith.constant 0 : i32
      %dma_wait3A_193 = tpu.memref_slice %arg11[%add3A_14, %dma_wait3A_192] : memref<10240x128xf32, #tpu.memory_space<vmem_shared>> -> memref<32x128xf32, #tpu.memory_space<vmem_shared>>
      %dma_wait3A_194 = arith.constant 0 : i32
      %dma_wait3A_195 = tpu.memref_slice %arg11[%add3A_14, %dma_wait3A_194] : memref<10240x128xf32, #tpu.memory_space<vmem_shared>> -> memref<32x128xf32, #tpu.memory_space<vmem_shared>>
      tpu.wait_dma2 semaphore(%run_scoped3A : memref<!tpu.dma_semaphore, #tpu.memory_space<semaphore_mem>>) src(%arg10 : memref<32x128xf32, #tpu.memory_space<vmem>>) dst(%dma_wait3A_195 : memref<32x128xf32, #tpu.memory_space<vmem_shared>>)
      tpu.yield
    }) : () -> ()
    %add3A_15 = arith.constant 96 : i32
    %add3A_16 = arith.addi %mul3A_8, %add3A_15 : i32
    "tpu.region"() ({
      %run_scoped3A = tpu.sem_alloc : memref<!tpu.dma_semaphore, #tpu.memory_space<semaphore_mem>>
      %dma_start3A_188 = arith.constant 0 : i32
      %dma_start3A_189 = tpu.memref_slice %arg11[%add3A_16, %dma_start3A_188] : memref<10240x128xf32, #tpu.memory_space<vmem_shared>> -> memref<32x128xf32, #tpu.memory_space<vmem_shared>>
      %dma_start3A_190 = arith.constant 0 : i32
      %dma_start3A_191 = tpu.memref_slice %arg11[%add3A_16, %dma_start3A_190] : memref<10240x128xf32, #tpu.memory_space<vmem_shared>> -> memref<32x128xf32, #tpu.memory_space<vmem_shared>>
      tpu.enqueue_dma source(%arg10 : memref<32x128xf32, #tpu.memory_space<vmem>>) target(%dma_start3A_191 : memref<32x128xf32, #tpu.memory_space<vmem_shared>>) target_semaphore(%run_scoped3A : memref<!tpu.dma_semaphore, #tpu.memory_space<semaphore_mem>>)
      %dma_wait3A_192 = arith.constant 0 : i32
      %dma_wait3A_193 = tpu.memref_slice %arg11[%add3A_16, %dma_wait3A_192] : memref<10240x128xf32, #tpu.memory_space<vmem_shared>> -> memref<32x128xf32, #tpu.memory_space<vmem_shared>>
      %dma_wait3A_194 = arith.constant 0 : i32
      %dma_wait3A_195 = tpu.memref_slice %arg11[%add3A_16, %dma_wait3A_194] : memref<10240x128xf32, #tpu.memory_space<vmem_shared>> -> memref<32x128xf32, #tpu.memory_space<vmem_shared>>
      tpu.wait_dma2 semaphore(%run_scoped3A : memref<!tpu.dma_semaphore, #tpu.memory_space<semaphore_mem>>) src(%arg10 : memref<32x128xf32, #tpu.memory_space<vmem>>) dst(%dma_wait3A_195 : memref<32x128xf32, #tpu.memory_space<vmem_shared>>)
      tpu.yield
    }) : () -> ()
    %add3A_17 = arith.constant 128 : i32
    %add3A_18 = arith.addi %mul3A_8, %add3A_17 : i32
    "tpu.region"() ({
      %run_scoped3A = tpu.sem_alloc : memref<!tpu.dma_semaphore, #tpu.memory_space<semaphore_mem>>
      %dma_start3A_188 = arith.constant 0 : i32
      %dma_start3A_189 = tpu.memref_slice %arg11[%add3A_18, %dma_start3A_188] : memref<10240x128xf32, #tpu.memory_space<vmem_shared>> -> memref<32x128xf32, #tpu.memory_space<vmem_shared>>
      %dma_start3A_190 = arith.constant 0 : i32
      %dma_start3A_191 = tpu.memref_slice %arg11[%add3A_18, %dma_start3A_190] : memref<10240x128xf32, #tpu.memory_space<vmem_shared>> -> memref<32x128xf32, #tpu.memory_space<vmem_shared>>
      tpu.enqueue_dma source(%arg10 : memref<32x128xf32, #tpu.memory_space<vmem>>) target(%dma_start3A_191 : memref<32x128xf32, #tpu.memory_space<vmem_shared>>) target_semaphore(%run_scoped3A : memref<!tpu.dma_semaphore, #tpu.memory_space<semaphore_mem>>)
      %dma_wait3A_192 = arith.constant 0 : i32
      %dma_wait3A_193 = tpu.memref_slice %arg11[%add3A_18, %dma_wait3A_192] : memref<10240x128xf32, #tpu.memory_space<vmem_shared>> -> memref<32x128xf32, #tpu.memory_space<vmem_shared>>
      %dma_wait3A_194 = arith.constant 0 : i32
      %dma_wait3A_195 = tpu.memref_slice %arg11[%add3A_18, %dma_wait3A_194] : memref<10240x128xf32, #tpu.memory_space<vmem_shared>> -> memref<32x128xf32, #tpu.memory_space<vmem_shared>>
      tpu.wait_dma2 semaphore(%run_scoped3A : memref<!tpu.dma_semaphore, #tpu.memory_space<semaphore_mem>>) src(%arg10 : memref<32x128xf32, #tpu.memory_space<vmem>>) dst(%dma_wait3A_195 : memref<32x128xf32, #tpu.memory_space<vmem_shared>>)
      tpu.yield
    }) : () -> ()
    %add3A_19 = arith.constant 160 : i32
    %add3A_20 = arith.addi %mul3A_8, %add3A_19 : i32
    "tpu.region"() ({
      %run_scoped3A = tpu.sem_alloc : memref<!tpu.dma_semaphore, #tpu.memory_space<semaphore_mem>>
      %dma_start3A_188 = arith.constant 0 : i32
      %dma_start3A_189 = tpu.memref_slice %arg11[%add3A_20, %dma_start3A_188] : memref<10240x128xf32, #tpu.memory_space<vmem_shared>> -> memref<32x128xf32, #tpu.memory_space<vmem_shared>>
      %dma_start3A_190 = arith.constant 0 : i32
      %dma_start3A_191 = tpu.memref_slice %arg11[%add3A_20, %dma_start3A_190] : memref<10240x128xf32, #tpu.memory_space<vmem_shared>> -> memref<32x128xf32, #tpu.memory_space<vmem_shared>>
      tpu.enqueue_dma source(%arg10 : memref<32x128xf32, #tpu.memory_space<vmem>>) target(%dma_start3A_191 : memref<32x128xf32, #tpu.memory_space<vmem_shared>>) target_semaphore(%run_scoped3A : memref<!tpu.dma_semaphore, #tpu.memory_space<semaphore_mem>>)
      %dma_wait3A_192 = arith.constant 0 : i32
      %dma_wait3A_193 = tpu.memref_slice %arg11[%add3A_20, %dma_wait3A_192] : memref<10240x128xf32, #tpu.memory_space<vmem_shared>> -> memref<32x128xf32, #tpu.memory_space<vmem_shared>>
      %dma_wait3A_194 = arith.constant 0 : i32
      %dma_wait3A_195 = tpu.memref_slice %arg11[%add3A_20, %dma_wait3A_194] : memref<10240x128xf32, #tpu.memory_space<vmem_shared>> -> memref<32x128xf32, #tpu.memory_space<vmem_shared>>
      tpu.wait_dma2 semaphore(%run_scoped3A : memref<!tpu.dma_semaphore, #tpu.memory_space<semaphore_mem>>) src(%arg10 : memref<32x128xf32, #tpu.memory_space<vmem>>) dst(%dma_wait3A_195 : memref<32x128xf32, #tpu.memory_space<vmem_shared>>)
      tpu.yield
    }) : () -> ()
    %add3A_21 = arith.constant 192 : i32
    %add3A_22 = arith.addi %mul3A_8, %add3A_21 : i32
    "tpu.region"() ({
      %run_scoped3A = tpu.sem_alloc : memref<!tpu.dma_semaphore, #tpu.memory_space<semaphore_mem>>
      %dma_start3A_188 = arith.constant 0 : i32
      %dma_start3A_189 = tpu.memref_slice %arg11[%add3A_22, %dma_start3A_188] : memref<10240x128xf32, #tpu.memory_space<vmem_shared>> -> memref<32x128xf32, #tpu.memory_space<vmem_shared>>
      %dma_start3A_190 = arith.constant 0 : i32
      %dma_start3A_191 = tpu.memref_slice %arg11[%add3A_22, %dma_start3A_190] : memref<10240x128xf32, #tpu.memory_space<vmem_shared>> -> memref<32x128xf32, #tpu.memory_space<vmem_shared>>
      tpu.enqueue_dma source(%arg10 : memref<32x128xf32, #tpu.memory_space<vmem>>) target(%dma_start3A_191 : memref<32x128xf32, #tpu.memory_space<vmem_shared>>) target_semaphore(%run_scoped3A : memref<!tpu.dma_semaphore, #tpu.memory_space<semaphore_mem>>)
      %dma_wait3A_192 = arith.constant 0 : i32
      %dma_wait3A_193 = tpu.memref_slice %arg11[%add3A_22, %dma_wait3A_192] : memref<10240x128xf32, #tpu.memory_space<vmem_shared>> -> memref<32x128xf32, #tpu.memory_space<vmem_shared>>
      %dma_wait3A_194 = arith.constant 0 : i32
      %dma_wait3A_195 = tpu.memref_slice %arg11[%add3A_22, %dma_wait3A_194] : memref<10240x128xf32, #tpu.memory_space<vmem_shared>> -> memref<32x128xf32, #tpu.memory_space<vmem_shared>>
      tpu.wait_dma2 semaphore(%run_scoped3A : memref<!tpu.dma_semaphore, #tpu.memory_space<semaphore_mem>>) src(%arg10 : memref<32x128xf32, #tpu.memory_space<vmem>>) dst(%dma_wait3A_195 : memref<32x128xf32, #tpu.memory_space<vmem_shared>>)
      tpu.yield
    }) : () -> ()
    %add3A_23 = arith.constant 224 : i32
    %add3A_24 = arith.addi %mul3A_8, %add3A_23 : i32
    "tpu.region"() ({
      %run_scoped3A = tpu.sem_alloc : memref<!tpu.dma_semaphore, #tpu.memory_space<semaphore_mem>>
      %dma_start3A_188 = arith.constant 0 : i32
      %dma_start3A_189 = tpu.memref_slice %arg11[%add3A_24, %dma_start3A_188] : memref<10240x128xf32, #tpu.memory_space<vmem_shared>> -> memref<32x128xf32, #tpu.memory_space<vmem_shared>>
      %dma_start3A_190 = arith.constant 0 : i32
      %dma_start3A_191 = tpu.memref_slice %arg11[%add3A_24, %dma_start3A_190] : memref<10240x128xf32, #tpu.memory_space<vmem_shared>> -> memref<32x128xf32, #tpu.memory_space<vmem_shared>>
      tpu.enqueue_dma source(%arg10 : memref<32x128xf32, #tpu.memory_space<vmem>>) target(%dma_start3A_191 : memref<32x128xf32, #tpu.memory_space<vmem_shared>>) target_semaphore(%run_scoped3A : memref<!tpu.dma_semaphore, #tpu.memory_space<semaphore_mem>>)
      %dma_wait3A_192 = arith.constant 0 : i32
      %dma_wait3A_193 = tpu.memref_slice %arg11[%add3A_24, %dma_wait3A_192] : memref<10240x128xf32, #tpu.memory_space<vmem_shared>> -> memref<32x128xf32, #tpu.memory_space<vmem_shared>>
      %dma_wait3A_194 = arith.constant 0 : i32
      %dma_wait3A_195 = tpu.memref_slice %arg11[%add3A_24, %dma_wait3A_194] : memref<10240x128xf32, #tpu.memory_space<vmem_shared>> -> memref<32x128xf32, #tpu.memory_space<vmem_shared>>
      tpu.wait_dma2 semaphore(%run_scoped3A : memref<!tpu.dma_semaphore, #tpu.memory_space<semaphore_mem>>) src(%arg10 : memref<32x128xf32, #tpu.memory_space<vmem>>) dst(%dma_wait3A_195 : memref<32x128xf32, #tpu.memory_space<vmem_shared>>)
      tpu.yield
    }) : () -> ()
    %add3A_25 = arith.constant 256 : i32
    %add3A_26 = arith.addi %mul3A_8, %add3A_25 : i32
    "tpu.region"() ({
      %run_scoped3A = tpu.sem_alloc : memref<!tpu.dma_semaphore, #tpu.memory_space<semaphore_mem>>
      %dma_start3A_188 = arith.constant 0 : i32
      %dma_start3A_189 = tpu.memref_slice %arg11[%add3A_26, %dma_start3A_188] : memref<10240x128xf32, #tpu.memory_space<vmem_shared>> -> memref<32x128xf32, #tpu.memory_space<vmem_shared>>
      %dma_start3A_190 = arith.constant 0 : i32
      %dma_start3A_191 = tpu.memref_slice %arg11[%add3A_26, %dma_start3A_190] : memref<10240x128xf32, #tpu.memory_space<vmem_shared>> -> memref<32x128xf32, #tpu.memory_space<vmem_shared>>
      tpu.enqueue_dma source(%arg10 : memref<32x128xf32, #tpu.memory_space<vmem>>) target(%dma_start3A_191 : memref<32x128xf32, #tpu.memory_space<vmem_shared>>) target_semaphore(%run_scoped3A : memref<!tpu.dma_semaphore, #tpu.memory_space<semaphore_mem>>)
      %dma_wait3A_192 = arith.constant 0 : i32
      %dma_wait3A_193 = tpu.memref_slice %arg11[%add3A_26, %dma_wait3A_192] : memref<10240x128xf32, #tpu.memory_space<vmem_shared>> -> memref<32x128xf32, #tpu.memory_space<vmem_shared>>
      %dma_wait3A_194 = arith.constant 0 : i32
      %dma_wait3A_195 = tpu.memref_slice %arg11[%add3A_26, %dma_wait3A_194] : memref<10240x128xf32, #tpu.memory_space<vmem_shared>> -> memref<32x128xf32, #tpu.memory_space<vmem_shared>>
      tpu.wait_dma2 semaphore(%run_scoped3A : memref<!tpu.dma_semaphore, #tpu.memory_space<semaphore_mem>>) src(%arg10 : memref<32x128xf32, #tpu.memory_space<vmem>>) dst(%dma_wait3A_195 : memref<32x128xf32, #tpu.memory_space<vmem_shared>>)
      tpu.yield
    }) : () -> ()
    %add3A_27 = arith.constant 288 : i32
    %add3A_28 = arith.addi %mul3A_8, %add3A_27 : i32
    "tpu.region"() ({
      %run_scoped3A = tpu.sem_alloc : memref<!tpu.dma_semaphore, #tpu.memory_space<semaphore_mem>>
      %dma_start3A_188 = arith.constant 0 : i32
      %dma_start3A_189 = tpu.memref_slice %arg11[%add3A_28, %dma_start3A_188] : memref<10240x128xf32, #tpu.memory_space<vmem_shared>> -> memref<32x128xf32, #tpu.memory_space<vmem_shared>>
      %dma_start3A_190 = arith.constant 0 : i32
      %dma_start3A_191 = tpu.memref_slice %arg11[%add3A_28, %dma_start3A_190] : memref<10240x128xf32, #tpu.memory_space<vmem_shared>> -> memref<32x128xf32, #tpu.memory_space<vmem_shared>>
      tpu.enqueue_dma source(%arg10 : memref<32x128xf32, #tpu.memory_space<vmem>>) target(%dma_start3A_191 : memref<32x128xf32, #tpu.memory_space<vmem_shared>>) target_semaphore(%run_scoped3A : memref<!tpu.dma_semaphore, #tpu.memory_space<semaphore_mem>>)
      %dma_wait3A_192 = arith.constant 0 : i32
      %dma_wait3A_193 = tpu.memref_slice %arg11[%add3A_28, %dma_wait3A_192] : memref<10240x128xf32, #tpu.memory_space<vmem_shared>> -> memref<32x128xf32, #tpu.memory_space<vmem_shared>>
      %dma_wait3A_194 = arith.constant 0 : i32
      %dma_wait3A_195 = tpu.memref_slice %arg11[%add3A_28, %dma_wait3A_194] : memref<10240x128xf32, #tpu.memory_space<vmem_shared>> -> memref<32x128xf32, #tpu.memory_space<vmem_shared>>
      tpu.wait_dma2 semaphore(%run_scoped3A : memref<!tpu.dma_semaphore, #tpu.memory_space<semaphore_mem>>) src(%arg10 : memref<32x128xf32, #tpu.memory_space<vmem>>) dst(%dma_wait3A_195 : memref<32x128xf32, #tpu.memory_space<vmem_shared>>)
      tpu.yield
    }) : () -> ()
    %add3A_29 = arith.constant 320 : i32
    %add3A_30 = arith.addi %mul3A_8, %add3A_29 : i32
    "tpu.region"() ({
      %run_scoped3A = tpu.sem_alloc : memref<!tpu.dma_semaphore, #tpu.memory_space<semaphore_mem>>
      %dma_start3A_188 = arith.constant 0 : i32
      %dma_start3A_189 = tpu.memref_slice %arg11[%add3A_30, %dma_start3A_188] : memref<10240x128xf32, #tpu.memory_space<vmem_shared>> -> memref<32x128xf32, #tpu.memory_space<vmem_shared>>
      %dma_start3A_190 = arith.constant 0 : i32
      %dma_start3A_191 = tpu.memref_slice %arg11[%add3A_30, %dma_start3A_190] : memref<10240x128xf32, #tpu.memory_space<vmem_shared>> -> memref<32x128xf32, #tpu.memory_space<vmem_shared>>
      tpu.enqueue_dma source(%arg10 : memref<32x128xf32, #tpu.memory_space<vmem>>) target(%dma_start3A_191 : memref<32x128xf32, #tpu.memory_space<vmem_shared>>) target_semaphore(%run_scoped3A : memref<!tpu.dma_semaphore, #tpu.memory_space<semaphore_mem>>)
      %dma_wait3A_192 = arith.constant 0 : i32
      %dma_wait3A_193 = tpu.memref_slice %arg11[%add3A_30, %dma_wait3A_192] : memref<10240x128xf32, #tpu.memory_space<vmem_shared>> -> memref<32x128xf32, #tpu.memory_space<vmem_shared>>
      %dma_wait3A_194 = arith.constant 0 : i32
      %dma_wait3A_195 = tpu.memref_slice %arg11[%add3A_30, %dma_wait3A_194] : memref<10240x128xf32, #tpu.memory_space<vmem_shared>> -> memref<32x128xf32, #tpu.memory_space<vmem_shared>>
      tpu.wait_dma2 semaphore(%run_scoped3A : memref<!tpu.dma_semaphore, #tpu.memory_space<semaphore_mem>>) src(%arg10 : memref<32x128xf32, #tpu.memory_space<vmem>>) dst(%dma_wait3A_195 : memref<32x128xf32, #tpu.memory_space<vmem_shared>>)
      tpu.yield
    }) : () -> ()
    %add3A_31 = arith.constant 352 : i32
    %add3A_32 = arith.addi %mul3A_8, %add3A_31 : i32
    "tpu.region"() ({
      %run_scoped3A = tpu.sem_alloc : memref<!tpu.dma_semaphore, #tpu.memory_space<semaphore_mem>>
      %dma_start3A_188 = arith.constant 0 : i32
      %dma_start3A_189 = tpu.memref_slice %arg11[%add3A_32, %dma_start3A_188] : memref<10240x128xf32, #tpu.memory_space<vmem_shared>> -> memref<32x128xf32, #tpu.memory_space<vmem_shared>>
      %dma_start3A_190 = arith.constant 0 : i32
      %dma_start3A_191 = tpu.memref_slice %arg11[%add3A_32, %dma_start3A_190] : memref<10240x128xf32, #tpu.memory_space<vmem_shared>> -> memref<32x128xf32, #tpu.memory_space<vmem_shared>>
      tpu.enqueue_dma source(%arg10 : memref<32x128xf32, #tpu.memory_space<vmem>>) target(%dma_start3A_191 : memref<32x128xf32, #tpu.memory_space<vmem_shared>>) target_semaphore(%run_scoped3A : memref<!tpu.dma_semaphore, #tpu.memory_space<semaphore_mem>>)
      %dma_wait3A_192 = arith.constant 0 : i32
      %dma_wait3A_193 = tpu.memref_slice %arg11[%add3A_32, %dma_wait3A_192] : memref<10240x128xf32, #tpu.memory_space<vmem_shared>> -> memref<32x128xf32, #tpu.memory_space<vmem_shared>>
      %dma_wait3A_194 = arith.constant 0 : i32
      %dma_wait3A_195 = tpu.memref_slice %arg11[%add3A_32, %dma_wait3A_194] : memref<10240x128xf32, #tpu.memory_space<vmem_shared>> -> memref<32x128xf32, #tpu.memory_space<vmem_shared>>
      tpu.wait_dma2 semaphore(%run_scoped3A : memref<!tpu.dma_semaphore, #tpu.memory_space<semaphore_mem>>) src(%arg10 : memref<32x128xf32, #tpu.memory_space<vmem>>) dst(%dma_wait3A_195 : memref<32x128xf32, #tpu.memory_space<vmem_shared>>)
      tpu.yield
    }) : () -> ()
    %add3A_33 = arith.constant 384 : i32
    %add3A_34 = arith.addi %mul3A_8, %add3A_33 : i32
    "tpu.region"() ({
      %run_scoped3A = tpu.sem_alloc : memref<!tpu.dma_semaphore, #tpu.memory_space<semaphore_mem>>
      %dma_start3A_188 = arith.constant 0 : i32
      %dma_start3A_189 = tpu.memref_slice %arg11[%add3A_34, %dma_start3A_188] : memref<10240x128xf32, #tpu.memory_space<vmem_shared>> -> memref<32x128xf32, #tpu.memory_space<vmem_shared>>
      %dma_start3A_190 = arith.constant 0 : i32
      %dma_start3A_191 = tpu.memref_slice %arg11[%add3A_34, %dma_start3A_190] : memref<10240x128xf32, #tpu.memory_space<vmem_shared>> -> memref<32x128xf32, #tpu.memory_space<vmem_shared>>
      tpu.enqueue_dma source(%arg10 : memref<32x128xf32, #tpu.memory_space<vmem>>) target(%dma_start3A_191 : memref<32x128xf32, #tpu.memory_space<vmem_shared>>) target_semaphore(%run_scoped3A : memref<!tpu.dma_semaphore, #tpu.memory_space<semaphore_mem>>)
      %dma_wait3A_192 = arith.constant 0 : i32
      %dma_wait3A_193 = tpu.memref_slice %arg11[%add3A_34, %dma_wait3A_192] : memref<10240x128xf32, #tpu.memory_space<vmem_shared>> -> memref<32x128xf32, #tpu.memory_space<vmem_shared>>
      %dma_wait3A_194 = arith.constant 0 : i32
      %dma_wait3A_195 = tpu.memref_slice %arg11[%add3A_34, %dma_wait3A_194] : memref<10240x128xf32, #tpu.memory_space<vmem_shared>> -> memref<32x128xf32, #tpu.memory_space<vmem_shared>>
      tpu.wait_dma2 semaphore(%run_scoped3A : memref<!tpu.dma_semaphore, #tpu.memory_space<semaphore_mem>>) src(%arg10 : memref<32x128xf32, #tpu.memory_space<vmem>>) dst(%dma_wait3A_195 : memref<32x128xf32, #tpu.memory_space<vmem_shared>>)
      tpu.yield
    }) : () -> ()
    %add3A_35 = arith.constant 416 : i32
    %add3A_36 = arith.addi %mul3A_8, %add3A_35 : i32
    "tpu.region"() ({
      %run_scoped3A = tpu.sem_alloc : memref<!tpu.dma_semaphore, #tpu.memory_space<semaphore_mem>>
      %dma_start3A_188 = arith.constant 0 : i32
      %dma_start3A_189 = tpu.memref_slice %arg11[%add3A_36, %dma_start3A_188] : memref<10240x128xf32, #tpu.memory_space<vmem_shared>> -> memref<32x128xf32, #tpu.memory_space<vmem_shared>>
      %dma_start3A_190 = arith.constant 0 : i32
      %dma_start3A_191 = tpu.memref_slice %arg11[%add3A_36, %dma_start3A_190] : memref<10240x128xf32, #tpu.memory_space<vmem_shared>> -> memref<32x128xf32, #tpu.memory_space<vmem_shared>>
      tpu.enqueue_dma source(%arg10 : memref<32x128xf32, #tpu.memory_space<vmem>>) target(%dma_start3A_191 : memref<32x128xf32, #tpu.memory_space<vmem_shared>>) target_semaphore(%run_scoped3A : memref<!tpu.dma_semaphore, #tpu.memory_space<semaphore_mem>>)
      %dma_wait3A_192 = arith.constant 0 : i32
      %dma_wait3A_193 = tpu.memref_slice %arg11[%add3A_36, %dma_wait3A_192] : memref<10240x128xf32, #tpu.memory_space<vmem_shared>> -> memref<32x128xf32, #tpu.memory_space<vmem_shared>>
      %dma_wait3A_194 = arith.constant 0 : i32
      %dma_wait3A_195 = tpu.memref_slice %arg11[%add3A_36, %dma_wait3A_194] : memref<10240x128xf32, #tpu.memory_space<vmem_shared>> -> memref<32x128xf32, #tpu.memory_space<vmem_shared>>
      tpu.wait_dma2 semaphore(%run_scoped3A : memref<!tpu.dma_semaphore, #tpu.memory_space<semaphore_mem>>) src(%arg10 : memref<32x128xf32, #tpu.memory_space<vmem>>) dst(%dma_wait3A_195 : memref<32x128xf32, #tpu.memory_space<vmem_shared>>)
      tpu.yield
    }) : () -> ()
    %add3A_37 = arith.constant 448 : i32
    %add3A_38 = arith.addi %mul3A_8, %add3A_37 : i32
    "tpu.region"() ({
      %run_scoped3A = tpu.sem_alloc : memref<!tpu.dma_semaphore, #tpu.memory_space<semaphore_mem>>
      %dma_start3A_188 = arith.constant 0 : i32
      %dma_start3A_189 = tpu.memref_slice %arg11[%add3A_38, %dma_start3A_188] : memref<10240x128xf32, #tpu.memory_space<vmem_shared>> -> memref<32x128xf32, #tpu.memory_space<vmem_shared>>
      %dma_start3A_190 = arith.constant 0 : i32
      %dma_start3A_191 = tpu.memref_slice %arg11[%add3A_38, %dma_start3A_190] : memref<10240x128xf32, #tpu.memory_space<vmem_shared>> -> memref<32x128xf32, #tpu.memory_space<vmem_shared>>
      tpu.enqueue_dma source(%arg10 : memref<32x128xf32, #tpu.memory_space<vmem>>) target(%dma_start3A_191 : memref<32x128xf32, #tpu.memory_space<vmem_shared>>) target_semaphore(%run_scoped3A : memref<!tpu.dma_semaphore, #tpu.memory_space<semaphore_mem>>)
      %dma_wait3A_192 = arith.constant 0 : i32
      %dma_wait3A_193 = tpu.memref_slice %arg11[%add3A_38, %dma_wait3A_192] : memref<10240x128xf32, #tpu.memory_space<vmem_shared>> -> memref<32x128xf32, #tpu.memory_space<vmem_shared>>
      %dma_wait3A_194 = arith.constant 0 : i32
      %dma_wait3A_195 = tpu.memref_slice %arg11[%add3A_38, %dma_wait3A_194] : memref<10240x128xf32, #tpu.memory_space<vmem_shared>> -> memref<32x128xf32, #tpu.memory_space<vmem_shared>>
      tpu.wait_dma2 semaphore(%run_scoped3A : memref<!tpu.dma_semaphore, #tpu.memory_space<semaphore_mem>>) src(%arg10 : memref<32x128xf32, #tpu.memory_space<vmem>>) dst(%dma_wait3A_195 : memref<32x128xf32, #tpu.memory_space<vmem_shared>>)
      tpu.yield
    }) : () -> ()
    %add3A_39 = arith.constant 480 : i32
    %add3A_40 = arith.addi %mul3A_8, %add3A_39 : i32
    "tpu.region"() ({
      %run_scoped3A = tpu.sem_alloc : memref<!tpu.dma_semaphore, #tpu.memory_space<semaphore_mem>>
      %dma_start3A_188 = arith.constant 0 : i32
      %dma_start3A_189 = tpu.memref_slice %arg11[%add3A_40, %dma_start3A_188] : memref<10240x128xf32, #tpu.memory_space<vmem_shared>> -> memref<32x128xf32, #tpu.memory_space<vmem_shared>>
      %dma_start3A_190 = arith.constant 0 : i32
      %dma_start3A_191 = tpu.memref_slice %arg11[%add3A_40, %dma_start3A_190] : memref<10240x128xf32, #tpu.memory_space<vmem_shared>> -> memref<32x128xf32, #tpu.memory_space<vmem_shared>>
      tpu.enqueue_dma source(%arg10 : memref<32x128xf32, #tpu.memory_space<vmem>>) target(%dma_start3A_191 : memref<32x128xf32, #tpu.memory_space<vmem_shared>>) target_semaphore(%run_scoped3A : memref<!tpu.dma_semaphore, #tpu.memory_space<semaphore_mem>>)
      %dma_wait3A_192 = arith.constant 0 : i32
      %dma_wait3A_193 = tpu.memref_slice %arg11[%add3A_40, %dma_wait3A_192] : memref<10240x128xf32, #tpu.memory_space<vmem_shared>> -> memref<32x128xf32, #tpu.memory_space<vmem_shared>>
      %dma_wait3A_194 = arith.constant 0 : i32
      %dma_wait3A_195 = tpu.memref_slice %arg11[%add3A_40, %dma_wait3A_194] : memref<10240x128xf32, #tpu.memory_space<vmem_shared>> -> memref<32x128xf32, #tpu.memory_space<vmem_shared>>
      tpu.wait_dma2 semaphore(%run_scoped3A : memref<!tpu.dma_semaphore, #tpu.memory_space<semaphore_mem>>) src(%arg10 : memref<32x128xf32, #tpu.memory_space<vmem>>) dst(%dma_wait3A_195 : memref<32x128xf32, #tpu.memory_space<vmem_shared>>)
      tpu.yield
    }) : () -> ()
    %add3A_41 = arith.constant 512 : i32
    %add3A_42 = arith.addi %mul3A_8, %add3A_41 : i32
    "tpu.region"() ({
      %run_scoped3A = tpu.sem_alloc : memref<!tpu.dma_semaphore, #tpu.memory_space<semaphore_mem>>
      %dma_start3A_188 = arith.constant 0 : i32
      %dma_start3A_189 = tpu.memref_slice %arg11[%add3A_42, %dma_start3A_188] : memref<10240x128xf32, #tpu.memory_space<vmem_shared>> -> memref<32x128xf32, #tpu.memory_space<vmem_shared>>
      %dma_start3A_190 = arith.constant 0 : i32
      %dma_start3A_191 = tpu.memref_slice %arg11[%add3A_42, %dma_start3A_190] : memref<10240x128xf32, #tpu.memory_space<vmem_shared>> -> memref<32x128xf32, #tpu.memory_space<vmem_shared>>
      tpu.enqueue_dma source(%arg10 : memref<32x128xf32, #tpu.memory_space<vmem>>) target(%dma_start3A_191 : memref<32x128xf32, #tpu.memory_space<vmem_shared>>) target_semaphore(%run_scoped3A : memref<!tpu.dma_semaphore, #tpu.memory_space<semaphore_mem>>)
      %dma_wait3A_192 = arith.constant 0 : i32
      %dma_wait3A_193 = tpu.memref_slice %arg11[%add3A_42, %dma_wait3A_192] : memref<10240x128xf32, #tpu.memory_space<vmem_shared>> -> memref<32x128xf32, #tpu.memory_space<vmem_shared>>
      %dma_wait3A_194 = arith.constant 0 : i32
      %dma_wait3A_195 = tpu.memref_slice %arg11[%add3A_42, %dma_wait3A_194] : memref<10240x128xf32, #tpu.memory_space<vmem_shared>> -> memref<32x128xf32, #tpu.memory_space<vmem_shared>>
      tpu.wait_dma2 semaphore(%run_scoped3A : memref<!tpu.dma_semaphore, #tpu.memory_space<semaphore_mem>>) src(%arg10 : memref<32x128xf32, #tpu.memory_space<vmem>>) dst(%dma_wait3A_195 : memref<32x128xf32, #tpu.memory_space<vmem_shared>>)
      tpu.yield
    }) : () -> ()
    %add3A_43 = arith.constant 544 : i32
    %add3A_44 = arith.addi %mul3A_8, %add3A_43 : i32
    "tpu.region"() ({
      %run_scoped3A = tpu.sem_alloc : memref<!tpu.dma_semaphore, #tpu.memory_space<semaphore_mem>>
      %dma_start3A_188 = arith.constant 0 : i32
      %dma_start3A_189 = tpu.memref_slice %arg11[%add3A_44, %dma_start3A_188] : memref<10240x128xf32, #tpu.memory_space<vmem_shared>> -> memref<32x128xf32, #tpu.memory_space<vmem_shared>>
      %dma_start3A_190 = arith.constant 0 : i32
      %dma_start3A_191 = tpu.memref_slice %arg11[%add3A_44, %dma_start3A_190] : memref<10240x128xf32, #tpu.memory_space<vmem_shared>> -> memref<32x128xf32, #tpu.memory_space<vmem_shared>>
      tpu.enqueue_dma source(%arg10 : memref<32x128xf32, #tpu.memory_space<vmem>>) target(%dma_start3A_191 : memref<32x128xf32, #tpu.memory_space<vmem_shared>>) target_semaphore(%run_scoped3A : memref<!tpu.dma_semaphore, #tpu.memory_space<semaphore_mem>>)
      %dma_wait3A_192 = arith.constant 0 : i32
      %dma_wait3A_193 = tpu.memref_slice %arg11[%add3A_44, %dma_wait3A_192] : memref<10240x128xf32, #tpu.memory_space<vmem_shared>> -> memref<32x128xf32, #tpu.memory_space<vmem_shared>>
      %dma_wait3A_194 = arith.constant 0 : i32
      %dma_wait3A_195 = tpu.memref_slice %arg11[%add3A_44, %dma_wait3A_194] : memref<10240x128xf32, #tpu.memory_space<vmem_shared>> -> memref<32x128xf32, #tpu.memory_space<vmem_shared>>
      tpu.wait_dma2 semaphore(%run_scoped3A : memref<!tpu.dma_semaphore, #tpu.memory_space<semaphore_mem>>) src(%arg10 : memref<32x128xf32, #tpu.memory_space<vmem>>) dst(%dma_wait3A_195 : memref<32x128xf32, #tpu.memory_space<vmem_shared>>)
      tpu.yield
    }) : () -> ()
    %add3A_45 = arith.constant 576 : i32
    %add3A_46 = arith.addi %mul3A_8, %add3A_45 : i32
    "tpu.region"() ({
      %run_scoped3A = tpu.sem_alloc : memref<!tpu.dma_semaphore, #tpu.memory_space<semaphore_mem>>
      %dma_start3A_188 = arith.constant 0 : i32
      %dma_start3A_189 = tpu.memref_slice %arg11[%add3A_46, %dma_start3A_188] : memref<10240x128xf32, #tpu.memory_space<vmem_shared>> -> memref<32x128xf32, #tpu.memory_space<vmem_shared>>
      %dma_start3A_190 = arith.constant 0 : i32
      %dma_start3A_191 = tpu.memref_slice %arg11[%add3A_46, %dma_start3A_190] : memref<10240x128xf32, #tpu.memory_space<vmem_shared>> -> memref<32x128xf32, #tpu.memory_space<vmem_shared>>
      tpu.enqueue_dma source(%arg10 : memref<32x128xf32, #tpu.memory_space<vmem>>) target(%dma_start3A_191 : memref<32x128xf32, #tpu.memory_space<vmem_shared>>) target_semaphore(%run_scoped3A : memref<!tpu.dma_semaphore, #tpu.memory_space<semaphore_mem>>)
      %dma_wait3A_192 = arith.constant 0 : i32
      %dma_wait3A_193 = tpu.memref_slice %arg11[%add3A_46, %dma_wait3A_192] : memref<10240x128xf32, #tpu.memory_space<vmem_shared>> -> memref<32x128xf32, #tpu.memory_space<vmem_shared>>
      %dma_wait3A_194 = arith.constant 0 : i32
      %dma_wait3A_195 = tpu.memref_slice %arg11[%add3A_46, %dma_wait3A_194] : memref<10240x128xf32, #tpu.memory_space<vmem_shared>> -> memref<32x128xf32, #tpu.memory_space<vmem_shared>>
      tpu.wait_dma2 semaphore(%run_scoped3A : memref<!tpu.dma_semaphore, #tpu.memory_space<semaphore_mem>>) src(%arg10 : memref<32x128xf32, #tpu.memory_space<vmem>>) dst(%dma_wait3A_195 : memref<32x128xf32, #tpu.memory_space<vmem_shared>>)
      tpu.yield
    }) : () -> ()
    %add3A_47 = arith.constant 608 : i32
    %add3A_48 = arith.addi %mul3A_8, %add3A_47 : i32
    "tpu.region"() ({
      %run_scoped3A = tpu.sem_alloc : memref<!tpu.dma_semaphore, #tpu.memory_space<semaphore_mem>>
      %dma_start3A_188 = arith.constant 0 : i32
      %dma_start3A_189 = tpu.memref_slice %arg11[%add3A_48, %dma_start3A_188] : memref<10240x128xf32, #tpu.memory_space<vmem_shared>> -> memref<32x128xf32, #tpu.memory_space<vmem_shared>>
      %dma_start3A_190 = arith.constant 0 : i32
      %dma_start3A_191 = tpu.memref_slice %arg11[%add3A_48, %dma_start3A_190] : memref<10240x128xf32, #tpu.memory_space<vmem_shared>> -> memref<32x128xf32, #tpu.memory_space<vmem_shared>>
      tpu.enqueue_dma source(%arg10 : memref<32x128xf32, #tpu.memory_space<vmem>>) target(%dma_start3A_191 : memref<32x128xf32, #tpu.memory_space<vmem_shared>>) target_semaphore(%run_scoped3A : memref<!tpu.dma_semaphore, #tpu.memory_space<semaphore_mem>>)
      %dma_wait3A_192 = arith.constant 0 : i32
      %dma_wait3A_193 = tpu.memref_slice %arg11[%add3A_48, %dma_wait3A_192] : memref<10240x128xf32, #tpu.memory_space<vmem_shared>> -> memref<32x128xf32, #tpu.memory_space<vmem_shared>>
      %dma_wait3A_194 = arith.constant 0 : i32
      %dma_wait3A_195 = tpu.memref_slice %arg11[%add3A_48, %dma_wait3A_194] : memref<10240x128xf32, #tpu.memory_space<vmem_shared>> -> memref<32x128xf32, #tpu.memory_space<vmem_shared>>
      tpu.wait_dma2 semaphore(%run_scoped3A : memref<!tpu.dma_semaphore, #tpu.memory_space<semaphore_mem>>) src(%arg10 : memref<32x128xf32, #tpu.memory_space<vmem>>) dst(%dma_wait3A_195 : memref<32x128xf32, #tpu.memory_space<vmem_shared>>)
      tpu.yield
    }) : () -> ()
    %barrier3A = arith.constant 0 : index
    tpu.barrier barrier_id(%barrier3A)
    %mul3A_49 = arith.constant 80 : i32
    %mul3A_50 = arith.muli %add3A, %mul3A_49 : i32
    %add3A_51 = arith.constant 0 : i32
    %add3A_52 = arith.addi %mul3A_50, %add3A_51 : i32
    "tpu.region"() ({
      %run_scoped3A = tpu.sem_alloc : memref<!tpu.dma_semaphore, #tpu.memory_space<semaphore_mem>>
      %dma_start3A_188 = arith.constant 0 : i32
      %dma_start3A_189 = tpu.memref_slice %arg3[%add3A_52, %dma_start3A_188] : memref<2560x125xi32, #tpu.memory_space<hbm>> -> memref<40x125xi32, #tpu.memory_space<hbm>>
      %dma_start3A_190 = arith.constant 0 : i32
      %dma_start3A_191 = tpu.memref_slice %arg3[%add3A_52, %dma_start3A_190] : memref<2560x125xi32, #tpu.memory_space<hbm>> -> memref<40x125xi32, #tpu.memory_space<hbm>>
      tpu.enqueue_dma source(%dma_start3A_191 : memref<40x125xi32, #tpu.memory_space<hbm>>) target(%arg6 : memref<40x125xi32, #tpu.memory_space<vmem>>) target_semaphore(%run_scoped3A : memref<!tpu.dma_semaphore, #tpu.memory_space<semaphore_mem>>)
      %dma_wait3A_192 = arith.constant 0 : i32
      %dma_wait3A_193 = tpu.memref_slice %arg3[%add3A_52, %dma_wait3A_192] : memref<2560x125xi32, #tpu.memory_space<hbm>> -> memref<40x125xi32, #tpu.memory_space<hbm>>
      %dma_wait3A_194 = arith.constant 0 : i32
      %dma_wait3A_195 = tpu.memref_slice %arg3[%add3A_52, %dma_wait3A_194] : memref<2560x125xi32, #tpu.memory_space<hbm>> -> memref<40x125xi32, #tpu.memory_space<hbm>>
      tpu.wait_dma2 semaphore(%run_scoped3A : memref<!tpu.dma_semaphore, #tpu.memory_space<semaphore_mem>>) src(%dma_wait3A_195 : memref<40x125xi32, #tpu.memory_space<hbm>>) dst(%arg6 : memref<40x125xi32, #tpu.memory_space<vmem>>)
      tpu.yield
    }) : () -> ()
    %mul3A_53 = arith.constant 80 : i32
    %mul3A_54 = arith.muli %add3A, %mul3A_53 : i32
    %add3A_55 = arith.constant 0 : i32
    %add3A_56 = arith.addi %mul3A_54, %add3A_55 : i32
    "tpu.region"() ({
      %run_scoped3A = tpu.sem_alloc : memref<!tpu.dma_semaphore, #tpu.memory_space<semaphore_mem>>
      %dma_start3A_188 = arith.constant 0 : i32
      %dma_start3A_189 = tpu.memref_slice %arg4[%add3A_56, %dma_start3A_188] : memref<2560x125xi32, #tpu.memory_space<hbm>> -> memref<40x125xi32, #tpu.memory_space<hbm>>
      %dma_start3A_190 = arith.constant 0 : i32
      %dma_start3A_191 = tpu.memref_slice %arg4[%add3A_56, %dma_start3A_190] : memref<2560x125xi32, #tpu.memory_space<hbm>> -> memref<40x125xi32, #tpu.memory_space<hbm>>
      tpu.enqueue_dma source(%dma_start3A_191 : memref<40x125xi32, #tpu.memory_space<hbm>>) target(%arg7 : memref<40x125xi32, #tpu.memory_space<vmem>>) target_semaphore(%run_scoped3A : memref<!tpu.dma_semaphore, #tpu.memory_space<semaphore_mem>>)
      %dma_wait3A_192 = arith.constant 0 : i32
      %dma_wait3A_193 = tpu.memref_slice %arg4[%add3A_56, %dma_wait3A_192] : memref<2560x125xi32, #tpu.memory_space<hbm>> -> memref<40x125xi32, #tpu.memory_space<hbm>>
      %dma_wait3A_194 = arith.constant 0 : i32
      %dma_wait3A_195 = tpu.memref_slice %arg4[%add3A_56, %dma_wait3A_194] : memref<2560x125xi32, #tpu.memory_space<hbm>> -> memref<40x125xi32, #tpu.memory_space<hbm>>
      tpu.wait_dma2 semaphore(%run_scoped3A : memref<!tpu.dma_semaphore, #tpu.memory_space<semaphore_mem>>) src(%dma_wait3A_195 : memref<40x125xi32, #tpu.memory_space<hbm>>) dst(%arg7 : memref<40x125xi32, #tpu.memory_space<vmem>>)
      tpu.yield
    }) : () -> ()
    %dma_start3A = arith.constant 0 : i32
    %dma_start3A_57 = arith.constant 0 : i32
    %dma_start3A_58 = tpu.memref_slice %arg6[%dma_start3A, %dma_start3A_57] : memref<40x125xi32, #tpu.memory_space<vmem>> -> memref<1x125xi32, #tpu.memory_space<vmem>>
    %dma_start3A_59 = tpu.memref_squeeze %dma_start3A_58 : memref<1x125xi32, #tpu.memory_space<vmem>> -> memref<125xi32, #tpu.memory_space<vmem>>
    %dma_start3A_60 = arith.constant 0 : i32
    %dma_start3A_61 = arith.constant 0 : i32
    %dma_start3A_62 = tpu.memref_slice %arg2[%dma_start3A_60, %dma_start3A_61] : memref<10000x128xf32, #tpu.memory_space<hbm>> -> memref<10000x128xf32, #tpu.memory_space<hbm>>
    tpu.enqueue_indirect_dma source(%dma_start3A_62 : memref<10000x128xf32, #tpu.memory_space<hbm>>) target(%arg8 : memref<125x128xf32, #tpu.memory_space<vmem>>) offsets(%dma_start3A_59 : memref<125xi32, #tpu.memory_space<vmem>>) semaphore(%arg12 : memref<!tpu.dma_semaphore, #tpu.memory_space<semaphore_mem>>)
    %dma_wait3A = arith.constant 0 : i32
    %dma_wait3A_63 = arith.constant 0 : i32
    %dma_wait3A_64 = tpu.memref_slice %arg6[%dma_wait3A, %dma_wait3A_63] : memref<40x125xi32, #tpu.memory_space<vmem>> -> memref<1x125xi32, #tpu.memory_space<vmem>>
    %dma_wait3A_65 = tpu.memref_squeeze %dma_wait3A_64 : memref<1x125xi32, #tpu.memory_space<vmem>> -> memref<125xi32, #tpu.memory_space<vmem>>
    %dma_wait3A_66 = arith.constant 0 : i32
    %dma_wait3A_67 = arith.constant 0 : i32
    %dma_wait3A_68 = tpu.memref_slice %arg2[%dma_wait3A_66, %dma_wait3A_67] : memref<10000x128xf32, #tpu.memory_space<hbm>> -> memref<10000x128xf32, #tpu.memory_space<hbm>>
    tpu.wait_indirect_dma semaphore(%arg12 : memref<!tpu.dma_semaphore, #tpu.memory_space<semaphore_mem>>) src(%dma_wait3A_68 : memref<10000x128xf32, #tpu.memory_space<hbm>>) dst(%arg8 : memref<125x128xf32, #tpu.memory_space<vmem>>)
    %dma_start3A_69 = arith.constant 0 : i32
    %dma_start3A_70 = arith.constant 0 : i32
    %dma_start3A_71 = tpu.memref_slice %arg7[%dma_start3A_69, %dma_start3A_70] : memref<40x125xi32, #tpu.memory_space<vmem>> -> memref<1x125xi32, #tpu.memory_space<vmem>>
    %dma_start3A_72 = tpu.memref_squeeze %dma_start3A_71 : memref<1x125xi32, #tpu.memory_space<vmem>> -> memref<125xi32, #tpu.memory_space<vmem>>
    %dma_start3A_73 = arith.constant 0 : i32
    %dma_start3A_74 = arith.constant 0 : i32
    %dma_start3A_75 = tpu.memref_slice %arg11[%dma_start3A_73, %dma_start3A_74] : memref<10240x128xf32, #tpu.memory_space<vmem_shared>> -> memref<10240x128xf32, #tpu.memory_space<vmem_shared>>
    tpu.enqueue_indirect_dma source(%arg8 : memref<125x128xf32, #tpu.memory_space<vmem>>) target(%dma_start3A_75 : memref<10240x128xf32, #tpu.memory_space<vmem_shared>>) offsets(%dma_start3A_72 : memref<125xi32, #tpu.memory_space<vmem>>) semaphore(%arg14 : memref<!tpu.dma_semaphore, #tpu.memory_space<semaphore_mem>>) {add = true}
    %dma_start3A_76 = arith.constant 1 : i32
    %dma_start3A_77 = arith.constant 0 : i32
    %dma_start3A_78 = tpu.memref_slice %arg6[%dma_start3A_76, %dma_start3A_77] : memref<40x125xi32, #tpu.memory_space<vmem>> -> memref<1x125xi32, #tpu.memory_space<vmem>>
    %dma_start3A_79 = tpu.memref_squeeze %dma_start3A_78 : memref<1x125xi32, #tpu.memory_space<vmem>> -> memref<125xi32, #tpu.memory_space<vmem>>
    %dma_start3A_80 = arith.constant 0 : i32
    %dma_start3A_81 = arith.constant 0 : i32
    %dma_start3A_82 = tpu.memref_slice %arg2[%dma_start3A_80, %dma_start3A_81] : memref<10000x128xf32, #tpu.memory_space<hbm>> -> memref<10000x128xf32, #tpu.memory_space<hbm>>
    tpu.enqueue_indirect_dma source(%dma_start3A_82 : memref<10000x128xf32, #tpu.memory_space<hbm>>) target(%arg9 : memref<125x128xf32, #tpu.memory_space<vmem>>) offsets(%dma_start3A_79 : memref<125xi32, #tpu.memory_space<vmem>>) semaphore(%arg13 : memref<!tpu.dma_semaphore, #tpu.memory_space<semaphore_mem>>)
    %scan3A_83 = arith.constant 0 : i32
    %scan3A_84 = arith.constant 0 : i32
    %scan3A_85 = arith.constant 19 : i32
    %scan3A_86 = arith.addi %scan3A_84, %scan3A_85 : i32
    %scan3A_87 = arith.constant 1 : i32
    scf.for %scan3A_188 = %scan3A_84 to %scan3A_86 step %scan3A_87  : i32 {
      %mul3A_189 = arith.constant 2 : i32
      %mul3A_190 = arith.muli %mul3A_189, %scan3A_188 : i32
      %add3A_191 = arith.constant 1 : i32
      %add3A_192 = arith.addi %mul3A_190, %add3A_191 : i32
      %dma_wait3A_193 = arith.constant 0 : i32
      %dma_wait3A_194 = arith.constant 0 : i32
      %dma_wait3A_195 = tpu.memref_slice %arg6[%dma_wait3A_193, %dma_wait3A_194] : memref<40x125xi32, #tpu.memory_space<vmem>> -> memref<1x125xi32, #tpu.memory_space<vmem>>
      %dma_wait3A_196 = tpu.memref_squeeze %dma_wait3A_195 : memref<1x125xi32, #tpu.memory_space<vmem>> -> memref<125xi32, #tpu.memory_space<vmem>>
      %dma_wait3A_197 = arith.constant 0 : i32
      %dma_wait3A_198 = arith.constant 0 : i32
      %dma_wait3A_199 = tpu.memref_slice %arg2[%dma_wait3A_197, %dma_wait3A_198] : memref<10000x128xf32, #tpu.memory_space<hbm>> -> memref<10000x128xf32, #tpu.memory_space<hbm>>
      tpu.wait_indirect_dma semaphore(%arg13 : memref<!tpu.dma_semaphore, #tpu.memory_space<semaphore_mem>>) src(%dma_wait3A_199 : memref<10000x128xf32, #tpu.memory_space<hbm>>) dst(%arg9 : memref<125x128xf32, #tpu.memory_space<vmem>>)
      %dma_start3A_200 = arith.constant 0 : i32
      %dma_start3A_201 = tpu.memref_slice %arg7[%add3A_192, %dma_start3A_200] : memref<40x125xi32, #tpu.memory_space<vmem>> -> memref<1x125xi32, #tpu.memory_space<vmem>>
      %dma_start3A_202 = tpu.memref_squeeze %dma_start3A_201 : memref<1x125xi32, #tpu.memory_space<vmem>> -> memref<125xi32, #tpu.memory_space<vmem>>
      %dma_start3A_203 = arith.constant 0 : i32
      %dma_start3A_204 = arith.constant 0 : i32
      %dma_start3A_205 = tpu.memref_slice %arg11[%dma_start3A_203, %dma_start3A_204] : memref<10240x128xf32, #tpu.memory_space<vmem_shared>> -> memref<10240x128xf32, #tpu.memory_space<vmem_shared>>
      tpu.enqueue_indirect_dma source(%arg9 : memref<125x128xf32, #tpu.memory_space<vmem>>) target(%dma_start3A_205 : memref<10240x128xf32, #tpu.memory_space<vmem_shared>>) offsets(%dma_start3A_202 : memref<125xi32, #tpu.memory_space<vmem>>) semaphore(%arg15 : memref<!tpu.dma_semaphore, #tpu.memory_space<semaphore_mem>>) {add = true}
      %dma_wait3A_206 = arith.constant 0 : i32
      %dma_wait3A_207 = arith.constant 0 : i32
      %dma_wait3A_208 = tpu.memref_slice %arg7[%dma_wait3A_206, %dma_wait3A_207] : memref<40x125xi32, #tpu.memory_space<vmem>> -> memref<1x125xi32, #tpu.memory_space<vmem>>
      %dma_wait3A_209 = tpu.memref_squeeze %dma_wait3A_208 : memref<1x125xi32, #tpu.memory_space<vmem>> -> memref<125xi32, #tpu.memory_space<vmem>>
      %dma_wait3A_210 = arith.constant 0 : i32
      %dma_wait3A_211 = arith.constant 0 : i32
      %dma_wait3A_212 = tpu.memref_slice %arg11[%dma_wait3A_210, %dma_wait3A_211] : memref<10240x128xf32, #tpu.memory_space<vmem_shared>> -> memref<10240x128xf32, #tpu.memory_space<vmem_shared>>
      tpu.wait_indirect_dma semaphore(%arg14 : memref<!tpu.dma_semaphore, #tpu.memory_space<semaphore_mem>>) src(%arg8 : memref<125x128xf32, #tpu.memory_space<vmem>>) dst(%dma_wait3A_212 : memref<10240x128xf32, #tpu.memory_space<vmem_shared>>)
      %add3A_213 = arith.constant 1 : i32
      %add3A_214 = arith.addi %add3A_192, %add3A_213 : i32
      %dma_start3A_215 = arith.constant 0 : i32
      %dma_start3A_216 = tpu.memref_slice %arg6[%add3A_214, %dma_start3A_215] : memref<40x125xi32, #tpu.memory_space<vmem>> -> memref<1x125xi32, #tpu.memory_space<vmem>>
      %dma_start3A_217 = tpu.memref_squeeze %dma_start3A_216 : memref<1x125xi32, #tpu.memory_space<vmem>> -> memref<125xi32, #tpu.memory_space<vmem>>
      %dma_start3A_218 = arith.constant 0 : i32
      %dma_start3A_219 = arith.constant 0 : i32
      %dma_start3A_220 = tpu.memref_slice %arg2[%dma_start3A_218, %dma_start3A_219] : memref<10000x128xf32, #tpu.memory_space<hbm>> -> memref<10000x128xf32, #tpu.memory_space<hbm>>
      tpu.enqueue_indirect_dma source(%dma_start3A_220 : memref<10000x128xf32, #tpu.memory_space<hbm>>) target(%arg8 : memref<125x128xf32, #tpu.memory_space<vmem>>) offsets(%dma_start3A_217 : memref<125xi32, #tpu.memory_space<vmem>>) semaphore(%arg12 : memref<!tpu.dma_semaphore, #tpu.memory_space<semaphore_mem>>)
      %dma_wait3A_221 = arith.constant 0 : i32
      %dma_wait3A_222 = arith.constant 0 : i32
      %dma_wait3A_223 = tpu.memref_slice %arg6[%dma_wait3A_221, %dma_wait3A_222] : memref<40x125xi32, #tpu.memory_space<vmem>> -> memref<1x125xi32, #tpu.memory_space<vmem>>
      %dma_wait3A_224 = tpu.memref_squeeze %dma_wait3A_223 : memref<1x125xi32, #tpu.memory_space<vmem>> -> memref<125xi32, #tpu.memory_space<vmem>>
      %dma_wait3A_225 = arith.constant 0 : i32
      %dma_wait3A_226 = arith.constant 0 : i32
      %dma_wait3A_227 = tpu.memref_slice %arg2[%dma_wait3A_225, %dma_wait3A_226] : memref<10000x128xf32, #tpu.memory_space<hbm>> -> memref<10000x128xf32, #tpu.memory_space<hbm>>
      tpu.wait_indirect_dma semaphore(%arg12 : memref<!tpu.dma_semaphore, #tpu.memory_space<semaphore_mem>>) src(%dma_wait3A_227 : memref<10000x128xf32, #tpu.memory_space<hbm>>) dst(%arg8 : memref<125x128xf32, #tpu.memory_space<vmem>>)
      %add3A_228 = arith.constant 1 : i32
      %add3A_229 = arith.addi %add3A_192, %add3A_228 : i32
      %dma_start3A_230 = arith.constant 0 : i32
      %dma_start3A_231 = tpu.memref_slice %arg7[%add3A_229, %dma_start3A_230] : memref<40x125xi32, #tpu.memory_space<vmem>> -> memref<1x125xi32, #tpu.memory_space<vmem>>
      %dma_start3A_232 = tpu.memref_squeeze %dma_start3A_231 : memref<1x125xi32, #tpu.memory_space<vmem>> -> memref<125xi32, #tpu.memory_space<vmem>>
      %dma_start3A_233 = arith.constant 0 : i32
      %dma_start3A_234 = arith.constant 0 : i32
      %dma_start3A_235 = tpu.memref_slice %arg11[%dma_start3A_233, %dma_start3A_234] : memref<10240x128xf32, #tpu.memory_space<vmem_shared>> -> memref<10240x128xf32, #tpu.memory_space<vmem_shared>>
      tpu.enqueue_indirect_dma source(%arg8 : memref<125x128xf32, #tpu.memory_space<vmem>>) target(%dma_start3A_235 : memref<10240x128xf32, #tpu.memory_space<vmem_shared>>) offsets(%dma_start3A_232 : memref<125xi32, #tpu.memory_space<vmem>>) semaphore(%arg14 : memref<!tpu.dma_semaphore, #tpu.memory_space<semaphore_mem>>) {add = true}
      %dma_wait3A_236 = arith.constant 0 : i32
      %dma_wait3A_237 = arith.constant 0 : i32
      %dma_wait3A_238 = tpu.memref_slice %arg7[%dma_wait3A_236, %dma_wait3A_237] : memref<40x125xi32, #tpu.memory_space<vmem>> -> memref<1x125xi32, #tpu.memory_space<vmem>>
      %dma_wait3A_239 = tpu.memref_squeeze %dma_wait3A_238 : memref<1x125xi32, #tpu.memory_space<vmem>> -> memref<125xi32, #tpu.memory_space<vmem>>
      %dma_wait3A_240 = arith.constant 0 : i32
      %dma_wait3A_241 = arith.constant 0 : i32
      %dma_wait3A_242 = tpu.memref_slice %arg11[%dma_wait3A_240, %dma_wait3A_241] : memref<10240x128xf32, #tpu.memory_space<vmem_shared>> -> memref<10240x128xf32, #tpu.memory_space<vmem_shared>>
      tpu.wait_indirect_dma semaphore(%arg15 : memref<!tpu.dma_semaphore, #tpu.memory_space<semaphore_mem>>) src(%arg9 : memref<125x128xf32, #tpu.memory_space<vmem>>) dst(%dma_wait3A_242 : memref<10240x128xf32, #tpu.memory_space<vmem_shared>>)
      %add3A_243 = arith.constant 2 : i32
      %add3A_244 = arith.addi %add3A_192, %add3A_243 : i32
      %dma_start3A_245 = arith.constant 0 : i32
      %dma_start3A_246 = tpu.memref_slice %arg6[%add3A_244, %dma_start3A_245] : memref<40x125xi32, #tpu.memory_space<vmem>> -> memref<1x125xi32, #tpu.memory_space<vmem>>
      %dma_start3A_247 = tpu.memref_squeeze %dma_start3A_246 : memref<1x125xi32, #tpu.memory_space<vmem>> -> memref<125xi32, #tpu.memory_space<vmem>>
      %dma_start3A_248 = arith.constant 0 : i32
      %dma_start3A_249 = arith.constant 0 : i32
      %dma_start3A_250 = tpu.memref_slice %arg2[%dma_start3A_248, %dma_start3A_249] : memref<10000x128xf32, #tpu.memory_space<hbm>> -> memref<10000x128xf32, #tpu.memory_space<hbm>>
      tpu.enqueue_indirect_dma source(%dma_start3A_250 : memref<10000x128xf32, #tpu.memory_space<hbm>>) target(%arg9 : memref<125x128xf32, #tpu.memory_space<vmem>>) offsets(%dma_start3A_247 : memref<125xi32, #tpu.memory_space<vmem>>) semaphore(%arg13 : memref<!tpu.dma_semaphore, #tpu.memory_space<semaphore_mem>>)
    }
    %scan3A_88 = arith.constant 19 : i32
    %dma_wait3A_89 = arith.constant 0 : i32
    %dma_wait3A_90 = arith.constant 0 : i32
    %dma_wait3A_91 = tpu.memref_slice %arg6[%dma_wait3A_89, %dma_wait3A_90] : memref<40x125xi32, #tpu.memory_space<vmem>> -> memref<1x125xi32, #tpu.memory_space<vmem>>
    %dma_wait3A_92 = tpu.memref_squeeze %dma_wait3A_91 : memref<1x125xi32, #tpu.memory_space<vmem>> -> memref<125xi32, #tpu.memory_space<vmem>>
    %dma_wait3A_93 = arith.constant 0 : i32
    %dma_wait3A_94 = arith.constant 0 : i32
    %dma_wait3A_95 = tpu.memref_slice %arg2[%dma_wait3A_93, %dma_wait3A_94] : memref<10000x128xf32, #tpu.memory_space<hbm>> -> memref<10000x128xf32, #tpu.memory_space<hbm>>
    tpu.wait_indirect_dma semaphore(%arg13 : memref<!tpu.dma_semaphore, #tpu.memory_space<semaphore_mem>>) src(%dma_wait3A_95 : memref<10000x128xf32, #tpu.memory_space<hbm>>) dst(%arg9 : memref<125x128xf32, #tpu.memory_space<vmem>>)
    %dma_start3A_96 = arith.constant 39 : i32
    %dma_start3A_97 = arith.constant 0 : i32
    %dma_start3A_98 = tpu.memref_slice %arg7[%dma_start3A_96, %dma_start3A_97] : memref<40x125xi32, #tpu.memory_space<vmem>> -> memref<1x125xi32, #tpu.memory_space<vmem>>
    %dma_start3A_99 = tpu.memref_squeeze %dma_start3A_98 : memref<1x125xi32, #tpu.memory_space<vmem>> -> memref<125xi32, #tpu.memory_space<vmem>>
    %dma_start3A_100 = arith.constant 0 : i32
    %dma_start3A_101 = arith.constant 0 : i32
    %dma_start3A_102 = tpu.memref_slice %arg11[%dma_start3A_100, %dma_start3A_101] : memref<10240x128xf32, #tpu.memory_space<vmem_shared>> -> memref<10240x128xf32, #tpu.memory_space<vmem_shared>>
    tpu.enqueue_indirect_dma source(%arg9 : memref<125x128xf32, #tpu.memory_space<vmem>>) target(%dma_start3A_102 : memref<10240x128xf32, #tpu.memory_space<vmem_shared>>) offsets(%dma_start3A_99 : memref<125xi32, #tpu.memory_space<vmem>>) semaphore(%arg15 : memref<!tpu.dma_semaphore, #tpu.memory_space<semaphore_mem>>) {add = true}
    %dma_wait3A_103 = arith.constant 0 : i32
    %dma_wait3A_104 = arith.constant 0 : i32
    %dma_wait3A_105 = tpu.memref_slice %arg7[%dma_wait3A_103, %dma_wait3A_104] : memref<40x125xi32, #tpu.memory_space<vmem>> -> memref<1x125xi32, #tpu.memory_space<vmem>>
    %dma_wait3A_106 = tpu.memref_squeeze %dma_wait3A_105 : memref<1x125xi32, #tpu.memory_space<vmem>> -> memref<125xi32, #tpu.memory_space<vmem>>
    %dma_wait3A_107 = arith.constant 0 : i32
    %dma_wait3A_108 = arith.constant 0 : i32
    %dma_wait3A_109 = tpu.memref_slice %arg11[%dma_wait3A_107, %dma_wait3A_108] : memref<10240x128xf32, #tpu.memory_space<vmem_shared>> -> memref<10240x128xf32, #tpu.memory_space<vmem_shared>>
    tpu.wait_indirect_dma semaphore(%arg14 : memref<!tpu.dma_semaphore, #tpu.memory_space<semaphore_mem>>) src(%arg8 : memref<125x128xf32, #tpu.memory_space<vmem>>) dst(%dma_wait3A_109 : memref<10240x128xf32, #tpu.memory_space<vmem_shared>>)
    %dma_wait3A_110 = arith.constant 0 : i32
    %dma_wait3A_111 = arith.constant 0 : i32
    %dma_wait3A_112 = tpu.memref_slice %arg7[%dma_wait3A_110, %dma_wait3A_111] : memref<40x125xi32, #tpu.memory_space<vmem>> -> memref<1x125xi32, #tpu.memory_space<vmem>>
    %dma_wait3A_113 = tpu.memref_squeeze %dma_wait3A_112 : memref<1x125xi32, #tpu.memory_space<vmem>> -> memref<125xi32, #tpu.memory_space<vmem>>
    %dma_wait3A_114 = arith.constant 0 : i32
    %dma_wait3A_115 = arith.constant 0 : i32
    %dma_wait3A_116 = tpu.memref_slice %arg11[%dma_wait3A_114, %dma_wait3A_115] : memref<10240x128xf32, #tpu.memory_space<vmem_shared>> -> memref<10240x128xf32, #tpu.memory_space<vmem_shared>>
    tpu.wait_indirect_dma semaphore(%arg15 : memref<!tpu.dma_semaphore, #tpu.memory_space<semaphore_mem>>) src(%arg9 : memref<125x128xf32, #tpu.memory_space<vmem>>) dst(%dma_wait3A_116 : memref<10240x128xf32, #tpu.memory_space<vmem_shared>>)
    %mul3A_117 = arith.constant 80 : i32
    %mul3A_118 = arith.muli %add3A, %mul3A_117 : i32
    %add3A_119 = arith.constant 40 : i32
    %add3A_120 = arith.addi %mul3A_118, %add3A_119 : i32
    "tpu.region"() ({
      %run_scoped3A = tpu.sem_alloc : memref<!tpu.dma_semaphore, #tpu.memory_space<semaphore_mem>>
      %dma_start3A_188 = arith.constant 0 : i32
      %dma_start3A_189 = tpu.memref_slice %arg3[%add3A_120, %dma_start3A_188] : memref<2560x125xi32, #tpu.memory_space<hbm>> -> memref<40x125xi32, #tpu.memory_space<hbm>>
      %dma_start3A_190 = arith.constant 0 : i32
      %dma_start3A_191 = tpu.memref_slice %arg3[%add3A_120, %dma_start3A_190] : memref<2560x125xi32, #tpu.memory_space<hbm>> -> memref<40x125xi32, #tpu.memory_space<hbm>>
      tpu.enqueue_dma source(%dma_start3A_191 : memref<40x125xi32, #tpu.memory_space<hbm>>) target(%arg6 : memref<40x125xi32, #tpu.memory_space<vmem>>) target_semaphore(%run_scoped3A : memref<!tpu.dma_semaphore, #tpu.memory_space<semaphore_mem>>)
      %dma_wait3A_192 = arith.constant 0 : i32
      %dma_wait3A_193 = tpu.memref_slice %arg3[%add3A_120, %dma_wait3A_192] : memref<2560x125xi32, #tpu.memory_space<hbm>> -> memref<40x125xi32, #tpu.memory_space<hbm>>
      %dma_wait3A_194 = arith.constant 0 : i32
      %dma_wait3A_195 = tpu.memref_slice %arg3[%add3A_120, %dma_wait3A_194] : memref<2560x125xi32, #tpu.memory_space<hbm>> -> memref<40x125xi32, #tpu.memory_space<hbm>>
      tpu.wait_dma2 semaphore(%run_scoped3A : memref<!tpu.dma_semaphore, #tpu.memory_space<semaphore_mem>>) src(%dma_wait3A_195 : memref<40x125xi32, #tpu.memory_space<hbm>>) dst(%arg6 : memref<40x125xi32, #tpu.memory_space<vmem>>)
      tpu.yield
    }) : () -> ()
    %mul3A_121 = arith.constant 80 : i32
    %mul3A_122 = arith.muli %add3A, %mul3A_121 : i32
    %add3A_123 = arith.constant 40 : i32
    %add3A_124 = arith.addi %mul3A_122, %add3A_123 : i32
    "tpu.region"() ({
      %run_scoped3A = tpu.sem_alloc : memref<!tpu.dma_semaphore, #tpu.memory_space<semaphore_mem>>
      %dma_start3A_188 = arith.constant 0 : i32
      %dma_start3A_189 = tpu.memref_slice %arg4[%add3A_124, %dma_start3A_188] : memref<2560x125xi32, #tpu.memory_space<hbm>> -> memref<40x125xi32, #tpu.memory_space<hbm>>
      %dma_start3A_190 = arith.constant 0 : i32
      %dma_start3A_191 = tpu.memref_slice %arg4[%add3A_124, %dma_start3A_190] : memref<2560x125xi32, #tpu.memory_space<hbm>> -> memref<40x125xi32, #tpu.memory_space<hbm>>
      tpu.enqueue_dma source(%dma_start3A_191 : memref<40x125xi32, #tpu.memory_space<hbm>>) target(%arg7 : memref<40x125xi32, #tpu.memory_space<vmem>>) target_semaphore(%run_scoped3A : memref<!tpu.dma_semaphore, #tpu.memory_space<semaphore_mem>>)
      %dma_wait3A_192 = arith.constant 0 : i32
      %dma_wait3A_193 = tpu.memref_slice %arg4[%add3A_124, %dma_wait3A_192] : memref<2560x125xi32, #tpu.memory_space<hbm>> -> memref<40x125xi32, #tpu.memory_space<hbm>>
      %dma_wait3A_194 = arith.constant 0 : i32
      %dma_wait3A_195 = tpu.memref_slice %arg4[%add3A_124, %dma_wait3A_194] : memref<2560x125xi32, #tpu.memory_space<hbm>> -> memref<40x125xi32, #tpu.memory_space<hbm>>
      tpu.wait_dma2 semaphore(%run_scoped3A : memref<!tpu.dma_semaphore, #tpu.memory_space<semaphore_mem>>) src(%dma_wait3A_195 : memref<40x125xi32, #tpu.memory_space<hbm>>) dst(%arg7 : memref<40x125xi32, #tpu.memory_space<vmem>>)
      tpu.yield
    }) : () -> ()
    %dma_start3A_125 = arith.constant 0 : i32
    %dma_start3A_126 = arith.constant 0 : i32
    %dma_start3A_127 = tpu.memref_slice %arg6[%dma_start3A_125, %dma_start3A_126] : memref<40x125xi32, #tpu.memory_space<vmem>> -> memref<1x125xi32, #tpu.memory_space<vmem>>
    %dma_start3A_128 = tpu.memref_squeeze %dma_start3A_127 : memref<1x125xi32, #tpu.memory_space<vmem>> -> memref<125xi32, #tpu.memory_space<vmem>>
    %dma_start3A_129 = arith.constant 0 : i32
    %dma_start3A_130 = arith.constant 0 : i32
    %dma_start3A_131 = tpu.memref_slice %arg2[%dma_start3A_129, %dma_start3A_130] : memref<10000x128xf32, #tpu.memory_space<hbm>> -> memref<10000x128xf32, #tpu.memory_space<hbm>>
    tpu.enqueue_indirect_dma source(%dma_start3A_131 : memref<10000x128xf32, #tpu.memory_space<hbm>>) target(%arg8 : memref<125x128xf32, #tpu.memory_space<vmem>>) offsets(%dma_start3A_128 : memref<125xi32, #tpu.memory_space<vmem>>) semaphore(%arg12 : memref<!tpu.dma_semaphore, #tpu.memory_space<semaphore_mem>>)
    %dma_wait3A_132 = arith.constant 0 : i32
    %dma_wait3A_133 = arith.constant 0 : i32
    %dma_wait3A_134 = tpu.memref_slice %arg6[%dma_wait3A_132, %dma_wait3A_133] : memref<40x125xi32, #tpu.memory_space<vmem>> -> memref<1x125xi32, #tpu.memory_space<vmem>>
    %dma_wait3A_135 = tpu.memref_squeeze %dma_wait3A_134 : memref<1x125xi32, #tpu.memory_space<vmem>> -> memref<125xi32, #tpu.memory_space<vmem>>
    %dma_wait3A_136 = arith.constant 0 : i32
    %dma_wait3A_137 = arith.constant 0 : i32
    %dma_wait3A_138 = tpu.memref_slice %arg2[%dma_wait3A_136, %dma_wait3A_137] : memref<10000x128xf32, #tpu.memory_space<hbm>> -> memref<10000x128xf32, #tpu.memory_space<hbm>>
    tpu.wait_indirect_dma semaphore(%arg12 : memref<!tpu.dma_semaphore, #tpu.memory_space<semaphore_mem>>) src(%dma_wait3A_138 : memref<10000x128xf32, #tpu.memory_space<hbm>>) dst(%arg8 : memref<125x128xf32, #tpu.memory_space<vmem>>)
    %dma_start3A_139 = arith.constant 0 : i32
    %dma_start3A_140 = arith.constant 0 : i32
    %dma_start3A_141 = tpu.memref_slice %arg7[%dma_start3A_139, %dma_start3A_140] : memref<40x125xi32, #tpu.memory_space<vmem>> -> memref<1x125xi32, #tpu.memory_space<vmem>>
    %dma_start3A_142 = tpu.memref_squeeze %dma_start3A_141 : memref<1x125xi32, #tpu.memory_space<vmem>> -> memref<125xi32, #tpu.memory_space<vmem>>
    %dma_start3A_143 = arith.constant 0 : i32
    %dma_start3A_144 = arith.constant 0 : i32
    %dma_start3A_145 = tpu.memref_slice %arg11[%dma_start3A_143, %dma_start3A_144] : memref<10240x128xf32, #tpu.memory_space<vmem_shared>> -> memref<10240x128xf32, #tpu.memory_space<vmem_shared>>
    tpu.enqueue_indirect_dma source(%arg8 : memref<125x128xf32, #tpu.memory_space<vmem>>) target(%dma_start3A_145 : memref<10240x128xf32, #tpu.memory_space<vmem_shared>>) offsets(%dma_start3A_142 : memref<125xi32, #tpu.memory_space<vmem>>) semaphore(%arg14 : memref<!tpu.dma_semaphore, #tpu.memory_space<semaphore_mem>>) {add = true}
    %dma_start3A_146 = arith.constant 1 : i32
    %dma_start3A_147 = arith.constant 0 : i32
    %dma_start3A_148 = tpu.memref_slice %arg6[%dma_start3A_146, %dma_start3A_147] : memref<40x125xi32, #tpu.memory_space<vmem>> -> memref<1x125xi32, #tpu.memory_space<vmem>>
    %dma_start3A_149 = tpu.memref_squeeze %dma_start3A_148 : memref<1x125xi32, #tpu.memory_space<vmem>> -> memref<125xi32, #tpu.memory_space<vmem>>
    %dma_start3A_150 = arith.constant 0 : i32
    %dma_start3A_151 = arith.constant 0 : i32
    %dma_start3A_152 = tpu.memref_slice %arg2[%dma_start3A_150, %dma_start3A_151] : memref<10000x128xf32, #tpu.memory_space<hbm>> -> memref<10000x128xf32, #tpu.memory_space<hbm>>
    tpu.enqueue_indirect_dma source(%dma_start3A_152 : memref<10000x128xf32, #tpu.memory_space<hbm>>) target(%arg9 : memref<125x128xf32, #tpu.memory_space<vmem>>) offsets(%dma_start3A_149 : memref<125xi32, #tpu.memory_space<vmem>>) semaphore(%arg13 : memref<!tpu.dma_semaphore, #tpu.memory_space<semaphore_mem>>)
    %scan3A_153 = arith.constant 0 : i32
    %scan3A_154 = arith.constant 0 : i32
    %scan3A_155 = arith.constant 19 : i32
    %scan3A_156 = arith.addi %scan3A_154, %scan3A_155 : i32
    %scan3A_157 = arith.constant 1 : i32
    scf.for %scan3A_188 = %scan3A_154 to %scan3A_156 step %scan3A_157  : i32 {
      %mul3A_189 = arith.constant 2 : i32
      %mul3A_190 = arith.muli %mul3A_189, %scan3A_188 : i32
      %add3A_191 = arith.constant 1 : i32
      %add3A_192 = arith.addi %mul3A_190, %add3A_191 : i32
      %dma_wait3A_193 = arith.constant 0 : i32
      %dma_wait3A_194 = arith.constant 0 : i32
      %dma_wait3A_195 = tpu.memref_slice %arg6[%dma_wait3A_193, %dma_wait3A_194] : memref<40x125xi32, #tpu.memory_space<vmem>> -> memref<1x125xi32, #tpu.memory_space<vmem>>
      %dma_wait3A_196 = tpu.memref_squeeze %dma_wait3A_195 : memref<1x125xi32, #tpu.memory_space<vmem>> -> memref<125xi32, #tpu.memory_space<vmem>>
      %dma_wait3A_197 = arith.constant 0 : i32
      %dma_wait3A_198 = arith.constant 0 : i32
      %dma_wait3A_199 = tpu.memref_slice %arg2[%dma_wait3A_197, %dma_wait3A_198] : memref<10000x128xf32, #tpu.memory_space<hbm>> -> memref<10000x128xf32, #tpu.memory_space<hbm>>
      tpu.wait_indirect_dma semaphore(%arg13 : memref<!tpu.dma_semaphore, #tpu.memory_space<semaphore_mem>>) src(%dma_wait3A_199 : memref<10000x128xf32, #tpu.memory_space<hbm>>) dst(%arg9 : memref<125x128xf32, #tpu.memory_space<vmem>>)
      %dma_start3A_200 = arith.constant 0 : i32
      %dma_start3A_201 = tpu.memref_slice %arg7[%add3A_192, %dma_start3A_200] : memref<40x125xi32, #tpu.memory_space<vmem>> -> memref<1x125xi32, #tpu.memory_space<vmem>>
      %dma_start3A_202 = tpu.memref_squeeze %dma_start3A_201 : memref<1x125xi32, #tpu.memory_space<vmem>> -> memref<125xi32, #tpu.memory_space<vmem>>
      %dma_start3A_203 = arith.constant 0 : i32
      %dma_start3A_204 = arith.constant 0 : i32
      %dma_start3A_205 = tpu.memref_slice %arg11[%dma_start3A_203, %dma_start3A_204] : memref<10240x128xf32, #tpu.memory_space<vmem_shared>> -> memref<10240x128xf32, #tpu.memory_space<vmem_shared>>
      tpu.enqueue_indirect_dma source(%arg9 : memref<125x128xf32, #tpu.memory_space<vmem>>) target(%dma_start3A_205 : memref<10240x128xf32, #tpu.memory_space<vmem_shared>>) offsets(%dma_start3A_202 : memref<125xi32, #tpu.memory_space<vmem>>) semaphore(%arg15 : memref<!tpu.dma_semaphore, #tpu.memory_space<semaphore_mem>>) {add = true}
      %dma_wait3A_206 = arith.constant 0 : i32
      %dma_wait3A_207 = arith.constant 0 : i32
      %dma_wait3A_208 = tpu.memref_slice %arg7[%dma_wait3A_206, %dma_wait3A_207] : memref<40x125xi32, #tpu.memory_space<vmem>> -> memref<1x125xi32, #tpu.memory_space<vmem>>
      %dma_wait3A_209 = tpu.memref_squeeze %dma_wait3A_208 : memref<1x125xi32, #tpu.memory_space<vmem>> -> memref<125xi32, #tpu.memory_space<vmem>>
      %dma_wait3A_210 = arith.constant 0 : i32
      %dma_wait3A_211 = arith.constant 0 : i32
      %dma_wait3A_212 = tpu.memref_slice %arg11[%dma_wait3A_210, %dma_wait3A_211] : memref<10240x128xf32, #tpu.memory_space<vmem_shared>> -> memref<10240x128xf32, #tpu.memory_space<vmem_shared>>
      tpu.wait_indirect_dma semaphore(%arg14 : memref<!tpu.dma_semaphore, #tpu.memory_space<semaphore_mem>>) src(%arg8 : memref<125x128xf32, #tpu.memory_space<vmem>>) dst(%dma_wait3A_212 : memref<10240x128xf32, #tpu.memory_space<vmem_shared>>)
      %add3A_213 = arith.constant 1 : i32
      %add3A_214 = arith.addi %add3A_192, %add3A_213 : i32
      %dma_start3A_215 = arith.constant 0 : i32
      %dma_start3A_216 = tpu.memref_slice %arg6[%add3A_214, %dma_start3A_215] : memref<40x125xi32, #tpu.memory_space<vmem>> -> memref<1x125xi32, #tpu.memory_space<vmem>>
      %dma_start3A_217 = tpu.memref_squeeze %dma_start3A_216 : memref<1x125xi32, #tpu.memory_space<vmem>> -> memref<125xi32, #tpu.memory_space<vmem>>
      %dma_start3A_218 = arith.constant 0 : i32
      %dma_start3A_219 = arith.constant 0 : i32
      %dma_start3A_220 = tpu.memref_slice %arg2[%dma_start3A_218, %dma_start3A_219] : memref<10000x128xf32, #tpu.memory_space<hbm>> -> memref<10000x128xf32, #tpu.memory_space<hbm>>
      tpu.enqueue_indirect_dma source(%dma_start3A_220 : memref<10000x128xf32, #tpu.memory_space<hbm>>) target(%arg8 : memref<125x128xf32, #tpu.memory_space<vmem>>) offsets(%dma_start3A_217 : memref<125xi32, #tpu.memory_space<vmem>>) semaphore(%arg12 : memref<!tpu.dma_semaphore, #tpu.memory_space<semaphore_mem>>)
      %dma_wait3A_221 = arith.constant 0 : i32
      %dma_wait3A_222 = arith.constant 0 : i32
      %dma_wait3A_223 = tpu.memref_slice %arg6[%dma_wait3A_221, %dma_wait3A_222] : memref<40x125xi32, #tpu.memory_space<vmem>> -> memref<1x125xi32, #tpu.memory_space<vmem>>
      %dma_wait3A_224 = tpu.memref_squeeze %dma_wait3A_223 : memref<1x125xi32, #tpu.memory_space<vmem>> -> memref<125xi32, #tpu.memory_space<vmem>>
      %dma_wait3A_225 = arith.constant 0 : i32
      %dma_wait3A_226 = arith.constant 0 : i32
      %dma_wait3A_227 = tpu.memref_slice %arg2[%dma_wait3A_225, %dma_wait3A_226] : memref<10000x128xf32, #tpu.memory_space<hbm>> -> memref<10000x128xf32, #tpu.memory_space<hbm>>
      tpu.wait_indirect_dma semaphore(%arg12 : memref<!tpu.dma_semaphore, #tpu.memory_space<semaphore_mem>>) src(%dma_wait3A_227 : memref<10000x128xf32, #tpu.memory_space<hbm>>) dst(%arg8 : memref<125x128xf32, #tpu.memory_space<vmem>>)
      %add3A_228 = arith.constant 1 : i32
      %add3A_229 = arith.addi %add3A_192, %add3A_228 : i32
      %dma_start3A_230 = arith.constant 0 : i32
      %dma_start3A_231 = tpu.memref_slice %arg7[%add3A_229, %dma_start3A_230] : memref<40x125xi32, #tpu.memory_space<vmem>> -> memref<1x125xi32, #tpu.memory_space<vmem>>
      %dma_start3A_232 = tpu.memref_squeeze %dma_start3A_231 : memref<1x125xi32, #tpu.memory_space<vmem>> -> memref<125xi32, #tpu.memory_space<vmem>>
      %dma_start3A_233 = arith.constant 0 : i32
      %dma_start3A_234 = arith.constant 0 : i32
      %dma_start3A_235 = tpu.memref_slice %arg11[%dma_start3A_233, %dma_start3A_234] : memref<10240x128xf32, #tpu.memory_space<vmem_shared>> -> memref<10240x128xf32, #tpu.memory_space<vmem_shared>>
      tpu.enqueue_indirect_dma source(%arg8 : memref<125x128xf32, #tpu.memory_space<vmem>>) target(%dma_start3A_235 : memref<10240x128xf32, #tpu.memory_space<vmem_shared>>) offsets(%dma_start3A_232 : memref<125xi32, #tpu.memory_space<vmem>>) semaphore(%arg14 : memref<!tpu.dma_semaphore, #tpu.memory_space<semaphore_mem>>) {add = true}
      %dma_wait3A_236 = arith.constant 0 : i32
      %dma_wait3A_237 = arith.constant 0 : i32
      %dma_wait3A_238 = tpu.memref_slice %arg7[%dma_wait3A_236, %dma_wait3A_237] : memref<40x125xi32, #tpu.memory_space<vmem>> -> memref<1x125xi32, #tpu.memory_space<vmem>>
      %dma_wait3A_239 = tpu.memref_squeeze %dma_wait3A_238 : memref<1x125xi32, #tpu.memory_space<vmem>> -> memref<125xi32, #tpu.memory_space<vmem>>
      %dma_wait3A_240 = arith.constant 0 : i32
      %dma_wait3A_241 = arith.constant 0 : i32
      %dma_wait3A_242 = tpu.memref_slice %arg11[%dma_wait3A_240, %dma_wait3A_241] : memref<10240x128xf32, #tpu.memory_space<vmem_shared>> -> memref<10240x128xf32, #tpu.memory_space<vmem_shared>>
      tpu.wait_indirect_dma semaphore(%arg15 : memref<!tpu.dma_semaphore, #tpu.memory_space<semaphore_mem>>) src(%arg9 : memref<125x128xf32, #tpu.memory_space<vmem>>) dst(%dma_wait3A_242 : memref<10240x128xf32, #tpu.memory_space<vmem_shared>>)
      %add3A_243 = arith.constant 2 : i32
      %add3A_244 = arith.addi %add3A_192, %add3A_243 : i32
      %dma_start3A_245 = arith.constant 0 : i32
      %dma_start3A_246 = tpu.memref_slice %arg6[%add3A_244, %dma_start3A_245] : memref<40x125xi32, #tpu.memory_space<vmem>> -> memref<1x125xi32, #tpu.memory_space<vmem>>
      %dma_start3A_247 = tpu.memref_squeeze %dma_start3A_246 : memref<1x125xi32, #tpu.memory_space<vmem>> -> memref<125xi32, #tpu.memory_space<vmem>>
      %dma_start3A_248 = arith.constant 0 : i32
      %dma_start3A_249 = arith.constant 0 : i32
      %dma_start3A_250 = tpu.memref_slice %arg2[%dma_start3A_248, %dma_start3A_249] : memref<10000x128xf32, #tpu.memory_space<hbm>> -> memref<10000x128xf32, #tpu.memory_space<hbm>>
      tpu.enqueue_indirect_dma source(%dma_start3A_250 : memref<10000x128xf32, #tpu.memory_space<hbm>>) target(%arg9 : memref<125x128xf32, #tpu.memory_space<vmem>>) offsets(%dma_start3A_247 : memref<125xi32, #tpu.memory_space<vmem>>) semaphore(%arg13 : memref<!tpu.dma_semaphore, #tpu.memory_space<semaphore_mem>>)
    }
    %scan3A_158 = arith.constant 19 : i32
    %dma_wait3A_159 = arith.constant 0 : i32
    %dma_wait3A_160 = arith.constant 0 : i32
    %dma_wait3A_161 = tpu.memref_slice %arg6[%dma_wait3A_159, %dma_wait3A_160] : memref<40x125xi32, #tpu.memory_space<vmem>> -> memref<1x125xi32, #tpu.memory_space<vmem>>
    %dma_wait3A_162 = tpu.memref_squeeze %dma_wait3A_161 : memref<1x125xi32, #tpu.memory_space<vmem>> -> memref<125xi32, #tpu.memory_space<vmem>>
    %dma_wait3A_163 = arith.constant 0 : i32
    %dma_wait3A_164 = arith.constant 0 : i32
    %dma_wait3A_165 = tpu.memref_slice %arg2[%dma_wait3A_163, %dma_wait3A_164] : memref<10000x128xf32, #tpu.memory_space<hbm>> -> memref<10000x128xf32, #tpu.memory_space<hbm>>
    tpu.wait_indirect_dma semaphore(%arg13 : memref<!tpu.dma_semaphore, #tpu.memory_space<semaphore_mem>>) src(%dma_wait3A_165 : memref<10000x128xf32, #tpu.memory_space<hbm>>) dst(%arg9 : memref<125x128xf32, #tpu.memory_space<vmem>>)
    %dma_start3A_166 = arith.constant 39 : i32
    %dma_start3A_167 = arith.constant 0 : i32
    %dma_start3A_168 = tpu.memref_slice %arg7[%dma_start3A_166, %dma_start3A_167] : memref<40x125xi32, #tpu.memory_space<vmem>> -> memref<1x125xi32, #tpu.memory_space<vmem>>
    %dma_start3A_169 = tpu.memref_squeeze %dma_start3A_168 : memref<1x125xi32, #tpu.memory_space<vmem>> -> memref<125xi32, #tpu.memory_space<vmem>>
    %dma_start3A_170 = arith.constant 0 : i32
    %dma_start3A_171 = arith.constant 0 : i32
    %dma_start3A_172 = tpu.memref_slice %arg11[%dma_start3A_170, %dma_start3A_171] : memref<10240x128xf32, #tpu.memory_space<vmem_shared>> -> memref<10240x128xf32, #tpu.memory_space<vmem_shared>>
    tpu.enqueue_indirect_dma source(%arg9 : memref<125x128xf32, #tpu.memory_space<vmem>>) target(%dma_start3A_172 : memref<10240x128xf32, #tpu.memory_space<vmem_shared>>) offsets(%dma_start3A_169 : memref<125xi32, #tpu.memory_space<vmem>>) semaphore(%arg15 : memref<!tpu.dma_semaphore, #tpu.memory_space<semaphore_mem>>) {add = true}
    %dma_wait3A_173 = arith.constant 0 : i32
    %dma_wait3A_174 = arith.constant 0 : i32
    %dma_wait3A_175 = tpu.memref_slice %arg7[%dma_wait3A_173, %dma_wait3A_174] : memref<40x125xi32, #tpu.memory_space<vmem>> -> memref<1x125xi32, #tpu.memory_space<vmem>>
    %dma_wait3A_176 = tpu.memref_squeeze %dma_wait3A_175 : memref<1x125xi32, #tpu.memory_space<vmem>> -> memref<125xi32, #tpu.memory_space<vmem>>
    %dma_wait3A_177 = arith.constant 0 : i32
    %dma_wait3A_178 = arith.constant 0 : i32
    %dma_wait3A_179 = tpu.memref_slice %arg11[%dma_wait3A_177, %dma_wait3A_178] : memref<10240x128xf32, #tpu.memory_space<vmem_shared>> -> memref<10240x128xf32, #tpu.memory_space<vmem_shared>>
    tpu.wait_indirect_dma semaphore(%arg14 : memref<!tpu.dma_semaphore, #tpu.memory_space<semaphore_mem>>) src(%arg8 : memref<125x128xf32, #tpu.memory_space<vmem>>) dst(%dma_wait3A_179 : memref<10240x128xf32, #tpu.memory_space<vmem_shared>>)
    %dma_wait3A_180 = arith.constant 0 : i32
    %dma_wait3A_181 = arith.constant 0 : i32
    %dma_wait3A_182 = tpu.memref_slice %arg7[%dma_wait3A_180, %dma_wait3A_181] : memref<40x125xi32, #tpu.memory_space<vmem>> -> memref<1x125xi32, #tpu.memory_space<vmem>>
    %dma_wait3A_183 = tpu.memref_squeeze %dma_wait3A_182 : memref<1x125xi32, #tpu.memory_space<vmem>> -> memref<125xi32, #tpu.memory_space<vmem>>
    %dma_wait3A_184 = arith.constant 0 : i32
    %dma_wait3A_185 = arith.constant 0 : i32
    %dma_wait3A_186 = tpu.memref_slice %arg11[%dma_wait3A_184, %dma_wait3A_185] : memref<10240x128xf32, #tpu.memory_space<vmem_shared>> -> memref<10240x128xf32, #tpu.memory_space<vmem_shared>>
    tpu.wait_indirect_dma semaphore(%arg15 : memref<!tpu.dma_semaphore, #tpu.memory_space<semaphore_mem>>) src(%arg9 : memref<125x128xf32, #tpu.memory_space<vmem>>) dst(%dma_wait3A_186 : memref<10240x128xf32, #tpu.memory_space<vmem_shared>>)
    %barrier3A_187 = arith.constant 0 : index
    tpu.barrier barrier_id(%barrier3A_187)
    "tpu.region"() ({
      %run_scoped3A = tpu.sem_alloc : memref<!tpu.dma_semaphore, #tpu.memory_space<semaphore_mem>>
      %dma_start3A_188 = arith.constant 0 : i32
      %dma_start3A_189 = tpu.memref_slice %arg5[%arg0, %mul3A_8, %dma_start3A_188] : memref<2x10240x128xf32, #tpu.memory_space<hbm>> -> memref<1x640x128xf32, #tpu.memory_space<hbm>>
      %dma_start3A_190 = tpu.memref_squeeze %dma_start3A_189 : memref<1x640x128xf32, #tpu.memory_space<hbm>> -> memref<640x128xf32, #tpu.memory_space<hbm>>
      %dma_start3A_191 = arith.constant 0 : i32
      %dma_start3A_192 = tpu.memref_slice %arg11[%mul3A_8, %dma_start3A_191] : memref<10240x128xf32, #tpu.memory_space<vmem_shared>> -> memref<640x128xf32, #tpu.memory_space<vmem_shared>>
      tpu.enqueue_dma source(%dma_start3A_192 : memref<640x128xf32, #tpu.memory_space<vmem_shared>>) target(%dma_start3A_190 : memref<640x128xf32, #tpu.memory_space<hbm>>) target_semaphore(%run_scoped3A : memref<!tpu.dma_semaphore, #tpu.memory_space<semaphore_mem>>)
      %dma_wait3A_193 = arith.constant 0 : i32
      %dma_wait3A_194 = tpu.memref_slice %arg5[%arg0, %mul3A_8, %dma_wait3A_193] : memref<2x10240x128xf32, #tpu.memory_space<hbm>> -> memref<1x640x128xf32, #tpu.memory_space<hbm>>
      %dma_wait3A_195 = tpu.memref_squeeze %dma_wait3A_194 : memref<1x640x128xf32, #tpu.memory_space<hbm>> -> memref<640x128xf32, #tpu.memory_space<hbm>>
      %dma_wait3A_196 = arith.constant 0 : i32
      %dma_wait3A_197 = tpu.memref_slice %arg11[%mul3A_8, %dma_wait3A_196] : memref<10240x128xf32, #tpu.memory_space<vmem_shared>> -> memref<640x128xf32, #tpu.memory_space<vmem_shared>>
      tpu.wait_dma2 semaphore(%run_scoped3A : memref<!tpu.dma_semaphore, #tpu.memory_space<semaphore_mem>>) src(%dma_wait3A_197 : memref<640x128xf32, #tpu.memory_space<vmem_shared>>) dst(%dma_wait3A_195 : memref<640x128xf32, #tpu.memory_space<hbm>>)
      tpu.yield
    }) : () -> ()
    return
  }
}

module attributes {stable_mosaic.version = 14 : i64} {
  func.func @_tc_layer1_body(%arg0: i32, %arg1: memref<1000x128xf32, #tpu.memory_space<vmem>>, %arg2: memref<2x1000x128xf32, #tpu.memory_space<vmem>>, %arg3: memref<2x1000x1xf32, #tpu.memory_space<vmem>>, %arg4: memref<128x256xf32, #tpu.memory_space<vmem>>, %arg5: memref<128x256xf32, #tpu.memory_space<vmem>>, %arg6: memref<1x256xf32, #tpu.memory_space<vmem>>, %arg7: memref<256x128xf32, #tpu.memory_space<vmem>>, %arg8: memref<1000x256xf32, #tpu.memory_space<vmem>>, %arg9: memref<1000x128xf32, #tpu.memory_space<vmem>>) attributes {dimension_semantics = [#tpu.dimension_semantics<arbitrary>], iteration_bounds = array<i64: 10>, scalar_prefetch = 0 : i64, scratch_operands = 0 : i64, tpu.core_type = #tpu.core_type<tc>, window_params = [{transform_indices = @transform_0, window_bounds = array<i64: 1000, 128>}, {transform_indices = @transform_1, window_bounds = array<i64: 2, 1000, 128>}, {transform_indices = @transform_2, window_bounds = array<i64: 2, 1000, 1>}, {pipeline_mode = #tpu.pipeline_mode<synchronous>, transform_indices = @transform_3, window_bounds = array<i64: 128, 256>}, {pipeline_mode = #tpu.pipeline_mode<synchronous>, transform_indices = @transform_4, window_bounds = array<i64: 128, 256>}, {pipeline_mode = #tpu.pipeline_mode<synchronous>, transform_indices = @transform_5, window_bounds = array<i64: 1, 256>}, {pipeline_mode = #tpu.pipeline_mode<synchronous>, transform_indices = @transform_6, window_bounds = array<i64: 256, 128>}, {transform_indices = @transform_7, window_bounds = array<i64: 1000, 256>}, {transform_indices = @transform_8, window_bounds = array<i64: 1000, 128>}]} {
    %get3A = arith.constant 0 : index
    %get3A_0 = arith.constant 0 : index
    %get3A_1 = vector.load %arg1[%get3A, %get3A_0] : memref<1000x128xf32, #tpu.memory_space<vmem>>, vector<1000x128xf32>
    %get3A_2 = arith.constant 0 : index
    %get3A_3 = arith.constant 0 : index
    %get3A_4 = arith.constant 0 : index
    %get3A_5 = vector.load %arg2[%get3A_2, %get3A_3, %get3A_4] : memref<2x1000x128xf32, #tpu.memory_space<vmem>>, vector<1x1000x128xf32>
    %get3A_6 = vector.shape_cast %get3A_5 : vector<1x1000x128xf32> to vector<1000x128xf32>
    %get3A_7 = arith.constant 1 : index
    %get3A_8 = arith.constant 0 : index
    %get3A_9 = arith.constant 0 : index
    %get3A_10 = vector.load %arg2[%get3A_7, %get3A_8, %get3A_9] : memref<2x1000x128xf32, #tpu.memory_space<vmem>>, vector<1x1000x128xf32>
    %get3A_11 = vector.shape_cast %get3A_10 : vector<1x1000x128xf32> to vector<1000x128xf32>
    %add3A = arith.addf %get3A_6, %get3A_11 : vector<1000x128xf32>
    %get3A_12 = arith.constant 0 : index
    %get3A_13 = arith.constant 0 : index
    %get3A_14 = arith.constant 0 : index
    %get3A_15 = vector.load %arg3[%get3A_12, %get3A_13, %get3A_14] : memref<2x1000x1xf32, #tpu.memory_space<vmem>>, vector<1x1000x1xf32>
    %get3A_16 = vector.shape_cast %get3A_15 : vector<1x1000x1xf32> to vector<1000x1xf32>
    %get3A_17 = arith.constant 1 : index
    %get3A_18 = arith.constant 0 : index
    %get3A_19 = arith.constant 0 : index
    %get3A_20 = vector.load %arg3[%get3A_17, %get3A_18, %get3A_19] : memref<2x1000x1xf32, #tpu.memory_space<vmem>>, vector<1x1000x1xf32>
    %get3A_21 = vector.shape_cast %get3A_20 : vector<1x1000x1xf32> to vector<1000x1xf32>
    %add3A_22 = arith.addf %get3A_16, %get3A_21 : vector<1000x1xf32>
    %max3A = arith.constant 1.000000e+00 : f32
    %max3A_23 = vector.broadcast %max3A : f32 to vector<1000x1xf32>
    %max3A_24 = arith.maximumf %add3A_22, %max3A_23 : vector<1000x1xf32>
    %div3A = arith.constant 1.000000e+00 : f32
    %div3A_25 = vector.broadcast %div3A : f32 to vector<1000x1xf32>
    %div3A_26 = arith.divf %div3A_25, %max3A_24 : vector<1000x1xf32>
    %get3A_27 = arith.constant 0 : index
    %get3A_28 = arith.constant 0 : index
    %get3A_29 = vector.load %arg5[%get3A_27, %get3A_28] : memref<128x256xf32, #tpu.memory_space<vmem>>, vector<128x256xf32>
    %dot_general3A = arith.constant dense<0.000000e+00> : vector<1000x256xf32>
    %dot_general3A_30 = tpu.matmul %add3A, %get3A_29, %dot_general3A {dimension_numbers = #tpu.dot_dimension_numbers<[1], [0], [0], [1], [0, 0, 1, 1], [], []>, transpose_lhs_hint = false} : vector<1000x128xf32>, vector<128x256xf32>, vector<1000x256xf32> -> vector<1000x256xf32>
    %get3A_31 = arith.constant 0 : index
    %get3A_32 = arith.constant 0 : index
    %get3A_33 = vector.load %arg4[%get3A_31, %get3A_32] : memref<128x256xf32, #tpu.memory_space<vmem>>, vector<128x256xf32>
    %dot_general3A_34 = arith.constant dense<0.000000e+00> : vector<1000x256xf32>
    %dot_general3A_35 = tpu.matmul %get3A_1, %get3A_33, %dot_general3A_34 {dimension_numbers = #tpu.dot_dimension_numbers<[1], [0], [0], [1], [0, 0, 1, 1], [], []>, transpose_lhs_hint = false} : vector<1000x128xf32>, vector<128x256xf32>, vector<1000x256xf32> -> vector<1000x256xf32>
    %mul3A = vector.broadcast %div3A_26 : vector<1000x1xf32> to vector<1000x256xf32>
    %mul3A_36 = arith.mulf %mul3A, %dot_general3A_30 : vector<1000x256xf32>
    %add3A_37 = arith.addf %dot_general3A_35, %mul3A_36 : vector<1000x256xf32>
    %get3A_38 = arith.constant 0 : index
    %get3A_39 = arith.constant 0 : index
    %get3A_40 = vector.load %arg6[%get3A_38, %get3A_39] : memref<1x256xf32, #tpu.memory_space<vmem>>, vector<1x256xf32>
    %add3A_41 = vector.broadcast %get3A_40 : vector<1x256xf32> to vector<1000x256xf32>
    %add3A_42 = arith.addf %add3A_37, %add3A_41 : vector<1000x256xf32>
    %max3A_43 = arith.constant 0.000000e+00 : f32
    %max3A_44 = vector.broadcast %max3A_43 : f32 to vector<1000x256xf32>
    %max3A_45 = arith.maximumf %add3A_42, %max3A_44 : vector<1000x256xf32>
    %swap3A = arith.constant 0 : index
    %swap3A_46 = arith.constant 0 : index
    %swap3A_47 = vector.load %arg8[%swap3A, %swap3A_46] : memref<1000x256xf32, #tpu.memory_space<vmem>>, vector<1000x256xf32>
    tpu.vector_store %arg8[%swap3A, %swap3A_46], %max3A_45 {strides = array<i32>} : memref<1000x256xf32, #tpu.memory_space<vmem>>, vector<1000x256xf32>,
    %get3A_48 = arith.constant 0 : index
    %get3A_49 = arith.constant 0 : index
    %get3A_50 = vector.load %arg7[%get3A_48, %get3A_49] : memref<256x128xf32, #tpu.memory_space<vmem>>, vector<256x128xf32>
    %dot_general3A_51 = arith.constant dense<0.000000e+00> : vector<1000x128xf32>
    %dot_general3A_52 = tpu.matmul %max3A_45, %get3A_50, %dot_general3A_51 {dimension_numbers = #tpu.dot_dimension_numbers<[1], [0], [0], [1], [0, 0, 1, 1], [], []>, transpose_lhs_hint = false} : vector<1000x256xf32>, vector<256x128xf32>, vector<1000x128xf32> -> vector<1000x128xf32>
    %swap3A_53 = arith.constant 0 : index
    %swap3A_54 = arith.constant 0 : index
    %swap3A_55 = vector.load %arg9[%swap3A_53, %swap3A_54] : memref<1000x128xf32, #tpu.memory_space<vmem>>, vector<1000x128xf32>
    tpu.vector_store %arg9[%swap3A_53, %swap3A_54], %dot_general3A_52 {strides = array<i32>} : memref<1000x128xf32, #tpu.memory_space<vmem>>, vector<1000x128xf32>,
    return
  }
  func.func @transform_0(%arg0: i32) -> (i32, i32) {
    %c0_i32 = arith.constant 0 : i32
    %c0_i32_0 = arith.constant 0 : i32
    return %arg0, %c0_i32 : i32, i32
  }
  func.func @transform_1(%arg0: i32) -> (i32, i32, i32) {
    %c0_i32 = arith.constant 0 : i32
    %c0_i32_0 = arith.constant 0 : i32
    %c0_i32_1 = arith.constant 0 : i32
    return %c0_i32, %arg0, %c0_i32_0 : i32, i32, i32
  }
  func.func @transform_2(%arg0: i32) -> (i32, i32, i32) {
    %c0_i32 = arith.constant 0 : i32
    %c0_i32_0 = arith.constant 0 : i32
    %c0_i32_1 = arith.constant 0 : i32
    return %c0_i32, %arg0, %c0_i32_0 : i32, i32, i32
  }
  func.func @transform_3(%arg0: i32) -> (i32, i32) {
    %c0_i32 = arith.constant 0 : i32
    %c0_i32_0 = arith.constant 0 : i32
    %c0_i32_1 = arith.constant 0 : i32
    return %c0_i32, %c0_i32_0 : i32, i32
  }
  func.func @transform_4(%arg0: i32) -> (i32, i32) {
    %c0_i32 = arith.constant 0 : i32
    %c0_i32_0 = arith.constant 0 : i32
    %c0_i32_1 = arith.constant 0 : i32
    return %c0_i32, %c0_i32_0 : i32, i32
  }
  func.func @transform_5(%arg0: i32) -> (i32, i32) {
    %c0_i32 = arith.constant 0 : i32
    %c0_i32_0 = arith.constant 0 : i32
    %c0_i32_1 = arith.constant 0 : i32
    return %c0_i32, %c0_i32_0 : i32, i32
  }
  func.func @transform_6(%arg0: i32) -> (i32, i32) {
    %c0_i32 = arith.constant 0 : i32
    %c0_i32_0 = arith.constant 0 : i32
    %c0_i32_1 = arith.constant 0 : i32
    return %c0_i32, %c0_i32_0 : i32, i32
  }
  func.func @transform_7(%arg0: i32) -> (i32, i32) {
    %c0_i32 = arith.constant 0 : i32
    %c0_i32_0 = arith.constant 0 : i32
    return %arg0, %c0_i32 : i32, i32
  }
  func.func @transform_8(%arg0: i32) -> (i32, i32) {
    %c0_i32 = arith.constant 0 : i32
    %c0_i32_0 = arith.constant 0 : i32
    return %arg0, %c0_i32 : i32, i32
  }
}

module attributes {stable_mosaic.version = 14 : i64} {
  func.func @_tc_layer2_body(%arg0: i32, %arg1: memref<1000x256xf32, #tpu.memory_space<vmem>>, %arg2: memref<2x1000x128xf32, #tpu.memory_space<vmem>>, %arg3: memref<2x1000x1xf32, #tpu.memory_space<vmem>>, %arg4: memref<256x32xf32, #tpu.memory_space<vmem>>, %arg5: memref<1x32xf32, #tpu.memory_space<vmem>>, %arg6: memref<1000x32xf32, #tpu.memory_space<vmem>>) attributes {dimension_semantics = [#tpu.dimension_semantics<arbitrary>], iteration_bounds = array<i64: 10>, scalar_prefetch = 0 : i64, scratch_operands = 0 : i64, tpu.core_type = #tpu.core_type<tc>, window_params = [{transform_indices = @transform_0, window_bounds = array<i64: 1000, 256>}, {transform_indices = @transform_1, window_bounds = array<i64: 2, 1000, 128>}, {transform_indices = @transform_2, window_bounds = array<i64: 2, 1000, 1>}, {pipeline_mode = #tpu.pipeline_mode<synchronous>, transform_indices = @transform_3, window_bounds = array<i64: 256, 32>}, {pipeline_mode = #tpu.pipeline_mode<synchronous>, transform_indices = @transform_4, window_bounds = array<i64: 1, 32>}, {transform_indices = @transform_5, window_bounds = array<i64: 1000, 32>}]} {
    %get3A = arith.constant 0 : index
    %get3A_0 = arith.constant 0 : index
    %get3A_1 = arith.constant 0 : index
    %get3A_2 = vector.load %arg2[%get3A, %get3A_0, %get3A_1] : memref<2x1000x128xf32, #tpu.memory_space<vmem>>, vector<1x1000x32xf32>
    %get3A_3 = vector.shape_cast %get3A_2 : vector<1x1000x32xf32> to vector<1000x32xf32>
    %get3A_4 = arith.constant 1 : index
    %get3A_5 = arith.constant 0 : index
    %get3A_6 = arith.constant 0 : index
    %get3A_7 = vector.load %arg2[%get3A_4, %get3A_5, %get3A_6] : memref<2x1000x128xf32, #tpu.memory_space<vmem>>, vector<1x1000x32xf32>
    %get3A_8 = vector.shape_cast %get3A_7 : vector<1x1000x32xf32> to vector<1000x32xf32>
    %add3A = arith.addf %get3A_3, %get3A_8 : vector<1000x32xf32>
    %get3A_9 = arith.constant 0 : index
    %get3A_10 = arith.constant 0 : index
    %get3A_11 = arith.constant 0 : index
    %get3A_12 = vector.load %arg3[%get3A_9, %get3A_10, %get3A_11] : memref<2x1000x1xf32, #tpu.memory_space<vmem>>, vector<1x1000x1xf32>
    %get3A_13 = vector.shape_cast %get3A_12 : vector<1x1000x1xf32> to vector<1000x1xf32>
    %get3A_14 = arith.constant 1 : index
    %get3A_15 = arith.constant 0 : index
    %get3A_16 = arith.constant 0 : index
    %get3A_17 = vector.load %arg3[%get3A_14, %get3A_15, %get3A_16] : memref<2x1000x1xf32, #tpu.memory_space<vmem>>, vector<1x1000x1xf32>
    %get3A_18 = vector.shape_cast %get3A_17 : vector<1x1000x1xf32> to vector<1000x1xf32>
    %add3A_19 = arith.addf %get3A_13, %get3A_18 : vector<1000x1xf32>
    %max3A = arith.constant 1.000000e+00 : f32
    %max3A_20 = vector.broadcast %max3A : f32 to vector<1000x1xf32>
    %max3A_21 = arith.maximumf %add3A_19, %max3A_20 : vector<1000x1xf32>
    %div3A = arith.constant 1.000000e+00 : f32
    %div3A_22 = vector.broadcast %div3A : f32 to vector<1000x1xf32>
    %div3A_23 = arith.divf %div3A_22, %max3A_21 : vector<1000x1xf32>
    %get3A_24 = arith.constant 0 : index
    %get3A_25 = arith.constant 0 : index
    %get3A_26 = vector.load %arg1[%get3A_24, %get3A_25] : memref<1000x256xf32, #tpu.memory_space<vmem>>, vector<1000x256xf32>
    %get3A_27 = arith.constant 0 : index
    %get3A_28 = arith.constant 0 : index
    %get3A_29 = vector.load %arg4[%get3A_27, %get3A_28] : memref<256x32xf32, #tpu.memory_space<vmem>>, vector<256x32xf32>
    %dot_general3A = arith.constant dense<0.000000e+00> : vector<1000x32xf32>
    %dot_general3A_30 = tpu.matmul %get3A_26, %get3A_29, %dot_general3A {dimension_numbers = #tpu.dot_dimension_numbers<[1], [0], [0], [1], [0, 0, 1, 1], [], []>, transpose_lhs_hint = false} : vector<1000x256xf32>, vector<256x32xf32>, vector<1000x32xf32> -> vector<1000x32xf32>
    %mul3A = vector.broadcast %div3A_23 : vector<1000x1xf32> to vector<1000x32xf32>
    %mul3A_31 = arith.mulf %mul3A, %add3A : vector<1000x32xf32>
    %add3A_32 = arith.addf %dot_general3A_30, %mul3A_31 : vector<1000x32xf32>
    %get3A_33 = arith.constant 0 : index
    %get3A_34 = arith.constant 0 : index
    %get3A_35 = vector.load %arg5[%get3A_33, %get3A_34] : memref<1x32xf32, #tpu.memory_space<vmem>>, vector<1x32xf32>
    %add3A_36 = vector.broadcast %get3A_35 : vector<1x32xf32> to vector<1000x32xf32>
    %add3A_37 = arith.addf %add3A_32, %add3A_36 : vector<1000x32xf32>
    %swap3A = arith.constant 0 : index
    %swap3A_38 = arith.constant 0 : index
    %swap3A_39 = vector.load %arg6[%swap3A, %swap3A_38] : memref<1000x32xf32, #tpu.memory_space<vmem>>, vector<1000x32xf32>
    tpu.vector_store %arg6[%swap3A, %swap3A_38], %add3A_37 {strides = array<i32>} : memref<1000x32xf32, #tpu.memory_space<vmem>>, vector<1000x32xf32>,
    return
  }
  func.func @transform_0(%arg0: i32) -> (i32, i32) {
    %c0_i32 = arith.constant 0 : i32
    %c0_i32_0 = arith.constant 0 : i32
    return %arg0, %c0_i32 : i32, i32
  }
  func.func @transform_1(%arg0: i32) -> (i32, i32, i32) {
    %c0_i32 = arith.constant 0 : i32
    %c0_i32_0 = arith.constant 0 : i32
    %c0_i32_1 = arith.constant 0 : i32
    return %c0_i32, %arg0, %c0_i32_0 : i32, i32, i32
  }
  func.func @transform_2(%arg0: i32) -> (i32, i32, i32) {
    %c0_i32 = arith.constant 0 : i32
    %c0_i32_0 = arith.constant 0 : i32
    %c0_i32_1 = arith.constant 0 : i32
    return %c0_i32, %arg0, %c0_i32_0 : i32, i32, i32
  }
  func.func @transform_3(%arg0: i32) -> (i32, i32) {
    %c0_i32 = arith.constant 0 : i32
    %c0_i32_0 = arith.constant 0 : i32
    %c0_i32_1 = arith.constant 0 : i32
    return %c0_i32, %c0_i32_0 : i32, i32
  }
  func.func @transform_4(%arg0: i32) -> (i32, i32) {
    %c0_i32 = arith.constant 0 : i32
    %c0_i32_0 = arith.constant 0 : i32
    %c0_i32_1 = arith.constant 0 : i32
    return %c0_i32, %c0_i32_0 : i32, i32
  }
  func.func @transform_5(%arg0: i32) -> (i32, i32) {
    %c0_i32 = arith.constant 0 : i32
    %c0_i32_0 = arith.constant 0 : i32
    return %arg0, %c0_i32 : i32, i32
  }
}

</mosaic_0001>

<sc_bundles>
// kernel: kernel.6.cloned.1.call-start
scs
__scs_entry_jumppad:
0x0: {  	(pc) =	sbr.rel $0x88, $3  }
0x1: {  	(tag) =	ssettag $0x0;
	lr =	simm.s32 $0x1  }
0x2: {  	[smem:$0x3F99] =	sst lr;
	_ =	strace $0xD0000000  }
0x3: {  	_ = 	snop  }
0x4: {  	_ = 	snop  }
0x5: {  	_ = 	snop  }
0x6: {  	_ = 	snop  }
0x7: {  	_ = 	snop  }
__scs_overlays_trampoline_lowered:
0x8: {  	[smem:$0x3FA8] =	sst s0  }
0x9: {  	[smem:$0x3FA9] =	sst s1  }
0xa: {  	[smem:$0x3FAA] =	sst s2  }
0xb: {  	[smem:$0x3FAB] =	sst s3  }
0xc: {  	[smem:$0x3FAC] =	sst s4  }
0xd: {  	[smem:$0x3FAD] =	sst s5  }
0xe: {  	[smem:$0x3FAE] =	sst s6  }
0xf: {  	[smem:$0x3FAF] =	sst s7  }
0x10: {  	[smem:$0x3FB0] =	sst s8  }
0x11: {  	[smem:$0x3FB1] =	sst s9;
	s0 =	simm.s32 @!p0 $0x0  }
0x12: {  	s1 =	sld [smem:$0x3F97];
	s0 =	simm.s32 @p0 $0x1  }
0x13: {  	[smem:$0x3FB2] =	sst s0;
	s0 =	simm.s32 @!p1 $0x0  }
0x14: {  	s2 =	sld [smem:$0x3F96];
	s0 =	simm.s32 @p1 $0x1  }
0x15: {  	[smem:$0x3FB3] =	sst s0;
	s0 =	simm.s32 @!p2 $0x0  }
0x16: {  	s3 =	sld [smem:$0x3FDB];
	s0 =	simm.s32 @p2 $0x1  }
0x17: {  	s4 =	simm.s32 $0x1BF5;
	[smem:$0x3FB5] =	sst s0  }
0x18: {  	s0 =	sld [smem:$0x3F98];
	_ =	swait.ge [sflag:s4], $0x0  }
0x19: {  	s7 =	sld [smem:$0x3F99]  }
0x1a: {  	s8 =	sadd.s32 $0xFFFFE003, lr  }
0x1b: {  	s9 =	sadd.s32 $0xFFFFFEF7, lr;
	s5 =	simm.s32 $0xFFFFFFFF;
	p2 =	slt.u32 s8, $0xFFFFF086  }
0x1c: {  	p1 =	slt.u32 s9, $0xF7A;
	s5 =	simm.s32 @!p2 $0x0  }
0x1d: {  	s5 =	simm.s32 @p1 $0x1;
	p0 =	seq.s32 s7, s2  }
0x1e: {  	s7 =	smul.u32 @!p0 $0xF7A, s2;
	p2 =	seq.s32 @!p0 s5, $0x0  }
0x1f: {  	s9 =	smul.u32 $0xF7A, s1;
	s8 =	simm.s32 @!p0 $0x1BF5;
	p2 =	por !p2, p0  }
0x20: {  	[sflag:s8] =	ssyncset.s32 @!p0 $0xFFFFF086;
	s6 =	sadd.s32 @!p0 s3, s7;
	s7 =	simm.s32 @!p0 $0x108  }
0x21: {  	s3 =	sadd.s32 s3, s9;
	s6 =	sadd.s32 @!p0 $0x88, s6;
	s7 =	simm.s32 @p2 $0x1082  }
0x22: {  	[simem:s7], [sflag:s8] =	dma.local @!p0 [hbm:s6], $0xF7A  }
0x23: {  	s9 =	sor.u32 $0xD0000000, s2;
	s6 =	simm.s32 $0x108;
	_ =	swait.ge @!p0 [sflag:s8], $0x0  }
0x24: {  	s3 =	sadd.s32 $0x88, s3;
	s6 =	simm.s32 @!p1 $0x1082;
	[sflag:s4] =	ssyncset.s32 $0xFFFFF086  }
0x25: {  	[simem:s6], [sflag:s4] =	dma.local [hbm:s3], $0xF7A  }
0x26: {  	[smem:$0x3F99] =	sst s1;
	(tag) =	ssettag s2;
	_ =	strace s9  }
0x27: {  	s1 =	sld [smem:$0x3FA9]  }
0x28: {  	s2 =	sld [smem:$0x3FAA]  }
0x29: {  	s4 =	sld [smem:$0x3FAC]  }
0x2a: {  	p0 =	seq.s32 s5, $0x0;
	s5 =	sld [smem:$0x3FAD]  }
0x2b: {  	s6 =	sld [smem:$0x3FAE]  }
0x2c: {  	s7 =	sld [smem:$0x3FAF]  }
0x2d: {  	s3 =	simm.s32 $0x108;
	s8 =	sld [smem:$0x3FB0]  }
0x2e: {  	s3 =	simm.s32 @!p0 $0x1082;
	s9 =	sld [smem:$0x3FB1]  }
0x2f: {  	lr =	sadd.s32 s0, s3;
	s0 =	sld [smem:$0x3FA8]  }
0x30: {  	s3 =	sld [smem:$0x3FAB]  }
0x31: {  	[smem:$0x3FB4] =	sst s10  }
0x32: {  	s10 =	sld [smem:$0x3FB2];
	_ =	sdelay $0x3  }
0x33: {  	p0 =	seq.s32 s10, $0x1;
	s10 =	sld [smem:$0x3FB4];
	_ =	sdelay $0x3  }
0x34: {  	[smem:$0x3FB4] =	sst s10  }
0x35: {  	s10 =	sld [smem:$0x3FB3];
	_ =	sdelay $0x3  }
0x36: {  	p1 =	seq.s32 s10, $0x1;
	s10 =	sld [smem:$0x3FB4];
	_ =	sdelay $0x3  }
0x37: {  	[smem:$0x3FB4] =	sst s10  }
0x38: {  	s10 =	sld [smem:$0x3FB5]  }
0x39: {  	_ = 	snop;
	(pc) =	sbr.ind lr, $3  }
0x3a: {  	_ = 	snop  }
0x3b: {  	_ = 	snop  }
0x3c: {  	p2 =	seq.s32 s10, $0x1;
	s10 =	sld [smem:$0x3FB4]  }
0x3d: {  	_ =	shalt  }
0x3e: {  	_ =	shalt  }
0x3f: {  	_ =	shalt  }
0x40: {  	_ =	shalt  }
0x41: {  	_ =	shalt  }
0x42: {  	_ =	shalt  }
0x43: {  	_ =	shalt  }
0x44: {  	_ =	shalt  }
0x45: {  	_ =	shalt  }
0x46: {  	_ =	shalt  }
0x47: {  	_ =	shalt  }
0x48: {  	_ =	shalt  }
0x49: {  	_ =	shalt  }
0x4a: {  	_ =	shalt  }
0x4b: {  	_ =	shalt  }
0x4c: {  	_ =	shalt  }
0x4d: {  	_ =	shalt  }
0x4e: {  	_ =	shalt  }
0x4f: {  	_ =	shalt  }
0x50: {  	_ =	shalt  }
0x51: {  	_ =	shalt  }
0x52: {  	_ =	shalt  }
0x53: {  	_ =	shalt  }
0x54: {  	_ =	shalt  }
0x55: {  	_ =	shalt  }
0x56: {  	_ =	shalt  }
0x57: {  	_ =	shalt  }
0x58: {  	_ =	shalt  }
0x59: {  	_ =	shalt  }
0x5a: {  	_ =	shalt  }
0x5b: {  	_ =	shalt  }
0x5c: {  	_ =	shalt  }
0x5d: {  	_ =	shalt  }
0x5e: {  	_ =	shalt  }
0x5f: {  	_ =	shalt  }
0x60: {  	_ =	shalt  }
0x61: {  	_ =	shalt  }
0x62: {  	_ =	shalt  }
0x63: {  	_ =	shalt  }
0x64: {  	_ =	shalt  }
0x65: {  	_ =	shalt  }
0x66: {  	_ =	shalt  }
0x67: {  	_ =	shalt  }
0x68: {  	_ =	shalt  }
0x69: {  	_ =	shalt  }
0x6a: {  	_ =	shalt  }
0x6b: {  	_ =	shalt  }
0x6c: {  	_ =	shalt  }
0x6d: {  	_ =	shalt  }
0x6e: {  	_ =	shalt  }
0x6f: {  	_ =	shalt  }
0x70: {  	_ =	shalt  }
0x71: {  	_ =	shalt  }
0x72: {  	_ =	shalt  }
0x73: {  	_ =	shalt  }
0x74: {  	_ =	shalt  }
0x75: {  	_ =	shalt  }
0x76: {  	_ =	shalt  }
0x77: {  	_ =	shalt  }
0x78: {  	_ =	shalt  }
0x79: {  	_ =	shalt  }
0x7a: {  	_ =	shalt  }
0x7b: {  	_ =	shalt  }
0x7c: {  	_ =	shalt  }
0x7d: {  	_ =	shalt  }
0x7e: {  	_ =	shalt  }
0x7f: {  	_ =	shalt  }
0x80: {  	_ =	shalt  }
0x81: {  	_ =	shalt  }
0x82: {  	_ =	shalt  }
0x83: {  	_ =	shalt  }
0x84: {  	_ =	shalt  }
0x85: {  	_ =	shalt  }
0x86: {  	_ =	shalt  }
0x87: {  	_ =	shalt  }
.Lfunc_end0:
.L_simem_size_0:
called_computation_lowered:
.L_overlay_start_0:
0x88: {  	s2 =	sld [smem:$0x3FD9]  }
0x89: {  	s3 =	sld [smem:$0x3FFE];
	_ =	sdelay $0x1  }
0x8a: {  	s1 =	srdreg.scid  }
0x8b: {  	s0 =	sand.u32 $0x1, s1  }
0x8c: {  	s17 =	sshll.u32 s0, $0xA;
	s2 =	sadd.s32 s3, s2  }
0x8d: {  	s2 =	sadd.s32 s2, s17  }
0x8e: {  	[smem:$0x3FC0] =	sst s2  }
0x8f: {  	_ = 	snop  }
0x90: {  	s2 =	sld [smem:$0x3FC9]  }
0x91: {  	s18 =	sld [smem:$0x3FD0];
	(tm) =	ssettm $0x1  }
0x92: {  	s4 =	sld [smem:$0x3FFB];
	_ =	sdelay $0x3  }
0x93: {  	_ =	strace s4  }
0x94: {  	s4 =	sld [smem:$0x3FFC];
	_ =	sdelay $0x3  }
0x95: {  	_ =	strace s4  }
0x96: {  	s4 =	sld [smem:$0x3FFD];
	_ =	sdelay $0x3  }
0x97: {  	_ =	strace s4  }
0x98: {  	_ =	strace $0x8FFFFFFF  }
0x99: {  	s19 =	sld [smem:$0x3FDB];
	_ =	sdelay $0x1  }
0x9a: {  	s5 =	simm.s32 $_scs_section_size  }
0x9b: {  	s6 =	simm.s32 $_size__tile_overlayer_lowered;
	s7 =	simm.s32 $_tile_overlayer_lowered  }
0x9c: {  	s22 =	simm.s32 $0x1BFF;
	s21 =	sshll.u32 s7, $0x1;
	s4 =	sadd.s32 s5, s19  }
0x9d: {  	s8 =	simm.s32 $0x0;
	s20 =	sshll.u32 s6, $0x1;
	s6 =	sadd.s32 s21, s4  }
0x9e: {  	[timem:s8], [sflag:s22] =	dma.local [hbm:s6], s20  }
0x9f: {  	_ =	swait.ge [sflag:s22], s20  }
0xa0: {  	s5 =	ssub.s32 $0x0, s20;
	[sflag:s22] =	ssyncset.done $0x0  }
0xa1: {  	[sflag:s22] =	ssyncadd.s32 s5;
	_ =	sdelay $0x1  }
0xa2: {  	s23 =	simm.s32 $0x1B8B  }
0xa3: {  	_ =	swait.ge [sflag:s23], $0x1  }
0xa4: {  	[sflag:s23] =	ssyncset.done $0x0  }
0xa5: {  	s25 =	simm.s32 $0x1B8E;
	s24 =	sld [smem:$0x3FFE];
	[sflag:s23] =	ssyncadd.s32 $0xFFFFFFFF  }
0xa6: {  	s26 =	simm.s32 $execute0_lowered;
	[smem:$0x3FD2] =	sst s25  }
0xa7: {  	s6 =	sshll.u32 s26, $0x1;
	_ =	strace $0x80000046;
	[dreg:$0x1] =	wrdreg $0xFFFFFFFF  }
0xa8: {  	s28 =	simm.s32 $_size_execute0_lowered;
	s4 =	sadd.s32 s4, s6;
	[dreg:$0x0] =	wrdreg $0x0  }
0xa9: {  	s6 =	sshll.u32 s28, $0x1;
	[dreg:$0x2] =	wrdreg s4  }
0xaa: {  	[dreg:$0x3] =	wrdreg s6  }
0xab: {  	[dreg:$0x4] =	wrdreg $0xC0  }
0xac: {  	_ =	task [dreg:s8], $0x5FFFF  }
0xad: {  	[dreg:$0x1] =	wrdreg $0xFFFFFFFF  }
0xae: {  	[dreg:$0x0] =	wrdreg $0x60  }
0xaf: {  	[dreg:$0x2] =	wrdreg s2  }
0xb0: {  	[dreg:$0x3] =	wrdreg s24  }
0xb1: {  	[dreg:$0x4] =	wrdreg s18  }
0xb2: {  	[dreg:$0x5] =	wrdreg $0xB8000  }
0xb3: {  	[dreg:$0x6] =	wrdreg $0x1FB000  }
0xb4: {  	[dreg:$0x7] =	wrdreg $0x9  }
0xb5: {  	_ =	task.clear_ibuf [dreg:s8], $0x8FFFF;
	_ =	strace $0x90000046  }
0xb6: {  	s29 =	simm.s32 $0x9;
	_ =	strace $0x80000048  }
0xb7: {  	_ =	swait.ge [sflag:s29], $0x1  }
0xb8: {  	[sflag:s29] =	ssyncadd.s32 $0xFFFFFFFF  }
0xb9: {  	_ =	strace $0x90000048  }
0xba: {  	_ =	sfence  }
0xbb: {  	s30 =	sld [smem:$0x0];
	_ =	sdelay $0x2  }
0xbc: {  	s31 =	sshll.u32 s1, $0xD;
	s1 =	sshrl.u32 s1, $0x2  }
0xbd: {  	s3 =	sand.u32 $0x4000, s31;
	s1 =	sadd.s32 s1, s30  }
0xbe: {  	s0 =	sor.u32 s3, s0;
	s1 =	sshll.u32 s1, $0x11  }
0xbf: {  	s0 =	sor.u32 s1, s0  }
0xc0: {  	s0 =	sadd.s32 $0x8F2B, s0  }
0xc1: {  	[sflag:s0] =	ssyncadd.remote.s32 $0x1  }
0xc2: {  	_ =	sfence.sel $0xFFFF  }
0xc3: {  	[dreg:$0x0] =	wrdreg $0xFFFFFFFF;
	(pc) =	sbr.abs _section_cstart, $3  }
0xc4: {  	[dreg:$0x1] =	wrdreg $0xFFFFFFFF  }
0xc5: {  	_ =	task.clear_ibuf [dreg:s8], $0x2FFFF;
	_ =	strace $0x9FFFFFFF  }
0xc6: {  	(tm) =	ssettm $0x7FFFFFFF  }
0xc7: {  	_ =	shalt  }
tec
execute0_lowered:
.L_overlay_start_1:
0x0: {  	(tag) =	ssettag $0x1  }
0x1: {  	s1 =	rddreg [dreg:$0x0]  }
0x2: {  	s0 =	rddreg [dreg:$0x1]  }
0x3: {  	s4 =	rddreg [dreg:$0x2]  }
0x4: {  	s2 =	rddreg [dreg:$0x3];
	s14 =	stileid.u32  }
0x5: {  	s3 =	rddreg [dreg:$0x4];
	s8 =	smul.u32 $0x14000, s14  }
0x6: {  	s5 =	srdreg.scid;
	s29 =	simm.s32 $0x20;
	s16 =	smul.u32 $0x50000, s14  }
0x7: {  	s30 =	simm.s32 $0x10;
	s7 =	sand.u32 $0x1, s5;
	s15 =	smul.u32 $0x500, s14  }
0x8: {  	s5 =	simm.s32 $0x0;
	s12 =	sshll.u32 s14, $0x1;
	s14 =	smul.u32 $0xA00, s14  }
0x9: {  	s9 =	sadd.s32 $0x1C00, s0;
	s10 =	sadd.s32 $0xBC00, s0;
	s6 =	smul.u32 $0x140000, s7  }
0xa: {  	s11 =	ssub.s32 $0x2, s7;
	s18 =	sor.u32 s7, s12;
	s7 =	sshll.u32 s7, $0x7  }
0xb: {  	[smem:$0x7FF] =	sst s5;
	s7 =	sor.u32 s7, s15;
	s6 =	sadd.s32 s8, s6  }
0xc: {  	s8 =	sshrl.u32 s16, $0x2;
	s7 =	sshrl.u32 s7, $0x3;
	s6 =	sshrl.u32 s6, $0x3  }
0xd: {  	s4 =	sadd.s32 s4, s7;
	s0 =	sadd.s32 s6, s0;
	s6 =	sadd.s32 s8, s2  }
0xe: {  	_ =	strace $0x80000047;
	[dreg:$0x14] =	wrdreg s4;
	s19 =	sadd.s32 $0x1000, s6  }
0xf: {  	s17 =	sshrl.u32 s11, $0x1;
	s20 =	sadd.s32 $0x2000, s6;
	[dreg:$0x6] =	wrdreg s19  }
0x10: {  	s26 =	smul.u32 $0x2800, s18;
	s21 =	sadd.s32 $0x3000, s6;
	[dreg:$0x7] =	wrdreg s20  }
0x11: {  	s15 =	simm.s32 $0x80;
	s22 =	sadd.s32 $0x4000, s6;
	[dreg:$0x8] =	wrdreg s21  }
0x12: {  	s11 =	ssub.s32 s11, s17;
	s23 =	sadd.s32 $0x5000, s6;
	[dreg:$0x9] =	wrdreg s22  }
0x13: {  	s12 =	sshrl.u32 s26, $0x3;
	s24 =	sadd.s32 $0x6000, s6;
	[dreg:$0xa] =	wrdreg s23  }
0x14: {  	s8 =	smul.u32 $0x500, s18;
	s25 =	sadd.s32 $0x7000, s6;
	[dreg:$0xb] =	wrdreg s24  }
0x15: {  	s12 =	sadd.s32 $0x280, s12;
	s13 =	sadd.s32 $0x8000, s6;
	[dreg:$0xc] =	wrdreg s25  }
0x16: {  	s28 =	sadd.s32 $0x9000, s6;
	s17 =	sadd.s32 s9, s12;
	[dreg:$0xd] =	wrdreg s13  }
0x17: {  	s18 =	sadd.s32 s10, s12;
	s0 =	sadd.s32 $0x15C00, s0;
	[dreg:$0xe] =	wrdreg s28  }
0x18: {  	s26 =	sadd.s32 $0xE000, s6;
	s31 =	sadd.s32 $0x10000, s6;
	[dreg:$0x11] =	wrdreg s17  }
0x19: {  	s4 =	sadd.s32 $0x12000, s6;
	s7 =	sadd.s32 $0x13000, s6;
	[dreg:$0x12] =	wrdreg s18  }
0x1a: {  	s12 =	simm.s32 $0x2800;
	s16 =	sadd.s32 s9, s8;
	[dreg:$0x16] =	wrdreg s0  }
0x1b: {  	s8 =	sadd.s32 s10, s8;
	s19 =	sadd.s32 $0xA000, s6;
	[dreg:$0x1a] =	wrdreg s26  }
0x1c: {  	s20 =	sadd.s32 $0xB000, s6;
	s21 =	sshrl.u32 s14, $0x2;
	[dreg:$0xf] =	wrdreg s16  }
0x1d: {  	s22 =	smax.u32 s11, $0x1;
	s24 =	sadd.s32 $0xC000, s6;
	[dreg:$0x10] =	wrdreg s8  }
0x1e: {  	s25 =	sadd.s32 $0xD000, s6;
	s28 =	sadd.s32 $0xF000, s6;
	[dreg:$0x13] =	wrdreg s19  }
0x1f: {  	s0 =	sadd.s32 $0x11000, s6;
	s9 =	simm.s32 $0x7;
	[dreg:$0x15] =	wrdreg s20  }
0x20: {  	s10 =	simm.s32 $0x1400;
	s11 =	simm.s32 $0x7D;
	[dreg:$0x17] =	wrdreg s22  }
0x21: {  	s13 =	simm.s32 $0x1;
	s14 =	simm.s32 $0x1F800;
	[dreg:$0x18] =	wrdreg s24  }
0x22: {  	s17 =	simm.s32 $0x2;
	s18 =	simm.s32 $0x3;
	[dreg:$0x19] =	wrdreg s25  }
0x23: {  	s23 =	sadd.s32 s21, s3;
	[dreg:$0x1b] =	wrdreg s28;
	s8 =	simm.s32 $0xA800  }
0x24: {  	s16 =	simm.s32 $0x6800;
	s19 =	simm.s32 $0x5;
	s20 =	simm.s32 $0x4  }
0x25: {  	v0 =	vimm.f32 $0.0e+00;
	v1 =	vimm.f32 $1.000000000e+00;
	s21 =	simm.s32 $0x6;
	s22 =	simm.s32 $0x2780;
	s24 =	simm.s32 $0x0  }
.LBB2_1:
0x26: {  	s25 =	simm.s32 $0x0;
	s26 =	simm.s32 $0x200  }
.LBB2_2:
0x27: {  	p0 =	sne.s32 s26, $0x3E00;
	[tilespmem:s25+$0xA870] =	vst v0  }
0x28: {  	[tilespmem:s25+$0xA800] =	vst v0  }
0x29: {  	[tilespmem:s25+$0xA810] =	vst v0  }
.Ltmp0:
0x2a: {  	[tilespmem:s25+$0xA820] =	vst v0;
	(pc) =	sbr.rel @p0 .LBB2_2-.Ltmp0, $4  }
0x2b: {  	[tilespmem:s25+$0xA830] =	vst v0  }
0x2c: {  	[tilespmem:s25+$0xA840] =	vst v0  }
0x2d: {  	[tilespmem:s25+$0xA850] =	vst v0  }
0x2e: {  	[tilespmem:s25+$0xA860] =	vst v0;
	s25 =	sshra.s32 s26, $0x2;
	s26 =	sadd.s32 $0x200, s26  }
0x2f: {  	[tilespmem:s25+$0xA870] =	vst v0  }
0x30: {  	[tilespmem:s25+$0xA800] =	vst v0  }
0x31: {  	[tilespmem:s25+$0xA810] =	vst v0  }
0x32: {  	[tilespmem:s25+$0xA820] =	vst v0  }
0x33: {  	[tilespmem:s25+$0xA830] =	vst v0  }
0x34: {  	[tilespmem:s25+$0xA840] =	vst v0  }
0x35: {  	[tilespmem:s25+$0xA850] =	vst v0  }
0x36: {  	[tilespmem:s25+$0xA860] =	vst v0  }
0x37: {  	[spmem:s6] =	stream.linear.scatter [tilespmem:s8], [sflag:$0x7], $0x1000, $0x38;
	[tilespmem:$0x1FD80] =	vst v63  }
0x38: {  	_ =	swait.ge [sflag:s9], $0x1000  }
0x39: {  	[sflag:s9] =	ssyncset.done $0x0  }
0x3a: {  	s28 =	rddreg [dreg:$0x6];
	[sflag:s9] =	ssyncadd.s32 $0xFFFFF000  }
0x3b: {  	[spmem:s28] =	stream.linear.scatter [tilespmem:s8], [sflag:$0x7], $0x1000, $0x38;
	[tilespmem:$0x1FD80] =	vst v63  }
0x3c: {  	_ =	swait.ge [sflag:s9], $0x1000  }
0x3d: {  	[sflag:s9] =	ssyncset.done $0x0  }
0x3e: {  	s26 =	rddreg [dreg:$0x7];
	[sflag:s9] =	ssyncadd.s32 $0xFFFFF000  }
0x3f: {  	[spmem:s26] =	stream.linear.scatter [tilespmem:s8], [sflag:$0x7], $0x1000, $0x38;
	[tilespmem:$0x1FD80] =	vst v63  }
0x40: {  	_ =	swait.ge [sflag:s9], $0x1000  }
0x41: {  	[sflag:s9] =	ssyncset.done $0x0  }
0x42: {  	s28 =	rddreg [dreg:$0x8];
	[sflag:s9] =	ssyncadd.s32 $0xFFFFF000  }
0x43: {  	[spmem:s28] =	stream.linear.scatter [tilespmem:s8], [sflag:$0x7], $0x1000, $0x38;
	[tilespmem:$0x1FD80] =	vst v63  }
0x44: {  	_ =	swait.ge [sflag:s9], $0x1000  }
0x45: {  	[sflag:s9] =	ssyncset.done $0x0  }
0x46: {  	s26 =	rddreg [dreg:$0x9];
	[sflag:s9] =	ssyncadd.s32 $0xFFFFF000  }
0x47: {  	[spmem:s26] =	stream.linear.scatter [tilespmem:s8], [sflag:$0x7], $0x1000, $0x38;
	[tilespmem:$0x1FD80] =	vst v63  }
0x48: {  	_ =	swait.ge [sflag:s9], $0x1000  }
0x49: {  	[sflag:s9] =	ssyncset.done $0x0  }
0x4a: {  	s28 =	rddreg [dreg:$0xa];
	[sflag:s9] =	ssyncadd.s32 $0xFFFFF000  }
0x4b: {  	[spmem:s28] =	stream.linear.scatter [tilespmem:s8], [sflag:$0x7], $0x1000, $0x38;
	[tilespmem:$0x1FD80] =	vst v63  }
0x4c: {  	_ =	swait.ge [sflag:s9], $0x1000  }
0x4d: {  	[sflag:s9] =	ssyncset.done $0x0  }
0x4e: {  	s26 =	rddreg [dreg:$0xb];
	[sflag:s9] =	ssyncadd.s32 $0xFFFFF000  }
0x4f: {  	[spmem:s26] =	stream.linear.scatter [tilespmem:s8], [sflag:$0x7], $0x1000, $0x38;
	[tilespmem:$0x1FD80] =	vst v63  }
0x50: {  	_ =	swait.ge [sflag:s9], $0x1000  }
0x51: {  	[sflag:s9] =	ssyncset.done $0x0  }
0x52: {  	s28 =	rddreg [dreg:$0xc];
	[sflag:s9] =	ssyncadd.s32 $0xFFFFF000  }
0x53: {  	[spmem:s28] =	stream.linear.scatter [tilespmem:s8], [sflag:$0x7], $0x1000, $0x38;
	[tilespmem:$0x1FD80] =	vst v63  }
0x54: {  	_ =	swait.ge [sflag:s9], $0x1000  }
0x55: {  	[sflag:s9] =	ssyncset.done $0x0  }
0x56: {  	s26 =	rddreg [dreg:$0xd];
	[sflag:s9] =	ssyncadd.s32 $0xFFFFF000  }
0x57: {  	[spmem:s26] =	stream.linear.scatter [tilespmem:s8], [sflag:$0x7], $0x1000, $0x38;
	[tilespmem:$0x1FD80] =	vst v63  }
0x58: {  	_ =	swait.ge [sflag:s9], $0x1000  }
0x59: {  	[sflag:s9] =	ssyncset.done $0x0  }
0x5a: {  	s28 =	rddreg [dreg:$0xe];
	[sflag:s9] =	ssyncadd.s32 $0xFFFFF000  }
0x5b: {  	[spmem:s28] =	stream.linear.scatter [tilespmem:s8], [sflag:$0x7], $0x1000, $0x38;
	[tilespmem:$0x1FD80] =	vst v63  }
0x5c: {  	_ =	swait.ge [sflag:s9], $0x1000  }
0x5d: {  	[sflag:s9] =	ssyncset.done $0x0  }
0x5e: {  	s26 =	rddreg [dreg:$0x13];
	[sflag:s9] =	ssyncadd.s32 $0xFFFFF000  }
0x5f: {  	[spmem:s26] =	stream.linear.scatter [tilespmem:s8], [sflag:$0x7], $0x1000, $0x38;
	[tilespmem:$0x1FD80] =	vst v63  }
0x60: {  	_ =	swait.ge [sflag:s9], $0x1000  }
0x61: {  	[sflag:s9] =	ssyncset.done $0x0  }
0x62: {  	s28 =	rddreg [dreg:$0x15];
	[sflag:s9] =	ssyncadd.s32 $0xFFFFF000  }
0x63: {  	[spmem:s28] =	stream.linear.scatter [tilespmem:s8], [sflag:$0x7], $0x1000, $0x38;
	[tilespmem:$0x1FD80] =	vst v63  }
0x64: {  	_ =	swait.ge [sflag:s9], $0x1000  }
0x65: {  	[sflag:s9] =	ssyncset.done $0x0  }
0x66: {  	s26 =	rddreg [dreg:$0x18];
	[sflag:s9] =	ssyncadd.s32 $0xFFFFF000  }
0x67: {  	[spmem:s26] =	stream.linear.scatter [tilespmem:s8], [sflag:$0x7], $0x1000, $0x38;
	[tilespmem:$0x1FD80] =	vst v63  }
0x68: {  	_ =	swait.ge [sflag:s9], $0x1000  }
0x69: {  	[sflag:s9] =	ssyncset.done $0x0  }
0x6a: {  	s28 =	rddreg [dreg:$0x19];
	[sflag:s9] =	ssyncadd.s32 $0xFFFFF000  }
0x6b: {  	[spmem:s28] =	stream.linear.scatter [tilespmem:s8], [sflag:$0x7], $0x1000, $0x38;
	[tilespmem:$0x1FD80] =	vst v63  }
0x6c: {  	_ =	swait.ge [sflag:s9], $0x1000  }
0x6d: {  	[sflag:s9] =	ssyncset.done $0x0  }
0x6e: {  	s26 =	rddreg [dreg:$0x1a];
	[sflag:s9] =	ssyncadd.s32 $0xFFFFF000  }
0x6f: {  	[spmem:s26] =	stream.linear.scatter [tilespmem:s8], [sflag:$0x7], $0x1000, $0x38;
	[tilespmem:$0x1FD80] =	vst v63  }
0x70: {  	_ =	swait.ge [sflag:s9], $0x1000  }
0x71: {  	[sflag:s9] =	ssyncset.done $0x0  }
0x72: {  	s28 =	rddreg [dreg:$0x1b];
	[sflag:s9] =	ssyncadd.s32 $0xFFFFF000  }
0x73: {  	[spmem:s28] =	stream.linear.scatter [tilespmem:s8], [sflag:$0x7], $0x1000, $0x38;
	[tilespmem:$0x1FD80] =	vst v63  }
0x74: {  	_ =	swait.ge [sflag:s9], $0x1000  }
0x75: {  	[sflag:s9] =	ssyncset.done $0x0  }
0x76: {  	[sflag:s9] =	ssyncadd.s32 $0xFFFFF000  }
0x77: {  	[spmem:s31] =	stream.linear.scatter [tilespmem:s8], [sflag:$0x7], $0x1000, $0x38;
	[tilespmem:$0x1FD80] =	vst v63  }
0x78: {  	_ =	swait.ge [sflag:s9], $0x1000  }
0x79: {  	[sflag:s9] =	ssyncset.done $0x0  }
0x7a: {  	[sflag:s9] =	ssyncadd.s32 $0xFFFFF000  }
0x7b: {  	[spmem:s0] =	stream.linear.scatter [tilespmem:s8], [sflag:$0x7], $0x1000, $0x38;
	[tilespmem:$0x1FD80] =	vst v63  }
0x7c: {  	_ =	swait.ge [sflag:s9], $0x1000  }
0x7d: {  	[sflag:s9] =	ssyncset.done $0x0  }
0x7e: {  	[sflag:s9] =	ssyncadd.s32 $0xFFFFF000  }
0x7f: {  	[spmem:s4] =	stream.linear.scatter [tilespmem:s8], [sflag:$0x7], $0x1000, $0x38;
	[tilespmem:$0x1FD80] =	vst v63  }
0x80: {  	_ =	swait.ge [sflag:s9], $0x1000  }
0x81: {  	[sflag:s9] =	ssyncset.done $0x0  }
0x82: {  	[sflag:s9] =	ssyncadd.s32 $0xFFFFF000  }
0x83: {  	[spmem:s7] =	stream.linear.scatter [tilespmem:s8], [sflag:$0x7], $0x1000, $0x38;
	[tilespmem:$0x1FD80] =	vst v63  }
0x84: {  	_ =	swait.ge [sflag:s9], $0x1000  }
0x85: {  	[sflag:s9] =	ssyncset.done $0x0  }
0x86: {  	[sflag:s9] =	ssyncadd.s32 $0xFFFFF000  }
0x87: {  	[tilespmem:$0x1F880] =	vst v0  }
0x88: {  	[tilespmem:$0x1F890] =	vst v0  }
0x89: {  	[tilespmem:$0x1F8A0] =	vst v0  }
0x8a: {  	[tilespmem:$0x1F8B0] =	vst v0  }
0x8b: {  	[tilespmem:$0x1F8C0] =	vst v0  }
0x8c: {  	[tilespmem:$0x1F8D0] =	vst v0  }
0x8d: {  	[tilespmem:$0x1F8E0] =	vst v0  }
0x8e: {  	[tilespmem:$0x1F8F0] =	vst v0  }
0x8f: {  	[tilespmem:$0x1F900] =	vst v0  }
0x90: {  	[tilespmem:$0x1F910] =	vst v0  }
0x91: {  	[tilespmem:$0x1F920] =	vst v0  }
0x92: {  	[tilespmem:$0x1F930] =	vst v0  }
0x93: {  	[tilespmem:$0x1F940] =	vst v0  }
0x94: {  	[tilespmem:$0x1F950] =	vst v0  }
0x95: {  	[tilespmem:$0x1F960] =	vst v0  }
0x96: {  	[tilespmem:$0x1F970] =	vst v0  }
0x97: {  	[tilespmem:$0x1F980] =	vst v0  }
0x98: {  	[tilespmem:$0x1F990] =	vst v0  }
0x99: {  	[tilespmem:$0x1F9A0] =	vst v0  }
0x9a: {  	[tilespmem:$0x1F9B0] =	vst v0  }
0x9b: {  	[tilespmem:$0x1F9C0] =	vst v0  }
0x9c: {  	[tilespmem:$0x1F9D0] =	vst v0  }
0x9d: {  	[tilespmem:$0x1F9E0] =	vst v0  }
0x9e: {  	[tilespmem:$0x1F9F0] =	vst v0  }
0x9f: {  	[tilespmem:$0x1FA00] =	vst v0  }
0xa0: {  	[tilespmem:$0x1FA10] =	vst v0  }
0xa1: {  	[tilespmem:$0x1FA20] =	vst v0  }
0xa2: {  	[tilespmem:$0x1FA30] =	vst v0  }
0xa3: {  	[tilespmem:$0x1FA40] =	vst v0  }
0xa4: {  	[tilespmem:$0x1FA50] =	vst v0  }
0xa5: {  	[tilespmem:$0x1FA60] =	vst v0  }
0xa6: {  	[tilespmem:$0x1FA70] =	vst v0  }
0xa7: {  	[tilespmem:$0x1FA80] =	vst v0  }
0xa8: {  	[tilespmem:$0x1FA90] =	vst v0  }
0xa9: {  	[tilespmem:$0x1FAA0] =	vst v0  }
0xaa: {  	[tilespmem:$0x1FAB0] =	vst v0  }
0xab: {  	[tilespmem:$0x1FAC0] =	vst v0  }
0xac: {  	[tilespmem:$0x1FAD0] =	vst v0  }
0xad: {  	[tilespmem:$0x1FAE0] =	vst v0  }
0xae: {  	s26 =	simm.s32 $0x1F880;
	[tilespmem:$0x1FAF0] =	vst v0  }
0xaf: {  	[spmem:s23] =	stream.linear.scatter [tilespmem:s26], [sflag:$0x7], $0x280, $0x38;
	[tilespmem:$0x1FD80] =	vst v63  }
0xb0: {  	_ =	swait.ge [sflag:s9], $0x280  }
0xb1: {  	[sflag:s9] =	ssyncset.done $0x0  }
0xb2: {  	[sflag:s9] =	ssyncadd.s32 $0xFFFFFD80  }
0xb3: {  	[tilespmem:$0x1F800] =	vst v1  }
0xb4: {  	[tilespmem:$0x1F810] =	vst v1  }
0xb5: {  	[tilespmem:$0x1F820] =	vst v1  }
0xb6: {  	[tilespmem:$0x1F830] =	vst v1  }
0xb7: {  	[tilespmem:$0x1F840] =	vst v1  }
0xb8: {  	[tilespmem:$0x1F850] =	vst v1  }
0xb9: {  	[tilespmem:$0x1F860] =	vst v1  }
0xba: {  	[tilespmem:$0x1F870] =	vst v1  }
0xbb: {  	[bflag:$0x0] =	sbarrier.arrive $0xFFFF  }
0xbc: {  	s28 =	rddreg [dreg:$0xf]  }
0xbd: {  	[tilespmem:s5], [sflag:$0x7] =	stream.linear.gather [hbm4b:s28+s5], $0x1400, $0x38;
	[tilespmem:$0x1FD80] =	vst v63  }
0xbe: {  	_ =	swait.ge [sflag:s9], $0x1400  }
0xbf: {  	[sflag:s9] =	ssyncset.done $0x0  }
0xc0: {  	s26 =	rddreg [dreg:$0x10];
	[sflag:s9] =	ssyncadd.s32 $0xFFFFEC00  }
0xc1: {  	[tilespmem:s10], [sflag:$0x7] =	stream.linear.gather [hbm4b:s26+s5], $0x1400, $0x38;
	[tilespmem:$0x1FD80] =	vst v63  }
0xc2: {  	_ =	swait.ge [sflag:s9], $0x1400  }
0xc3: {  	[sflag:s9] =	ssyncset.done $0x0  }
0xc4: {  	[sflag:s9] =	ssyncadd.s32 $0xFFFFEC00  }
0xc5: {  	[tilespmem:s12], [sflag:$0x1] =	stream.indirect.gather [hbm4b:s1+s11], $0x80, s5, s11, $0xb8;
	[tilespmem:$0x1FD80] =	vst v63  }
0xc6: {  	_ =	swait.ge [sflag:s13], $0x3E80  }
0xc7: {  	[sflag:s13] =	ssyncset.done $0x0  }
0xc8: {  	[sflag:s13] =	ssyncadd.s32 $0xFFFFC180  }
0xc9: {  	[spmem:s2] =	stream.indirect.scatter.add.f32 [tilespmem:s12], [sflag:$0x3], $0x80, s10, s11, $0xb8;
	[tilespmem:$0x1FD80] =	vst v63  }
0xca: {  	_ = 	snop  }
0xcb: {  	[spmem:s3] =	stream.indirect.scatter.add.f32 [tilespmem:s14], [sflag:$0x5], $0x1, s10, s11, $0xb8;
	[tilespmem:$0x1FD80] =	vst v63  }
0xcc: {  	_ = 	snop  }
0xcd: {  	[tilespmem:s16], [sflag:$0x2] =	stream.indirect.gather [hbm4b:s1+s11], $0x80, s15, s11, $0xb8;
	[tilespmem:$0x1FD80] =	vst v63  }
0xce: {  	_ =	swait.ge [sflag:s17], $0x3E80  }
0xcf: {  	[sflag:s17] =	ssyncset.done $0x0  }
0xd0: {  	s28 =	simm.s32 $0x1480;
	[sflag:s17] =	ssyncadd.s32 $0xFFFFC180  }
0xd1: {  	[spmem:s2] =	stream.indirect.scatter.add.f32 [tilespmem:s16], [sflag:$0x4], $0x80, s28, s11, $0xb8;
	[tilespmem:$0x1FD80] =	vst v63  }
0xd2: {  	_ = 	snop  }
0xd3: {  	[spmem:s3] =	stream.indirect.scatter.add.f32 [tilespmem:s14], [sflag:$0x6], $0x1, s28, s11, $0xb8;
	[tilespmem:$0x1FD80] =	vst v63  }
0xd4: {  	_ =	swait.ge [sflag:s18], $0x3E80  }
0xd5: {  	[sflag:s18] =	ssyncset.done $0x0  }
0xd6: {  	[sflag:s18] =	ssyncadd.s32 $0xFFFFC180  }
0xd7: {  	_ =	swait.ge [sflag:s19], $0x7D  }
0xd8: {  	[sflag:s19] =	ssyncset.done $0x0  }
0xd9: {  	s26 =	simm.s32 $0x100;
	[sflag:s19] =	ssyncadd.s32 $0xFFFFFF83  }
0xda: {  	[tilespmem:s12], [sflag:$0x1] =	stream.indirect.gather [hbm4b:s1+s11], $0x80, s26, s11, $0xb8;
	[tilespmem:$0x1FD80] =	vst v63  }
0xdb: {  	_ =	swait.ge [sflag:s13], $0x3E80  }
0xdc: {  	[sflag:s13] =	ssyncset.done $0x0  }
0xdd: {  	s28 =	simm.s32 $0x1500;
	[sflag:s13] =	ssyncadd.s32 $0xFFFFC180  }
0xde: {  	[spmem:s2] =	stream.indirect.scatter.add.f32 [tilespmem:s12], [sflag:$0x3], $0x80, s28, s11, $0xb8;
	[tilespmem:$0x1FD80] =	vst v63  }
0xdf: {  	_ = 	snop  }
0xe0: {  	[spmem:s3] =	stream.indirect.scatter.add.f32 [tilespmem:s14], [sflag:$0x5], $0x1, s28, s11, $0xb8;
	[tilespmem:$0x1FD80] =	vst v63  }
0xe1: {  	_ =	swait.ge [sflag:s20], $0x3E80  }
0xe2: {  	[sflag:s20] =	ssyncset.done $0x0  }
0xe3: {  	[sflag:s20] =	ssyncadd.s32 $0xFFFFC180  }
0xe4: {  	_ =	swait.ge [sflag:s21], $0x7D  }
0xe5: {  	[sflag:s21] =	ssyncset.done $0x0  }
0xe6: {  	s25 =	simm.s32 $0xFFFFB800;
	s26 =	simm.s32 $0x180;
	[sflag:s21] =	ssyncadd.s32 $0xFFFFFF83  }
.LBB2_4:
0xe7: {  	[tilespmem:s16], [sflag:$0x2] =	stream.indirect.gather [hbm4b:s1+s11], $0x80, s26, s11, $0xb8;
	[tilespmem:$0x1FD80] =	vst v63  }
0xe8: {  	s26 =	smov.u32 s25  }
0xe9: {  	p0 =	sne.s32 s25, $0xFFFFFC00;
	s25 =	sadd.s32 $0x400, s25;
	_ =	swait.ge [sflag:s17], $0x3E80  }
0xea: {  	s26 =	sshra.s32 s26, $0x2;
	[sflag:s17] =	ssyncset.done $0x0  }
0xeb: {  	s28 =	sadd.s32 $0x2780, s26;
	[sflag:s17] =	ssyncadd.s32 $0xFFFFC180  }
0xec: {  	[spmem:s2] =	stream.indirect.scatter.add.f32 [tilespmem:s16], [sflag:$0x4], $0x80, s28, s11, $0xb8;
	[tilespmem:$0x1FD80] =	vst v63  }
0xed: {  	_ = 	snop  }
0xee: {  	[spmem:s3] =	stream.indirect.scatter.add.f32 [tilespmem:s14], [sflag:$0x6], $0x1, s28, s11, $0xb8;
	[tilespmem:$0x1FD80] =	vst v63  }
0xef: {  	_ =	swait.ge [sflag:s18], $0x3E80  }
0xf0: {  	[sflag:s18] =	ssyncset.done $0x0  }
0xf1: {  	[sflag:s18] =	ssyncadd.s32 $0xFFFFC180  }
0xf2: {  	_ =	swait.ge [sflag:s19], $0x7D  }
0xf3: {  	[sflag:s19] =	ssyncset.done $0x0  }
0xf4: {  	s28 =	sadd.s32 $0x1400, s26;
	[sflag:s19] =	ssyncadd.s32 $0xFFFFFF83  }
0xf5: {  	[tilespmem:s12], [sflag:$0x1] =	stream.indirect.gather [hbm4b:s1+s11], $0x80, s28, s11, $0xb8;
	[tilespmem:$0x1FD80] =	vst v63  }
0xf6: {  	_ =	swait.ge [sflag:s13], $0x3E80  }
0xf7: {  	[sflag:s13] =	ssyncset.done $0x0  }
0xf8: {  	s28 =	sadd.s32 $0x2800, s26;
	[sflag:s13] =	ssyncadd.s32 $0xFFFFC180  }
0xf9: {  	[spmem:s2] =	stream.indirect.scatter.add.f32 [tilespmem:s12], [sflag:$0x3], $0x80, s28, s11, $0xb8;
	[tilespmem:$0x1FD80] =	vst v63  }
0xfa: {  	_ = 	snop  }
0xfb: {  	[spmem:s3] =	stream.indirect.scatter.add.f32 [tilespmem:s14], [sflag:$0x5], $0x1, s28, s11, $0xb8;
	[tilespmem:$0x1FD80] =	vst v63  }
0xfc: {  	_ =	swait.ge [sflag:s20], $0x3E80  }
.Ltmp1:
0xfd: {  	[sflag:s20] =	ssyncset.done $0x0;
	(pc) =	sbr.rel @p0 .LBB2_4-.Ltmp1, $4  }
0xfe: {  	[sflag:s20] =	ssyncadd.s32 $0xFFFFC180  }
0xff: {  	_ =	swait.ge [sflag:s21], $0x7D  }
0x100: {  	[sflag:s21] =	ssyncset.done $0x0  }
0x101: {  	s26 =	sadd.s32 $0x1480, s26;
	[sflag:s21] =	ssyncadd.s32 $0xFFFFFF83  }
0x102: {  	[tilespmem:s16], [sflag:$0x2] =	stream.indirect.gather [hbm4b:s1+s11], $0x80, s26, s11, $0xb8;
	[tilespmem:$0x1FD80] =	vst v63  }
0x103: {  	_ =	swait.ge [sflag:s17], $0x3E80  }
0x104: {  	[sflag:s17] =	ssyncset.done $0x0  }
0x105: {  	[sflag:s17] =	ssyncadd.s32 $0xFFFFC180  }
0x106: {  	[spmem:s2] =	stream.indirect.scatter.add.f32 [tilespmem:s16], [sflag:$0x4], $0x80, s22, s11, $0xb8;
	[tilespmem:$0x1FD80] =	vst v63  }
0x107: {  	_ = 	snop  }
0x108: {  	[spmem:s3] =	stream.indirect.scatter.add.f32 [tilespmem:s14], [sflag:$0x6], $0x1, s22, s11, $0xb8;
	[tilespmem:$0x1FD80] =	vst v63  }
0x109: {  	_ =	swait.ge [sflag:s18], $0x3E80  }
0x10a: {  	[sflag:s18] =	ssyncset.done $0x0  }
0x10b: {  	[sflag:s18] =	ssyncadd.s32 $0xFFFFC180  }
0x10c: {  	_ =	swait.ge [sflag:s19], $0x7D  }
0x10d: {  	[sflag:s19] =	ssyncset.done $0x0  }
0x10e: {  	[sflag:s19] =	ssyncadd.s32 $0xFFFFFF83  }
0x10f: {  	_ =	swait.ge [sflag:s20], $0x3E80  }
0x110: {  	[sflag:s20] =	ssyncset.done $0x0  }
0x111: {  	[sflag:s20] =	ssyncadd.s32 $0xFFFFC180  }
0x112: {  	_ =	swait.ge [sflag:s21], $0x7D  }
0x113: {  	[sflag:s21] =	ssyncset.done $0x0  }
0x114: {  	s25 =	rddreg [dreg:$0x11];
	[sflag:s21] =	ssyncadd.s32 $0xFFFFFF83  }
0x115: {  	[tilespmem:s5], [sflag:$0x7] =	stream.linear.gather [hbm4b:s25+s5], $0x1400, $0x38;
	[tilespmem:$0x1FD80] =	vst v63  }
0x116: {  	_ =	swait.ge [sflag:s9], $0x1400  }
0x117: {  	[sflag:s9] =	ssyncset.done $0x0  }
0x118: {  	s26 =	rddreg [dreg:$0x12];
	[sflag:s9] =	ssyncadd.s32 $0xFFFFEC00  }
0x119: {  	[tilespmem:s10], [sflag:$0x7] =	stream.linear.gather [hbm4b:s26+s5], $0x1400, $0x38;
	[tilespmem:$0x1FD80] =	vst v63  }
0x11a: {  	_ =	swait.ge [sflag:s9], $0x1400  }
0x11b: {  	[sflag:s9] =	ssyncset.done $0x0  }
0x11c: {  	[sflag:s9] =	ssyncadd.s32 $0xFFFFEC00  }
0x11d: {  	[tilespmem:s12], [sflag:$0x1] =	stream.indirect.gather [hbm4b:s1+s11], $0x80, s5, s11, $0xb8;
	[tilespmem:$0x1FD80] =	vst v63  }
0x11e: {  	_ =	swait.ge [sflag:s13], $0x3E80  }
0x11f: {  	[sflag:s13] =	ssyncset.done $0x0  }
0x120: {  	[sflag:s13] =	ssyncadd.s32 $0xFFFFC180  }
0x121: {  	[spmem:s2] =	stream.indirect.scatter.add.f32 [tilespmem:s12], [sflag:$0x3], $0x80, s10, s11, $0xb8;
	[tilespmem:$0x1FD80] =	vst v63  }
0x122: {  	_ = 	snop  }
0x123: {  	[spmem:s3] =	stream.indirect.scatter.add.f32 [tilespmem:s14], [sflag:$0x5], $0x1, s10, s11, $0xb8;
	[tilespmem:$0x1FD80] =	vst v63  }
0x124: {  	_ = 	snop  }
0x125: {  	[tilespmem:s16], [sflag:$0x2] =	stream.indirect.gather [hbm4b:s1+s11], $0x80, s15, s11, $0xb8;
	[tilespmem:$0x1FD80] =	vst v63  }
0x126: {  	_ =	swait.ge [sflag:s17], $0x3E80  }
0x127: {  	[sflag:s17] =	ssyncset.done $0x0  }
0x128: {  	s28 =	simm.s32 $0x1480;
	[sflag:s17] =	ssyncadd.s32 $0xFFFFC180  }
0x129: {  	[spmem:s2] =	stream.indirect.scatter.add.f32 [tilespmem:s16], [sflag:$0x4], $0x80, s28, s11, $0xb8;
	[tilespmem:$0x1FD80] =	vst v63  }
0x12a: {  	_ = 	snop  }
0x12b: {  	[spmem:s3] =	stream.indirect.scatter.add.f32 [tilespmem:s14], [sflag:$0x6], $0x1, s28, s11, $0xb8;
	[tilespmem:$0x1FD80] =	vst v63  }
0x12c: {  	_ =	swait.ge [sflag:s18], $0x3E80  }
0x12d: {  	[sflag:s18] =	ssyncset.done $0x0  }
0x12e: {  	[sflag:s18] =	ssyncadd.s32 $0xFFFFC180  }
0x12f: {  	_ =	swait.ge [sflag:s19], $0x7D  }
0x130: {  	[sflag:s19] =	ssyncset.done $0x0  }
0x131: {  	s26 =	simm.s32 $0x100;
	[sflag:s19] =	ssyncadd.s32 $0xFFFFFF83  }
0x132: {  	[tilespmem:s12], [sflag:$0x1] =	stream.indirect.gather [hbm4b:s1+s11], $0x80, s26, s11, $0xb8;
	[tilespmem:$0x1FD80] =	vst v63  }
0x133: {  	_ =	swait.ge [sflag:s13], $0x3E80  }
0x134: {  	[sflag:s13] =	ssyncset.done $0x0  }
0x135: {  	s28 =	simm.s32 $0x1500;
	[sflag:s13] =	ssyncadd.s32 $0xFFFFC180  }
0x136: {  	[spmem:s2] =	stream.indirect.scatter.add.f32 [tilespmem:s12], [sflag:$0x3], $0x80, s28, s11, $0xb8;
	[tilespmem:$0x1FD80] =	vst v63  }
0x137: {  	_ = 	snop  }
0x138: {  	[spmem:s3] =	stream.indirect.scatter.add.f32 [tilespmem:s14], [sflag:$0x5], $0x1, s28, s11, $0xb8;
	[tilespmem:$0x1FD80] =	vst v63  }
0x139: {  	_ =	swait.ge [sflag:s20], $0x3E80  }
0x13a: {  	[sflag:s20] =	ssyncset.done $0x0  }
0x13b: {  	[sflag:s20] =	ssyncadd.s32 $0xFFFFC180  }
0x13c: {  	_ =	swait.ge [sflag:s21], $0x7D  }
0x13d: {  	[sflag:s21] =	ssyncset.done $0x0  }
0x13e: {  	s25 =	simm.s32 $0xFFFFB800;
	s26 =	simm.s32 $0x180;
	[sflag:s21] =	ssyncadd.s32 $0xFFFFFF83  }
.LBB2_6:
0x13f: {  	[tilespmem:s16], [sflag:$0x2] =	stream.indirect.gather [hbm4b:s1+s11], $0x80, s26, s11, $0xb8;
	[tilespmem:$0x1FD80] =	vst v63  }
0x140: {  	s26 =	smov.u32 s25  }
0x141: {  	p0 =	sne.s32 s25, $0xFFFFFC00;
	s25 =	sadd.s32 $0x400, s25;
	_ =	swait.ge [sflag:s17], $0x3E80  }
0x142: {  	s26 =	sshra.s32 s26, $0x2;
	[sflag:s17] =	ssyncset.done $0x0  }
0x143: {  	s28 =	sadd.s32 $0x2780, s26;
	[sflag:s17] =	ssyncadd.s32 $0xFFFFC180  }
0x144: {  	[spmem:s2] =	stream.indirect.scatter.add.f32 [tilespmem:s16], [sflag:$0x4], $0x80, s28, s11, $0xb8;
	[tilespmem:$0x1FD80] =	vst v63  }
0x145: {  	_ = 	snop  }
0x146: {  	[spmem:s3] =	stream.indirect.scatter.add.f32 [tilespmem:s14], [sflag:$0x6], $0x1, s28, s11, $0xb8;
	[tilespmem:$0x1FD80] =	vst v63  }
0x147: {  	_ =	swait.ge [sflag:s18], $0x3E80  }
0x148: {  	[sflag:s18] =	ssyncset.done $0x0  }
0x149: {  	[sflag:s18] =	ssyncadd.s32 $0xFFFFC180  }
0x14a: {  	_ =	swait.ge [sflag:s19], $0x7D  }
0x14b: {  	[sflag:s19] =	ssyncset.done $0x0  }
0x14c: {  	s28 =	sadd.s32 $0x1400, s26;
	[sflag:s19] =	ssyncadd.s32 $0xFFFFFF83  }
0x14d: {  	[tilespmem:s12], [sflag:$0x1] =	stream.indirect.gather [hbm4b:s1+s11], $0x80, s28, s11, $0xb8;
	[tilespmem:$0x1FD80] =	vst v63  }
0x14e: {  	_ =	swait.ge [sflag:s13], $0x3E80  }
0x14f: {  	[sflag:s13] =	ssyncset.done $0x0  }
0x150: {  	s28 =	sadd.s32 $0x2800, s26;
	[sflag:s13] =	ssyncadd.s32 $0xFFFFC180  }
0x151: {  	[spmem:s2] =	stream.indirect.scatter.add.f32 [tilespmem:s12], [sflag:$0x3], $0x80, s28, s11, $0xb8;
	[tilespmem:$0x1FD80] =	vst v63  }
0x152: {  	_ = 	snop  }
0x153: {  	[spmem:s3] =	stream.indirect.scatter.add.f32 [tilespmem:s14], [sflag:$0x5], $0x1, s28, s11, $0xb8;
	[tilespmem:$0x1FD80] =	vst v63  }
0x154: {  	_ =	swait.ge [sflag:s20], $0x3E80  }
.Ltmp2:
0x155: {  	[sflag:s20] =	ssyncset.done $0x0;
	(pc) =	sbr.rel @p0 .LBB2_6-.Ltmp2, $4  }
0x156: {  	[sflag:s20] =	ssyncadd.s32 $0xFFFFC180  }
0x157: {  	_ =	swait.ge [sflag:s21], $0x7D  }
0x158: {  	[sflag:s21] =	ssyncset.done $0x0  }
0x159: {  	s26 =	sadd.s32 $0x1480, s26;
	[sflag:s21] =	ssyncadd.s32 $0xFFFFFF83  }
0x15a: {  	[tilespmem:s16], [sflag:$0x2] =	stream.indirect.gather [hbm4b:s1+s11], $0x80, s26, s11, $0xb8;
	[tilespmem:$0x1FD80] =	vst v63  }
0x15b: {  	_ =	swait.ge [sflag:s17], $0x3E80  }
0x15c: {  	[sflag:s17] =	ssyncset.done $0x0  }
0x15d: {  	[sflag:s17] =	ssyncadd.s32 $0xFFFFC180  }
0x15e: {  	[spmem:s2] =	stream.indirect.scatter.add.f32 [tilespmem:s16], [sflag:$0x4], $0x80, s22, s11, $0xb8;
	[tilespmem:$0x1FD80] =	vst v63  }
0x15f: {  	_ = 	snop  }
0x160: {  	[spmem:s3] =	stream.indirect.scatter.add.f32 [tilespmem:s14], [sflag:$0x6], $0x1, s22, s11, $0xb8;
	[tilespmem:$0x1FD80] =	vst v63  }
0x161: {  	_ =	swait.ge [sflag:s18], $0x3E80  }
0x162: {  	[sflag:s18] =	ssyncset.done $0x0  }
0x163: {  	[sflag:s18] =	ssyncadd.s32 $0xFFFFC180  }
0x164: {  	_ =	swait.ge [sflag:s19], $0x7D  }
0x165: {  	[sflag:s19] =	ssyncset.done $0x0  }
0x166: {  	[sflag:s19] =	ssyncadd.s32 $0xFFFFFF83  }
0x167: {  	_ =	swait.ge [sflag:s20], $0x3E80  }
0x168: {  	[sflag:s20] =	ssyncset.done $0x0  }
0x169: {  	[sflag:s20] =	ssyncadd.s32 $0xFFFFC180  }
0x16a: {  	_ =	swait.ge [sflag:s21], $0x7D  }
0x16b: {  	[sflag:s21] =	ssyncset.done $0x0  }
0x16c: {  	s25 =	stileid.u32;
	[sflag:s21] =	ssyncadd.s32 $0xFFFFFF83  }
0x16d: {  	s25 =	sshll.u32 s25, $0x6;
	[bflag:$0x0] =	sbarrier.arrive $0xFFFF  }
0x16e: {  	s26 =	sshrl.u32 s6, $0x3;
	s25 =	sor.u32 $0x1C07, s25;
	s28 =	rddreg [dreg:$0x16]  }
0x16f: {  	[hbm:s28], [sflag:s25] =	dma.local [spmem:s26], $0x2800  }
0x170: {  	_ =	swait.ge [sflag:s9], $0x2800  }
0x171: {  	[sflag:s9] =	ssyncset.done $0x0  }
0x172: {  	s26 =	sshrl.u32 s23, $0x3;
	s28 =	rddreg [dreg:$0x14];
	[sflag:s9] =	ssyncadd.s32 $0xFFFFD800  }
0x173: {  	[hbm:s28@s29], [sflag:s25] =	dma.strided [spmem:s26@s30], $0x50, s13, $0x10   }
0x174: {  	_ =	swait.ge [sflag:s9], $0x50  }
0x175: {  	s24 =	sadd.s32 $0x1, s24;
	s28 =	rddreg [dreg:$0x17]  }
0x176: {  	p0 =	sne.s32 s24, s28  }
.Ltmp3:
0x177: {  	_ = 	snop;
	(pc) =	sbr.rel @p0 .LBB2_1-.Ltmp3, $3  }
0x178: {  	_ =	sdelay $0x1  }
0x179: {  	[sflag:s9] =	ssyncset.done $0x0  }
0x17a: {  	[sflag:s9] =	ssyncadd.s32 $0xFFFFFFB0  }
0x17b: {  	_ =	sfence.sel $0x180000  }
0x17c: {  	[bflag:$0x0] =	sbarrier.arrive $0xFFFF  }
0x17d: {  	_ =	strace $0x90000047  }
0x17e: {  	s0 =	stileid.u32;
	[bflag:$0x2] =	sbarrier.arrive $0xFFFF  }
0x17f: {  	p0 =	sne.s32 s0, $0x0;
	s0 =	rddreg [dreg:$0x5]  }
0x180: {  	s0 =	sadd.s32 @!p0 $0x100000, s0  }
0x181: {  	[sflag:s0] =	ssyncadd.tile.s32 @!p0 $0x1;
	_ =	shalt  }
.Lfunc_end2:
_tile_overlayer_lowered:
.L_overlay_start_2:
0x182: {  	(tag) =	ssettag $0x2  }
0x183: {  	s0 =	rddreg [dreg:$0x0];
	s2 =	stileid.u32  }
0x184: {  	s1 =	rddreg [dreg:$0x1];
	p0 =	sne.s32 s2, $0x0  }
0x185: {  	s3 =	rddreg [dreg:$0x2];
	[bflag:$0x3] =	sbarrier.arrive $0xFFFF;
	s2 =	simm.s32 @!p0 $0x1C07  }
0x186: {  	[timem:s3], [sflag:s2] =	dma.local @!p0 [hbm:s0], s1  }
0x187: {  	s0 =	simm.s32 @!p0 $0x7  }
0x188: {  	_ =	swait.ge @!p0 [sflag:s0], s1  }
0x189: {  	s1 =	ssub.s32 @!p0 $0x0, s1;
	[sflag:s0] =	ssyncset.done @!p0 $0x0  }
0x18a: {  	[sflag:s0] =	ssyncadd.s32 @!p0 s1  }
0x18b: {  	[bflag:$0x3] =	sbarrier.arrive $0xFFFF  }
0x18c: {  	_ =	shalt  }

// kernel: kernel.9.cloned.1.call-start
scs
__scs_entry_jumppad:
0x0: {  	(pc) =	sbr.rel $0x88, $3  }
0x1: {  	(tag) =	ssettag $0x0;
	lr =	simm.s32 $0x1  }
0x2: {  	[smem:$0x3F99] =	sst lr;
	_ =	strace $0xD0000000  }
0x3: {  	_ = 	snop  }
0x4: {  	_ = 	snop  }
0x5: {  	_ = 	snop  }
0x6: {  	_ = 	snop  }
0x7: {  	_ = 	snop  }
__scs_overlays_trampoline_lowered:
0x8: {  	[smem:$0x3FA8] =	sst s0  }
0x9: {  	[smem:$0x3FA9] =	sst s1  }
0xa: {  	[smem:$0x3FAA] =	sst s2  }
0xb: {  	[smem:$0x3FAB] =	sst s3  }
0xc: {  	[smem:$0x3FAC] =	sst s4  }
0xd: {  	[smem:$0x3FAD] =	sst s5  }
0xe: {  	[smem:$0x3FAE] =	sst s6  }
0xf: {  	[smem:$0x3FAF] =	sst s7  }
0x10: {  	[smem:$0x3FB0] =	sst s8  }
0x11: {  	[smem:$0x3FB1] =	sst s9;
	s0 =	simm.s32 @!p0 $0x0  }
0x12: {  	s1 =	sld [smem:$0x3F97];
	s0 =	simm.s32 @p0 $0x1  }
0x13: {  	[smem:$0x3FB2] =	sst s0;
	s0 =	simm.s32 @!p1 $0x0  }
0x14: {  	s2 =	sld [smem:$0x3F96];
	s0 =	simm.s32 @p1 $0x1  }
0x15: {  	[smem:$0x3FB3] =	sst s0;
	s0 =	simm.s32 @!p2 $0x0  }
0x16: {  	s3 =	sld [smem:$0x3FDB];
	s0 =	simm.s32 @p2 $0x1  }
0x17: {  	s4 =	simm.s32 $0x1BF5;
	[smem:$0x3FB5] =	sst s0  }
0x18: {  	s0 =	sld [smem:$0x3F98];
	_ =	swait.ge [sflag:s4], $0x0  }
0x19: {  	s7 =	sld [smem:$0x3F99]  }
0x1a: {  	s8 =	sadd.s32 $0xFFFFE003, lr  }
0x1b: {  	s9 =	sadd.s32 $0xFFFFFEF7, lr;
	s5 =	simm.s32 $0xFFFFFFFF;
	p2 =	slt.u32 s8, $0xFFFFF086  }
0x1c: {  	p1 =	slt.u32 s9, $0xF7A;
	s5 =	simm.s32 @!p2 $0x0  }
0x1d: {  	s5 =	simm.s32 @p1 $0x1;
	p0 =	seq.s32 s7, s2  }
0x1e: {  	s7 =	smul.u32 @!p0 $0xF7A, s2;
	p2 =	seq.s32 @!p0 s5, $0x0  }
0x1f: {  	s9 =	smul.u32 $0xF7A, s1;
	s8 =	simm.s32 @!p0 $0x1BF5;
	p2 =	por !p2, p0  }
0x20: {  	[sflag:s8] =	ssyncset.s32 @!p0 $0xFFFFF086;
	s6 =	sadd.s32 @!p0 s3, s7;
	s7 =	simm.s32 @!p0 $0x108  }
0x21: {  	s3 =	sadd.s32 s3, s9;
	s6 =	sadd.s32 @!p0 $0x88, s6;
	s7 =	simm.s32 @p2 $0x1082  }
0x22: {  	[simem:s7], [sflag:s8] =	dma.local @!p0 [hbm:s6], $0xF7A  }
0x23: {  	s9 =	sor.u32 $0xD0000000, s2;
	s6 =	simm.s32 $0x108;
	_ =	swait.ge @!p0 [sflag:s8], $0x0  }
0x24: {  	s3 =	sadd.s32 $0x88, s3;
	s6 =	simm.s32 @!p1 $0x1082;
	[sflag:s4] =	ssyncset.s32 $0xFFFFF086  }
0x25: {  	[simem:s6], [sflag:s4] =	dma.local [hbm:s3], $0xF7A  }
0x26: {  	[smem:$0x3F99] =	sst s1;
	(tag) =	ssettag s2;
	_ =	strace s9  }
0x27: {  	s1 =	sld [smem:$0x3FA9]  }
0x28: {  	s2 =	sld [smem:$0x3FAA]  }
0x29: {  	s4 =	sld [smem:$0x3FAC]  }
0x2a: {  	p0 =	seq.s32 s5, $0x0;
	s5 =	sld [smem:$0x3FAD]  }
0x2b: {  	s6 =	sld [smem:$0x3FAE]  }
0x2c: {  	s7 =	sld [smem:$0x3FAF]  }
0x2d: {  	s3 =	simm.s32 $0x108;
	s8 =	sld [smem:$0x3FB0]  }
0x2e: {  	s3 =	simm.s32 @!p0 $0x1082;
	s9 =	sld [smem:$0x3FB1]  }
0x2f: {  	lr =	sadd.s32 s0, s3;
	s0 =	sld [smem:$0x3FA8]  }
0x30: {  	s3 =	sld [smem:$0x3FAB]  }
0x31: {  	[smem:$0x3FB4] =	sst s10  }
0x32: {  	s10 =	sld [smem:$0x3FB2];
	_ =	sdelay $0x3  }
0x33: {  	p0 =	seq.s32 s10, $0x1;
	s10 =	sld [smem:$0x3FB4];
	_ =	sdelay $0x3  }
0x34: {  	[smem:$0x3FB4] =	sst s10  }
0x35: {  	s10 =	sld [smem:$0x3FB3];
	_ =	sdelay $0x3  }
0x36: {  	p1 =	seq.s32 s10, $0x1;
	s10 =	sld [smem:$0x3FB4];
	_ =	sdelay $0x3  }
0x37: {  	[smem:$0x3FB4] =	sst s10  }
0x38: {  	s10 =	sld [smem:$0x3FB5]  }
0x39: {  	_ = 	snop;
	(pc) =	sbr.ind lr, $3  }
0x3a: {  	_ = 	snop  }
0x3b: {  	_ = 	snop  }
0x3c: {  	p2 =	seq.s32 s10, $0x1;
	s10 =	sld [smem:$0x3FB4]  }
0x3d: {  	_ =	shalt  }
0x3e: {  	_ =	shalt  }
0x3f: {  	_ =	shalt  }
0x40: {  	_ =	shalt  }
0x41: {  	_ =	shalt  }
0x42: {  	_ =	shalt  }
0x43: {  	_ =	shalt  }
0x44: {  	_ =	shalt  }
0x45: {  	_ =	shalt  }
0x46: {  	_ =	shalt  }
0x47: {  	_ =	shalt  }
0x48: {  	_ =	shalt  }
0x49: {  	_ =	shalt  }
0x4a: {  	_ =	shalt  }
0x4b: {  	_ =	shalt  }
0x4c: {  	_ =	shalt  }
0x4d: {  	_ =	shalt  }
0x4e: {  	_ =	shalt  }
0x4f: {  	_ =	shalt  }
0x50: {  	_ =	shalt  }
0x51: {  	_ =	shalt  }
0x52: {  	_ =	shalt  }
0x53: {  	_ =	shalt  }
0x54: {  	_ =	shalt  }
0x55: {  	_ =	shalt  }
0x56: {  	_ =	shalt  }
0x57: {  	_ =	shalt  }
0x58: {  	_ =	shalt  }
0x59: {  	_ =	shalt  }
0x5a: {  	_ =	shalt  }
0x5b: {  	_ =	shalt  }
0x5c: {  	_ =	shalt  }
0x5d: {  	_ =	shalt  }
0x5e: {  	_ =	shalt  }
0x5f: {  	_ =	shalt  }
0x60: {  	_ =	shalt  }
0x61: {  	_ =	shalt  }
0x62: {  	_ =	shalt  }
0x63: {  	_ =	shalt  }
0x64: {  	_ =	shalt  }
0x65: {  	_ =	shalt  }
0x66: {  	_ =	shalt  }
0x67: {  	_ =	shalt  }
0x68: {  	_ =	shalt  }
0x69: {  	_ =	shalt  }
0x6a: {  	_ =	shalt  }
0x6b: {  	_ =	shalt  }
0x6c: {  	_ =	shalt  }
0x6d: {  	_ =	shalt  }
0x6e: {  	_ =	shalt  }
0x6f: {  	_ =	shalt  }
0x70: {  	_ =	shalt  }
0x71: {  	_ =	shalt  }
0x72: {  	_ =	shalt  }
0x73: {  	_ =	shalt  }
0x74: {  	_ =	shalt  }
0x75: {  	_ =	shalt  }
0x76: {  	_ =	shalt  }
0x77: {  	_ =	shalt  }
0x78: {  	_ =	shalt  }
0x79: {  	_ =	shalt  }
0x7a: {  	_ =	shalt  }
0x7b: {  	_ =	shalt  }
0x7c: {  	_ =	shalt  }
0x7d: {  	_ =	shalt  }
0x7e: {  	_ =	shalt  }
0x7f: {  	_ =	shalt  }
0x80: {  	_ =	shalt  }
0x81: {  	_ =	shalt  }
0x82: {  	_ =	shalt  }
0x83: {  	_ =	shalt  }
0x84: {  	_ =	shalt  }
0x85: {  	_ =	shalt  }
0x86: {  	_ =	shalt  }
0x87: {  	_ =	shalt  }
.Lfunc_end0:
.L_simem_size_0:
called_computation.1_lowered:
.L_overlay_start_0:
0x88: {  	s2 =	sld [smem:$0x3FD9]  }
0x89: {  	s3 =	sld [smem:$0x3FFE];
	_ =	sdelay $0x1  }
0x8a: {  	s1 =	srdreg.scid  }
0x8b: {  	s0 =	sand.u32 $0x1, s1  }
0x8c: {  	s16 =	sshll.u32 s0, $0xA;
	s2 =	sadd.s32 s3, s2  }
0x8d: {  	s2 =	sadd.s32 s2, s16  }
0x8e: {  	[smem:$0x3FC0] =	sst s2  }
0x8f: {  	_ = 	snop  }
0x90: {  	(tm) =	ssettm $0x1  }
0x91: {  	s17 =	sld [smem:$0x3FFB];
	_ =	sdelay $0x3  }
0x92: {  	_ =	strace s17  }
0x93: {  	s2 =	sld [smem:$0x3FFC];
	_ =	sdelay $0x3  }
0x94: {  	_ =	strace s2  }
0x95: {  	s2 =	sld [smem:$0x3FFD];
	_ =	sdelay $0x3  }
0x96: {  	_ =	strace s2  }
0x97: {  	_ =	strace $0x8FFFFFFF  }
0x98: {  	s18 =	sld [smem:$0x3FDB];
	_ =	sdelay $0x1  }
0x99: {  	s19 =	simm.s32 $_scs_section_size  }
0x9a: {  	s4 =	simm.s32 $_size__tile_overlayer_lowered;
	s5 =	simm.s32 $_tile_overlayer_lowered  }
0x9b: {  	s22 =	simm.s32 $0x1BFF;
	s21 =	sshll.u32 s5, $0x1;
	s2 =	sadd.s32 s19, s18  }
0x9c: {  	s6 =	simm.s32 $0x0;
	s20 =	sshll.u32 s4, $0x1;
	s4 =	sadd.s32 s21, s2  }
0x9d: {  	[timem:s6], [sflag:s22] =	dma.local [hbm:s4], s20  }
0x9e: {  	_ =	swait.ge [sflag:s22], s20  }
0x9f: {  	s3 =	ssub.s32 $0x0, s20;
	[sflag:s22] =	ssyncset.done $0x0  }
0xa0: {  	[sflag:s22] =	ssyncadd.s32 s3;
	_ =	sdelay $0x1  }
0xa1: {  	s23 =	simm.s32 $0x1B8B  }
0xa2: {  	_ =	swait.ge [sflag:s23], $0x1  }
0xa3: {  	[sflag:s23] =	ssyncset.done $0x0  }
0xa4: {  	s25 =	simm.s32 $0x1B8E;
	s24 =	sld [smem:$0x3FFE];
	[sflag:s23] =	ssyncadd.s32 $0xFFFFFFFF  }
0xa5: {  	s26 =	simm.s32 $execute0_lowered;
	[smem:$0x3FD2] =	sst s25  }
0xa6: {  	s4 =	sshll.u32 s26, $0x1;
	_ =	strace $0x80000049;
	[dreg:$0x1] =	wrdreg $0xFFFFFFFF  }
0xa7: {  	s28 =	simm.s32 $_size_execute0_lowered;
	s2 =	sadd.s32 s2, s4;
	[dreg:$0x0] =	wrdreg $0x0  }
0xa8: {  	s4 =	sshll.u32 s28, $0x1;
	[dreg:$0x2] =	wrdreg s2  }
0xa9: {  	[dreg:$0x3] =	wrdreg s4  }
0xaa: {  	[dreg:$0x4] =	wrdreg $0xC0  }
0xab: {  	_ =	task [dreg:s6], $0x5FFFF  }
0xac: {  	[dreg:$0x1] =	wrdreg $0xFFFFFFFF  }
0xad: {  	[dreg:$0x0] =	wrdreg $0x60  }
0xae: {  	[dreg:$0x2] =	wrdreg s24  }
0xaf: {  	[dreg:$0x3] =	wrdreg $0xB8000  }
0xb0: {  	[dreg:$0x4] =	wrdreg $0x9  }
0xb1: {  	_ =	task.clear_ibuf [dreg:s6], $0x5FFFF;
	_ =	strace $0x90000049  }
0xb2: {  	s29 =	simm.s32 $0x9;
	_ =	strace $0x8000004B  }
0xb3: {  	_ =	swait.ge [sflag:s29], $0x1  }
0xb4: {  	[sflag:s29] =	ssyncadd.s32 $0xFFFFFFFF  }
0xb5: {  	_ =	strace $0x9000004B  }
0xb6: {  	_ =	sfence  }
0xb7: {  	s30 =	sld [smem:$0x0];
	_ =	sdelay $0x2  }
0xb8: {  	s31 =	sshll.u32 s1, $0xD;
	s1 =	sshrl.u32 s1, $0x2  }
0xb9: {  	s3 =	sand.u32 $0x4000, s31;
	s1 =	sadd.s32 s1, s30  }
0xba: {  	s0 =	sor.u32 s3, s0;
	s1 =	sshll.u32 s1, $0x11  }
0xbb: {  	s0 =	sor.u32 s1, s0  }
0xbc: {  	s0 =	sadd.s32 $0x8F2B, s0  }
0xbd: {  	[sflag:s0] =	ssyncadd.remote.s32 $0x1  }
0xbe: {  	_ =	sfence.sel $0xFFFF  }
0xbf: {  	[dreg:$0x0] =	wrdreg $0xFFFFFFFF;
	(pc) =	sbr.abs _section_cstart, $3  }
0xc0: {  	[dreg:$0x1] =	wrdreg $0xFFFFFFFF  }
0xc1: {  	_ =	task.clear_ibuf [dreg:s6], $0x2FFFF;
	_ =	strace $0x9FFFFFFF  }
0xc2: {  	(tm) =	ssettm $0x7FFFFFFF  }
0xc3: {  	_ =	shalt  }
tec
execute0_lowered:
.L_overlay_start_1:
0x0: {  	(tag) =	ssettag $0x1  }
0x1: {  	s0 =	rddreg [dreg:$0x0]  }
0x2: {  	s1 =	srdreg.scid;
	s10 =	stileid.u32  }
0x3: {  	s2 =	rddreg [dreg:$0x1];
	s3 =	simm.s32 $0x0;
	s6 =	smul.u32 $0x14000, s10  }
0x4: {  	s1 =	sand.u32 $0x1, s1;
	s7 =	smul.u32 $0x50000, s10;
	s10 =	sshll.u32 s10, $0x1  }
0x5: {  	s5 =	smul.u32 $0x140000, s1;
	s12 =	ssub.s32 $0x2, s1;
	s1 =	sor.u32 s1, s10  }
0x6: {  	[smem:$0x7FF] =	sst s3;
	s4 =	sadd.s32 $0x15C00, s0;
	s20 =	smul.u32 $0x2800, s1  }
0x7: {  	s11 =	sadd.s32 $0x1C00, s0;
	s1 =	smul.u32 $0x500, s1;
	s5 =	sadd.s32 s6, s5  }
0x8: {  	s8 =	sadd.s32 $0xBC00, s0;
	s7 =	sshrl.u32 s7, $0x2;
	s5 =	sshrl.u32 s5, $0x3  }
0x9: {  	s26 =	sadd.s32 s11, s1;
	s0 =	sadd.s32 s5, s0;
	s5 =	sadd.s32 s7, s2  }
0xa: {  	_ =	strace $0x8000004A;
	[dreg:$0x10] =	wrdreg s26;
	s7 =	sadd.s32 $0x1000, s5  }
0xb: {  	s13 =	sadd.s32 $0x2000, s5;
	[dreg:$0x3] =	wrdreg s7  }
0xc: {  	s10 =	simm.s32 $0x80;
	s14 =	sadd.s32 $0x3000, s5;
	[dreg:$0x4] =	wrdreg s13  }
0xd: {  	s9 =	sshrl.u32 s12, $0x1;
	s15 =	sadd.s32 $0x4000, s5;
	[dreg:$0x5] =	wrdreg s14  }
0xe: {  	s9 =	ssub.s32 s12, s9;
	s16 =	sadd.s32 $0x5000, s5;
	[dreg:$0x6] =	wrdreg s15  }
0xf: {  	s6 =	simm.s32 $0x1400;
	s17 =	sadd.s32 $0x6000, s5;
	[dreg:$0x7] =	wrdreg s16  }
0x10: {  	s12 =	simm.s32 $0x2;
	s18 =	sadd.s32 $0x7000, s5;
	[dreg:$0x8] =	wrdreg s17  }
0x11: {  	s19 =	sadd.s32 $0x8000, s5;
	s21 =	sadd.s32 $0x9000, s5;
	[dreg:$0x9] =	wrdreg s18  }
0x12: {  	s22 =	sadd.s32 $0xA000, s5;
	s23 =	sadd.s32 $0xB000, s5;
	[dreg:$0xa] =	wrdreg s19  }
0x13: {  	s24 =	sadd.s32 $0xC000, s5;
	s25 =	sadd.s32 $0xD000, s5;
	[dreg:$0xb] =	wrdreg s21  }
0x14: {  	s26 =	sadd.s32 $0xF000, s5;
	s28 =	sadd.s32 $0x10000, s5;
	[dreg:$0xc] =	wrdreg s22  }
0x15: {  	s29 =	sadd.s32 $0x11000, s5;
	s30 =	sadd.s32 $0x12000, s5;
	[dreg:$0xd] =	wrdreg s23  }
0x16: {  	s31 =	sadd.s32 $0x13000, s5;
	[dreg:$0xe] =	wrdreg s24;
	s7 =	sshrl.u32 s20, $0x3  }
0x17: {  	[dreg:$0xf] =	wrdreg s25;
	s20 =	sadd.s32 s8, s1;
	s23 =	sadd.s32 $0xE000, s5  }
0x18: {  	s24 =	sadd.s32 $0xB5C00, s0;
	s25 =	smax.u32 s9, $0x1;
	s0 =	simm.s32 $0xA800  }
0x19: {  	s1 =	simm.s32 $0x5;
	s9 =	simm.s32 $0x1;
	s13 =	simm.s32 $0x3  }
0x1a: {  	s14 =	simm.s32 $0x4;
	s15 =	simm.s32 $0x2780;
	s7 =	sadd.s32 $0x280, s7  }
0x1b: {  	s16 =	simm.s32 $0x0;
	s21 =	sadd.s32 s11, s7;
	s22 =	sadd.s32 s8, s7  }
0x1c: {  	v0 =	vimm.f32 $0.0e+00;
	s7 =	simm.s32 $0x7D;
	s8 =	simm.s32 $0x2800;
	s11 =	simm.s32 $0x6800  }
.LBB2_1:
0x1d: {  	s17 =	simm.s32 $0x0;
	s18 =	simm.s32 $0x200  }
.LBB2_2:
0x1e: {  	p0 =	sne.s32 s18, $0x3E00;
	[tilespmem:s17+$0xA870] =	vst v0  }
0x1f: {  	[tilespmem:s17+$0xA800] =	vst v0  }
0x20: {  	[tilespmem:s17+$0xA810] =	vst v0  }
.Ltmp0:
0x21: {  	[tilespmem:s17+$0xA820] =	vst v0;
	(pc) =	sbr.rel @p0 .LBB2_2-.Ltmp0, $4  }
0x22: {  	[tilespmem:s17+$0xA830] =	vst v0  }
0x23: {  	[tilespmem:s17+$0xA840] =	vst v0  }
0x24: {  	[tilespmem:s17+$0xA850] =	vst v0  }
0x25: {  	[tilespmem:s17+$0xA860] =	vst v0;
	s17 =	sshra.s32 s18, $0x2;
	s18 =	sadd.s32 $0x200, s18  }
0x26: {  	[tilespmem:s17+$0xA870] =	vst v0  }
0x27: {  	[tilespmem:s17+$0xA800] =	vst v0  }
0x28: {  	[tilespmem:s17+$0xA810] =	vst v0  }
0x29: {  	[tilespmem:s17+$0xA820] =	vst v0  }
0x2a: {  	[tilespmem:s17+$0xA830] =	vst v0  }
0x2b: {  	[tilespmem:s17+$0xA840] =	vst v0  }
0x2c: {  	[tilespmem:s17+$0xA850] =	vst v0  }
0x2d: {  	[tilespmem:s17+$0xA860] =	vst v0  }
0x2e: {  	[spmem:s5] =	stream.linear.scatter [tilespmem:s0], [sflag:$0x5], $0x1000, $0x38;
	[tilespmem:$0x1F800] =	vst v63  }
0x2f: {  	_ =	swait.ge [sflag:s1], $0x1000  }
0x30: {  	[sflag:s1] =	ssyncset.done $0x0  }
0x31: {  	s19 =	rddreg [dreg:$0x3];
	[sflag:s1] =	ssyncadd.s32 $0xFFFFF000  }
0x32: {  	[spmem:s19] =	stream.linear.scatter [tilespmem:s0], [sflag:$0x5], $0x1000, $0x38;
	[tilespmem:$0x1F800] =	vst v63  }
0x33: {  	_ =	swait.ge [sflag:s1], $0x1000  }
0x34: {  	[sflag:s1] =	ssyncset.done $0x0  }
0x35: {  	s18 =	rddreg [dreg:$0x4];
	[sflag:s1] =	ssyncadd.s32 $0xFFFFF000  }
0x36: {  	[spmem:s18] =	stream.linear.scatter [tilespmem:s0], [sflag:$0x5], $0x1000, $0x38;
	[tilespmem:$0x1F800] =	vst v63  }
0x37: {  	_ =	swait.ge [sflag:s1], $0x1000  }
0x38: {  	[sflag:s1] =	ssyncset.done $0x0  }
0x39: {  	s19 =	rddreg [dreg:$0x5];
	[sflag:s1] =	ssyncadd.s32 $0xFFFFF000  }
0x3a: {  	[spmem:s19] =	stream.linear.scatter [tilespmem:s0], [sflag:$0x5], $0x1000, $0x38;
	[tilespmem:$0x1F800] =	vst v63  }
0x3b: {  	_ =	swait.ge [sflag:s1], $0x1000  }
0x3c: {  	[sflag:s1] =	ssyncset.done $0x0  }
0x3d: {  	s18 =	rddreg [dreg:$0x6];
	[sflag:s1] =	ssyncadd.s32 $0xFFFFF000  }
0x3e: {  	[spmem:s18] =	stream.linear.scatter [tilespmem:s0], [sflag:$0x5], $0x1000, $0x38;
	[tilespmem:$0x1F800] =	vst v63  }
0x3f: {  	_ =	swait.ge [sflag:s1], $0x1000  }
0x40: {  	[sflag:s1] =	ssyncset.done $0x0  }
0x41: {  	s19 =	rddreg [dreg:$0x7];
	[sflag:s1] =	ssyncadd.s32 $0xFFFFF000  }
0x42: {  	[spmem:s19] =	stream.linear.scatter [tilespmem:s0], [sflag:$0x5], $0x1000, $0x38;
	[tilespmem:$0x1F800] =	vst v63  }
0x43: {  	_ =	swait.ge [sflag:s1], $0x1000  }
0x44: {  	[sflag:s1] =	ssyncset.done $0x0  }
0x45: {  	s18 =	rddreg [dreg:$0x8];
	[sflag:s1] =	ssyncadd.s32 $0xFFFFF000  }
0x46: {  	[spmem:s18] =	stream.linear.scatter [tilespmem:s0], [sflag:$0x5], $0x1000, $0x38;
	[tilespmem:$0x1F800] =	vst v63  }
0x47: {  	_ =	swait.ge [sflag:s1], $0x1000  }
0x48: {  	[sflag:s1] =	ssyncset.done $0x0  }
0x49: {  	s19 =	rddreg [dreg:$0x9];
	[sflag:s1] =	ssyncadd.s32 $0xFFFFF000  }
0x4a: {  	[spmem:s19] =	stream.linear.scatter [tilespmem:s0], [sflag:$0x5], $0x1000, $0x38;
	[tilespmem:$0x1F800] =	vst v63  }
0x4b: {  	_ =	swait.ge [sflag:s1], $0x1000  }
0x4c: {  	[sflag:s1] =	ssyncset.done $0x0  }
0x4d: {  	s18 =	rddreg [dreg:$0xa];
	[sflag:s1] =	ssyncadd.s32 $0xFFFFF000  }
0x4e: {  	[spmem:s18] =	stream.linear.scatter [tilespmem:s0], [sflag:$0x5], $0x1000, $0x38;
	[tilespmem:$0x1F800] =	vst v63  }
0x4f: {  	_ =	swait.ge [sflag:s1], $0x1000  }
0x50: {  	[sflag:s1] =	ssyncset.done $0x0  }
0x51: {  	s19 =	rddreg [dreg:$0xb];
	[sflag:s1] =	ssyncadd.s32 $0xFFFFF000  }
0x52: {  	[spmem:s19] =	stream.linear.scatter [tilespmem:s0], [sflag:$0x5], $0x1000, $0x38;
	[tilespmem:$0x1F800] =	vst v63  }
0x53: {  	_ =	swait.ge [sflag:s1], $0x1000  }
0x54: {  	[sflag:s1] =	ssyncset.done $0x0  }
0x55: {  	s18 =	rddreg [dreg:$0xc];
	[sflag:s1] =	ssyncadd.s32 $0xFFFFF000  }
0x56: {  	[spmem:s18] =	stream.linear.scatter [tilespmem:s0], [sflag:$0x5], $0x1000, $0x38;
	[tilespmem:$0x1F800] =	vst v63  }
0x57: {  	_ =	swait.ge [sflag:s1], $0x1000  }
0x58: {  	[sflag:s1] =	ssyncset.done $0x0  }
0x59: {  	s19 =	rddreg [dreg:$0xd];
	[sflag:s1] =	ssyncadd.s32 $0xFFFFF000  }
0x5a: {  	[spmem:s19] =	stream.linear.scatter [tilespmem:s0], [sflag:$0x5], $0x1000, $0x38;
	[tilespmem:$0x1F800] =	vst v63  }
0x5b: {  	_ =	swait.ge [sflag:s1], $0x1000  }
0x5c: {  	[sflag:s1] =	ssyncset.done $0x0  }
0x5d: {  	s18 =	rddreg [dreg:$0xe];
	[sflag:s1] =	ssyncadd.s32 $0xFFFFF000  }
0x5e: {  	[spmem:s18] =	stream.linear.scatter [tilespmem:s0], [sflag:$0x5], $0x1000, $0x38;
	[tilespmem:$0x1F800] =	vst v63  }
0x5f: {  	_ =	swait.ge [sflag:s1], $0x1000  }
0x60: {  	[sflag:s1] =	ssyncset.done $0x0  }
0x61: {  	s19 =	rddreg [dreg:$0xf];
	[sflag:s1] =	ssyncadd.s32 $0xFFFFF000  }
0x62: {  	[spmem:s19] =	stream.linear.scatter [tilespmem:s0], [sflag:$0x5], $0x1000, $0x38;
	[tilespmem:$0x1F800] =	vst v63  }
0x63: {  	_ =	swait.ge [sflag:s1], $0x1000  }
0x64: {  	[sflag:s1] =	ssyncset.done $0x0  }
0x65: {  	[sflag:s1] =	ssyncadd.s32 $0xFFFFF000  }
0x66: {  	[spmem:s23] =	stream.linear.scatter [tilespmem:s0], [sflag:$0x5], $0x1000, $0x38;
	[tilespmem:$0x1F800] =	vst v63  }
0x67: {  	_ =	swait.ge [sflag:s1], $0x1000  }
0x68: {  	[sflag:s1] =	ssyncset.done $0x0  }
0x69: {  	[sflag:s1] =	ssyncadd.s32 $0xFFFFF000  }
0x6a: {  	[spmem:s26] =	stream.linear.scatter [tilespmem:s0], [sflag:$0x5], $0x1000, $0x38;
	[tilespmem:$0x1F800] =	vst v63  }
0x6b: {  	_ =	swait.ge [sflag:s1], $0x1000  }
0x6c: {  	[sflag:s1] =	ssyncset.done $0x0  }
0x6d: {  	[sflag:s1] =	ssyncadd.s32 $0xFFFFF000  }
0x6e: {  	[spmem:s28] =	stream.linear.scatter [tilespmem:s0], [sflag:$0x5], $0x1000, $0x38;
	[tilespmem:$0x1F800] =	vst v63  }
0x6f: {  	_ =	swait.ge [sflag:s1], $0x1000  }
0x70: {  	[sflag:s1] =	ssyncset.done $0x0  }
0x71: {  	[sflag:s1] =	ssyncadd.s32 $0xFFFFF000  }
0x72: {  	[spmem:s29] =	stream.linear.scatter [tilespmem:s0], [sflag:$0x5], $0x1000, $0x38;
	[tilespmem:$0x1F800] =	vst v63  }
0x73: {  	_ =	swait.ge [sflag:s1], $0x1000  }
0x74: {  	[sflag:s1] =	ssyncset.done $0x0  }
0x75: {  	[sflag:s1] =	ssyncadd.s32 $0xFFFFF000  }
0x76: {  	[spmem:s30] =	stream.linear.scatter [tilespmem:s0], [sflag:$0x5], $0x1000, $0x38;
	[tilespmem:$0x1F800] =	vst v63  }
0x77: {  	_ =	swait.ge [sflag:s1], $0x1000  }
0x78: {  	[sflag:s1] =	ssyncset.done $0x0  }
0x79: {  	[sflag:s1] =	ssyncadd.s32 $0xFFFFF000  }
0x7a: {  	[spmem:s31] =	stream.linear.scatter [tilespmem:s0], [sflag:$0x5], $0x1000, $0x38;
	[tilespmem:$0x1F800] =	vst v63  }
0x7b: {  	_ =	swait.ge [sflag:s1], $0x1000  }
0x7c: {  	[sflag:s1] =	ssyncset.done $0x0  }
0x7d: {  	[sflag:s1] =	ssyncadd.s32 $0xFFFFF000  }
0x7e: {  	[bflag:$0x0] =	sbarrier.arrive $0xFFFF  }
0x7f: {  	s18 =	rddreg [dreg:$0x10]  }
0x80: {  	[tilespmem:s3], [sflag:$0x5] =	stream.linear.gather [hbm4b:s18+s3], $0x1400, $0x38;
	[tilespmem:$0x1F800] =	vst v63  }
0x81: {  	_ =	swait.ge [sflag:s1], $0x1400  }
0x82: {  	[sflag:s1] =	ssyncset.done $0x0  }
0x83: {  	[sflag:s1] =	ssyncadd.s32 $0xFFFFEC00  }
0x84: {  	[tilespmem:s6], [sflag:$0x5] =	stream.linear.gather [hbm4b:s20+s3], $0x1400, $0x38;
	[tilespmem:$0x1F800] =	vst v63  }
0x85: {  	_ =	swait.ge [sflag:s1], $0x1400  }
0x86: {  	[sflag:s1] =	ssyncset.done $0x0  }
0x87: {  	[sflag:s1] =	ssyncadd.s32 $0xFFFFEC00  }
0x88: {  	[tilespmem:s8], [sflag:$0x1] =	stream.indirect.gather [hbm4b:s4+s7], $0x80, s3, s7, $0xb8;
	[tilespmem:$0x1F800] =	vst v63  }
0x89: {  	_ =	swait.ge [sflag:s9], $0x3E80  }
0x8a: {  	[sflag:s9] =	ssyncset.done $0x0  }
0x8b: {  	[sflag:s9] =	ssyncadd.s32 $0xFFFFC180  }
0x8c: {  	[spmem:s2] =	stream.indirect.scatter.add.f32 [tilespmem:s8], [sflag:$0x3], $0x80, s6, s7, $0xb8;
	[tilespmem:$0x1F800] =	vst v63  }
0x8d: {  	_ = 	snop  }
0x8e: {  	[tilespmem:s11], [sflag:$0x2] =	stream.indirect.gather [hbm4b:s4+s7], $0x80, s10, s7, $0xb8;
	[tilespmem:$0x1F800] =	vst v63  }
0x8f: {  	_ =	swait.ge [sflag:s12], $0x3E80  }
0x90: {  	[sflag:s12] =	ssyncset.done $0x0  }
0x91: {  	s19 =	simm.s32 $0x1480;
	[sflag:s12] =	ssyncadd.s32 $0xFFFFC180  }
0x92: {  	[spmem:s2] =	stream.indirect.scatter.add.f32 [tilespmem:s11], [sflag:$0x4], $0x80, s19, s7, $0xb8;
	[tilespmem:$0x1F800] =	vst v63  }
0x93: {  	_ =	swait.ge [sflag:s13], $0x3E80  }
0x94: {  	[sflag:s13] =	ssyncset.done $0x0  }
0x95: {  	s18 =	simm.s32 $0x100;
	[sflag:s13] =	ssyncadd.s32 $0xFFFFC180  }
0x96: {  	[tilespmem:s8], [sflag:$0x1] =	stream.indirect.gather [hbm4b:s4+s7], $0x80, s18, s7, $0xb8;
	[tilespmem:$0x1F800] =	vst v63  }
0x97: {  	_ =	swait.ge [sflag:s9], $0x3E80  }
0x98: {  	[sflag:s9] =	ssyncset.done $0x0  }
0x99: {  	s19 =	simm.s32 $0x1500;
	[sflag:s9] =	ssyncadd.s32 $0xFFFFC180  }
0x9a: {  	[spmem:s2] =	stream.indirect.scatter.add.f32 [tilespmem:s8], [sflag:$0x3], $0x80, s19, s7, $0xb8;
	[tilespmem:$0x1F800] =	vst v63  }
0x9b: {  	_ =	swait.ge [sflag:s14], $0x3E80  }
0x9c: {  	[sflag:s14] =	ssyncset.done $0x0  }
0x9d: {  	s17 =	simm.s32 $0xFFFFB800;
	s18 =	simm.s32 $0x180;
	[sflag:s14] =	ssyncadd.s32 $0xFFFFC180  }
.LBB2_4:
0x9e: {  	[tilespmem:s11], [sflag:$0x2] =	stream.indirect.gather [hbm4b:s4+s7], $0x80, s18, s7, $0xb8;
	[tilespmem:$0x1F800] =	vst v63  }
0x9f: {  	s18 =	smov.u32 s17  }
0xa0: {  	p0 =	sne.s32 s17, $0xFFFFFC00;
	s17 =	sadd.s32 $0x400, s17;
	_ =	swait.ge [sflag:s12], $0x3E80  }
0xa1: {  	s18 =	sshra.s32 s18, $0x2;
	[sflag:s12] =	ssyncset.done $0x0  }
0xa2: {  	s19 =	sadd.s32 $0x2780, s18;
	[sflag:s12] =	ssyncadd.s32 $0xFFFFC180  }
0xa3: {  	[spmem:s2] =	stream.indirect.scatter.add.f32 [tilespmem:s11], [sflag:$0x4], $0x80, s19, s7, $0xb8;
	[tilespmem:$0x1F800] =	vst v63  }
0xa4: {  	_ =	swait.ge [sflag:s13], $0x3E80  }
0xa5: {  	[sflag:s13] =	ssyncset.done $0x0  }
0xa6: {  	s19 =	sadd.s32 $0x1400, s18;
	[sflag:s13] =	ssyncadd.s32 $0xFFFFC180  }
0xa7: {  	[tilespmem:s8], [sflag:$0x1] =	stream.indirect.gather [hbm4b:s4+s7], $0x80, s19, s7, $0xb8;
	[tilespmem:$0x1F800] =	vst v63  }
0xa8: {  	_ =	swait.ge [sflag:s9], $0x3E80  }
0xa9: {  	[sflag:s9] =	ssyncset.done $0x0  }
.Ltmp1:
0xaa: {  	s19 =	sadd.s32 $0x2800, s18;
	[sflag:s9] =	ssyncadd.s32 $0xFFFFC180;
	(pc) =	sbr.rel @p0 .LBB2_4-.Ltmp1, $4  }
0xab: {  	[spmem:s2] =	stream.indirect.scatter.add.f32 [tilespmem:s8], [sflag:$0x3], $0x80, s19, s7, $0xb8;
	[tilespmem:$0x1F800] =	vst v63  }
0xac: {  	_ =	swait.ge [sflag:s14], $0x3E80  }
0xad: {  	[sflag:s14] =	ssyncset.done $0x0  }
0xae: {  	s18 =	sadd.s32 $0x1480, s18;
	[sflag:s14] =	ssyncadd.s32 $0xFFFFC180  }
0xaf: {  	[tilespmem:s11], [sflag:$0x2] =	stream.indirect.gather [hbm4b:s4+s7], $0x80, s18, s7, $0xb8;
	[tilespmem:$0x1F800] =	vst v63  }
0xb0: {  	_ =	swait.ge [sflag:s12], $0x3E80  }
0xb1: {  	[sflag:s12] =	ssyncset.done $0x0  }
0xb2: {  	[sflag:s12] =	ssyncadd.s32 $0xFFFFC180  }
0xb3: {  	[spmem:s2] =	stream.indirect.scatter.add.f32 [tilespmem:s11], [sflag:$0x4], $0x80, s15, s7, $0xb8;
	[tilespmem:$0x1F800] =	vst v63  }
0xb4: {  	_ =	swait.ge [sflag:s13], $0x3E80  }
0xb5: {  	[sflag:s13] =	ssyncset.done $0x0  }
0xb6: {  	[sflag:s13] =	ssyncadd.s32 $0xFFFFC180  }
0xb7: {  	_ =	swait.ge [sflag:s14], $0x3E80  }
0xb8: {  	[sflag:s14] =	ssyncset.done $0x0  }
0xb9: {  	[sflag:s14] =	ssyncadd.s32 $0xFFFFC180  }
0xba: {  	[tilespmem:s3], [sflag:$0x5] =	stream.linear.gather [hbm4b:s21+s3], $0x1400, $0x38;
	[tilespmem:$0x1F800] =	vst v63  }
0xbb: {  	_ =	swait.ge [sflag:s1], $0x1400  }
0xbc: {  	[sflag:s1] =	ssyncset.done $0x0  }
0xbd: {  	[sflag:s1] =	ssyncadd.s32 $0xFFFFEC00  }
0xbe: {  	[tilespmem:s6], [sflag:$0x5] =	stream.linear.gather [hbm4b:s22+s3], $0x1400, $0x38;
	[tilespmem:$0x1F800] =	vst v63  }
0xbf: {  	_ =	swait.ge [sflag:s1], $0x1400  }
0xc0: {  	[sflag:s1] =	ssyncset.done $0x0  }
0xc1: {  	[sflag:s1] =	ssyncadd.s32 $0xFFFFEC00  }
0xc2: {  	[tilespmem:s8], [sflag:$0x1] =	stream.indirect.gather [hbm4b:s4+s7], $0x80, s3, s7, $0xb8;
	[tilespmem:$0x1F800] =	vst v63  }
0xc3: {  	_ =	swait.ge [sflag:s9], $0x3E80  }
0xc4: {  	[sflag:s9] =	ssyncset.done $0x0  }
0xc5: {  	[sflag:s9] =	ssyncadd.s32 $0xFFFFC180  }
0xc6: {  	[spmem:s2] =	stream.indirect.scatter.add.f32 [tilespmem:s8], [sflag:$0x3], $0x80, s6, s7, $0xb8;
	[tilespmem:$0x1F800] =	vst v63  }
0xc7: {  	_ = 	snop  }
0xc8: {  	[tilespmem:s11], [sflag:$0x2] =	stream.indirect.gather [hbm4b:s4+s7], $0x80, s10, s7, $0xb8;
	[tilespmem:$0x1F800] =	vst v63  }
0xc9: {  	_ =	swait.ge [sflag:s12], $0x3E80  }
0xca: {  	[sflag:s12] =	ssyncset.done $0x0  }
0xcb: {  	s17 =	simm.s32 $0x1480;
	[sflag:s12] =	ssyncadd.s32 $0xFFFFC180  }
0xcc: {  	[spmem:s2] =	stream.indirect.scatter.add.f32 [tilespmem:s11], [sflag:$0x4], $0x80, s17, s7, $0xb8;
	[tilespmem:$0x1F800] =	vst v63  }
0xcd: {  	_ =	swait.ge [sflag:s13], $0x3E80  }
0xce: {  	[sflag:s13] =	ssyncset.done $0x0  }
0xcf: {  	s18 =	simm.s32 $0x100;
	[sflag:s13] =	ssyncadd.s32 $0xFFFFC180  }
0xd0: {  	[tilespmem:s8], [sflag:$0x1] =	stream.indirect.gather [hbm4b:s4+s7], $0x80, s18, s7, $0xb8;
	[tilespmem:$0x1F800] =	vst v63  }
0xd1: {  	_ =	swait.ge [sflag:s9], $0x3E80  }
0xd2: {  	[sflag:s9] =	ssyncset.done $0x0  }
0xd3: {  	s19 =	simm.s32 $0x1500;
	[sflag:s9] =	ssyncadd.s32 $0xFFFFC180  }
0xd4: {  	[spmem:s2] =	stream.indirect.scatter.add.f32 [tilespmem:s8], [sflag:$0x3], $0x80, s19, s7, $0xb8;
	[tilespmem:$0x1F800] =	vst v63  }
0xd5: {  	_ =	swait.ge [sflag:s14], $0x3E80  }
0xd6: {  	[sflag:s14] =	ssyncset.done $0x0  }
0xd7: {  	s17 =	simm.s32 $0xFFFFB800;
	s18 =	simm.s32 $0x180;
	[sflag:s14] =	ssyncadd.s32 $0xFFFFC180  }
.LBB2_6:
0xd8: {  	[tilespmem:s11], [sflag:$0x2] =	stream.indirect.gather [hbm4b:s4+s7], $0x80, s18, s7, $0xb8;
	[tilespmem:$0x1F800] =	vst v63  }
0xd9: {  	s18 =	smov.u32 s17  }
0xda: {  	p0 =	sne.s32 s17, $0xFFFFFC00;
	s17 =	sadd.s32 $0x400, s17;
	_ =	swait.ge [sflag:s12], $0x3E80  }
0xdb: {  	s18 =	sshra.s32 s18, $0x2;
	[sflag:s12] =	ssyncset.done $0x0  }
0xdc: {  	s19 =	sadd.s32 $0x2780, s18;
	[sflag:s12] =	ssyncadd.s32 $0xFFFFC180  }
0xdd: {  	[spmem:s2] =	stream.indirect.scatter.add.f32 [tilespmem:s11], [sflag:$0x4], $0x80, s19, s7, $0xb8;
	[tilespmem:$0x1F800] =	vst v63  }
0xde: {  	_ =	swait.ge [sflag:s13], $0x3E80  }
0xdf: {  	[sflag:s13] =	ssyncset.done $0x0  }
0xe0: {  	s19 =	sadd.s32 $0x1400, s18;
	[sflag:s13] =	ssyncadd.s32 $0xFFFFC180  }
0xe1: {  	[tilespmem:s8], [sflag:$0x1] =	stream.indirect.gather [hbm4b:s4+s7], $0x80, s19, s7, $0xb8;
	[tilespmem:$0x1F800] =	vst v63  }
0xe2: {  	_ =	swait.ge [sflag:s9], $0x3E80  }
0xe3: {  	[sflag:s9] =	ssyncset.done $0x0  }
.Ltmp2:
0xe4: {  	s19 =	sadd.s32 $0x2800, s18;
	[sflag:s9] =	ssyncadd.s32 $0xFFFFC180;
	(pc) =	sbr.rel @p0 .LBB2_6-.Ltmp2, $4  }
0xe5: {  	[spmem:s2] =	stream.indirect.scatter.add.f32 [tilespmem:s8], [sflag:$0x3], $0x80, s19, s7, $0xb8;
	[tilespmem:$0x1F800] =	vst v63  }
0xe6: {  	_ =	swait.ge [sflag:s14], $0x3E80  }
0xe7: {  	[sflag:s14] =	ssyncset.done $0x0  }
0xe8: {  	s18 =	sadd.s32 $0x1480, s18;
	[sflag:s14] =	ssyncadd.s32 $0xFFFFC180  }
0xe9: {  	[tilespmem:s11], [sflag:$0x2] =	stream.indirect.gather [hbm4b:s4+s7], $0x80, s18, s7, $0xb8;
	[tilespmem:$0x1F800] =	vst v63  }
0xea: {  	_ =	swait.ge [sflag:s12], $0x3E80  }
0xeb: {  	[sflag:s12] =	ssyncset.done $0x0  }
0xec: {  	[sflag:s12] =	ssyncadd.s32 $0xFFFFC180  }
0xed: {  	[spmem:s2] =	stream.indirect.scatter.add.f32 [tilespmem:s11], [sflag:$0x4], $0x80, s15, s7, $0xb8;
	[tilespmem:$0x1F800] =	vst v63  }
0xee: {  	_ =	swait.ge [sflag:s13], $0x3E80  }
0xef: {  	[sflag:s13] =	ssyncset.done $0x0  }
0xf0: {  	[sflag:s13] =	ssyncadd.s32 $0xFFFFC180  }
0xf1: {  	s17 =	stileid.u32;
	_ =	swait.ge [sflag:s14], $0x3E80  }
0xf2: {  	s19 =	sshrl.u32 s5, $0x3;
	s16 =	sadd.s32 $0x1, s16;
	[sflag:s14] =	ssyncset.done $0x0  }
0xf3: {  	s17 =	sshll.u32 s17, $0x6;
	p0 =	sne.s32 s16, s25;
	[sflag:s14] =	ssyncadd.s32 $0xFFFFC180  }
.Ltmp3:
0xf4: {  	s17 =	sor.u32 $0x1C05, s17;
	[bflag:$0x0] =	sbarrier.arrive $0xFFFF;
	(pc) =	sbr.rel @p0 .LBB2_1-.Ltmp3, $4  }
0xf5: {  	[hbm:s24], [sflag:s17] =	dma.local [spmem:s19], $0x2800  }
0xf6: {  	_ =	swait.ge [sflag:s1], $0x2800  }
0xf7: {  	[sflag:s1] =	ssyncset.done $0x0  }
0xf8: {  	[sflag:s1] =	ssyncadd.s32 $0xFFFFD800  }
0xf9: {  	_ =	sfence.sel $0x180000  }
0xfa: {  	[bflag:$0x0] =	sbarrier.arrive $0xFFFF  }
0xfb: {  	_ =	strace $0x9000004A  }
0xfc: {  	s0 =	stileid.u32;
	[bflag:$0x2] =	sbarrier.arrive $0xFFFF  }
0xfd: {  	p0 =	sne.s32 s0, $0x0;
	s0 =	rddreg [dreg:$0x2]  }
0xfe: {  	s0 =	sadd.s32 @!p0 $0x100000, s0  }
0xff: {  	[sflag:s0] =	ssyncadd.tile.s32 @!p0 $0x1;
	_ =	shalt  }
.Lfunc_end2:
_tile_overlayer_lowered:
.L_overlay_start_2:
0x100: {  	(tag) =	ssettag $0x2  }
0x101: {  	s0 =	rddreg [dreg:$0x0];
	s2 =	stileid.u32  }
0x102: {  	s1 =	rddreg [dreg:$0x1];
	p0 =	sne.s32 s2, $0x0  }
0x103: {  	s3 =	rddreg [dreg:$0x2];
	[bflag:$0x3] =	sbarrier.arrive $0xFFFF;
	s2 =	simm.s32 @!p0 $0x1C05  }
0x104: {  	[timem:s3], [sflag:s2] =	dma.local @!p0 [hbm:s0], s1  }
0x105: {  	s0 =	simm.s32 @!p0 $0x5  }
0x106: {  	_ =	swait.ge @!p0 [sflag:s0], s1  }
0x107: {  	s1 =	ssub.s32 @!p0 $0x0, s1;
	[sflag:s0] =	ssyncset.done @!p0 $0x0  }
0x108: {  	[sflag:s0] =	ssyncadd.s32 @!p0 s1  }
0x109: {  	[bflag:$0x3] =	sbarrier.arrive $0xFFFF  }
0x10a: {  	_ =	shalt  }

</sc_bundles>
